<compile_context>
chip_gen: v7x
topology: tpu7x:2x2x1
jax: 0.10.2.dev20260603
libtpu: 0.0.44.dev20260713+nightly
codegen_flags: <defaults>
</compile_context>

<pallas_src>
import functools

import jax
import jax.numpy as jnp
from jax import lax
from jax.experimental import pallas as pl
from jax.experimental.pallas import tpu as pltpu
from jax.experimental.pallas import tpu_sc as plsc

L = 16
NC = 2
NS = 16
NW = NC * NS
BIG = 0x3FFFFFFF
CHUNK = 2000
NBUF = 3


def _tile_body(preds_hbm, lits_hbm, clauses_hbm, out_hbm,
               preds_v, preds_sh,
               lits_b0, lits_b1, lits_b2, cls_b0, cls_b1, cls_b2, outbuf_v,
               sem0, sem1, sem2,
               *, n_vars, per_tile):
    sid = lax.axis_index("s")
    wid = sid * NC + lax.axis_index("c")
    base = wid * per_tile
    nchunk = per_tile // CHUNK
    lits_b = (lits_b0, lits_b1, lits_b2)
    cls_b = (cls_b0, cls_b1, cls_b2)
    sems = (sem0, sem1, sem2)

    def start_chunk(slot, c):
        off = base + c * CHUNK
        pltpu.make_async_copy(lits_hbm.at[pl.ds(off, CHUNK)],
                              lits_b[slot], sems[slot]).start()
        pltpu.make_async_copy(clauses_hbm.at[pl.ds(off, CHUNK)],
                              cls_b[slot], sems[slot]).start()

    def wait_chunk(slot):
        pltpu.make_async_copy(lits_hbm.at[pl.ds(0, CHUNK)],
                              lits_b[slot], sems[slot]).wait()
        pltpu.make_async_copy(clauses_hbm.at[pl.ds(0, CHUNK)],
                              cls_b[slot], sems[slot]).wait()

    for b in range(NBUF):
        start_chunk(b, b)

    @pl.when(sid == 0)
    def _():
        pltpu.sync_copy(preds_hbm, preds_sh)

    plsc.subcore_barrier()
    pltpu.sync_copy(preds_sh, preds_v)

    iota = lax.iota(jnp.int32, L)
    shift_idx = jnp.maximum(iota - 1, 0)
    last_idx = jnp.full((L,), L - 1, jnp.int32)

    def compute(slot, state):
        def vec_body(i, st):
            carry_vec, cnt_vec, first_vec = st
            lit = lits_b[slot][pl.ds(i * L, L)]
            cls = cls_b[slot][pl.ds(i * L, L)]
            is_pos = lit < n_vars
            var = jnp.where(is_pos, lit, lit - n_vars)
            p = plsc.load_gather(preds_v, [var])
            sat = (p >= 0.5) == is_pos
            m = jnp.where(sat, cls, -1)
            incl = plsc.cummax(m)
            shifted = jnp.take_along_axis(incl, shift_idx, axis=0,
                                          mode="promise_in_bounds")
            shifted = jnp.where(iota == 0, -1, shifted)
            excl = jnp.maximum(shifted, carry_vec)
            newc = sat & (cls > excl)
            cnt_vec = cnt_vec + newc.astype(jnp.int32)
            first_vec = jnp.minimum(first_vec, jnp.where(sat, cls, BIG))
            vmax = jnp.take_along_axis(incl, last_idx, axis=0,
                                       mode="promise_in_bounds")
            carry_vec = jnp.maximum(carry_vec, vmax)
            return carry_vec, cnt_vec, first_vec

        return lax.fori_loop(0, CHUNK // L, vec_body, state, unroll=4)

    def one(c, slot, state):
        wait_chunk(slot)
        state = compute(slot, state)

        @pl.when(c + NBUF < nchunk)
        def _():
            start_chunk(slot, c + NBUF)

        return state

    def ring_body(i, state):
        for b in range(NBUF):
            state = one(NBUF * i + b, b, state)
        return state

    init = (jnp.full((L,), -1, jnp.int32),
            jnp.zeros((L,), jnp.int32),
            jnp.full((L,), BIG, jnp.int32))
    state = lax.fori_loop(0, nchunk // NBUF, ring_body, init)
    for r in range(nchunk % NBUF):
        state = one(NBUF * (nchunk // NBUF) + r, r, state)
    carry_vec, cnt_vec, first_vec = state

    cnt = jnp.sum(cnt_vec)
    first = jnp.min(first_vec)
    last = jnp.max(carry_vec)
    out = jnp.where(iota == 0, cnt,
                    jnp.where(iota == 1, first,
                              jnp.where(iota == 2, last, 0)))
    outbuf_v[...] = out
    pltpu.sync_copy(outbuf_v, out_hbm.at[wid])


def _combine_body(n_vars, partials_ref, ncl_ref, o_ref):
    def body(t, st):
        total, m = st
        c = partials_ref[t, 0]
        f = partials_ref[t, 1]
        l = partials_ref[t, 2]
        dup = jnp.where(f == m, jnp.int32(1), jnp.int32(0))
        return total + c - dup, jnp.maximum(m, l)

    total, _ = lax.fori_loop(0, NW, body, (jnp.int32(0), jnp.int32(-1)))
    o_ref[0, 0] = (ncl_ref[0, 0] - total.astype(jnp.float32)) / jnp.float32(n_vars)


def kernel(preds, lits, clauses, n_vars, n_clauses):
    del n_vars
    nv = preds.shape[0]
    nnz = lits.shape[0]
    per_tile = nnz // NW
    assert nnz % NW == 0
    assert per_tile % CHUNK == 0 and CHUNK % L == 0

    mesh = plsc.VectorSubcoreMesh(core_axis_name="c", subcore_axis_name="s")
    sc = functools.partial(
        pl.kernel,
        mesh=mesh,
        compiler_params=pltpu.CompilerParams(needs_layout_passes=False),
        out_type=jax.ShapeDtypeStruct((NW, L), jnp.int32),
        scratch_types=[
            pltpu.VMEM((nv,), jnp.float32),
            pltpu.VMEM_SHARED((nv,), jnp.float32),
            pltpu.VMEM((CHUNK,), jnp.int32),
            pltpu.VMEM((CHUNK,), jnp.int32),
            pltpu.VMEM((CHUNK,), jnp.int32),
            pltpu.VMEM((CHUNK,), jnp.int32),
            pltpu.VMEM((CHUNK,), jnp.int32),
            pltpu.VMEM((CHUNK,), jnp.int32),
            pltpu.VMEM((L,), jnp.int32),
            pltpu.SemaphoreType.DMA,
            pltpu.SemaphoreType.DMA,
            pltpu.SemaphoreType.DMA,
        ],
    )(functools.partial(_tile_body, n_vars=nv, per_tile=per_tile))
    partials = sc(preds, lits, clauses)

    ncl = jnp.asarray(n_clauses, jnp.float32).reshape(1, 1)
    out = pl.pallas_call(
        functools.partial(_combine_body, nv),
        in_specs=[pl.BlockSpec(memory_space=pltpu.SMEM),
                  pl.BlockSpec(memory_space=pltpu.SMEM)],
        out_specs=pl.BlockSpec(memory_space=pltpu.SMEM),
        out_shape=jax.ShapeDtypeStruct((1, 1), jnp.float32),
    )(partials, ncl)
    return out[0, 0]

# --- scband reference (transcript-rebuilt; emitter-appended) ---
"""Pipeline reference for scband-unsupervised-max-satloss-72928544686163 (READ-ONLY COPY).

The authoritative reference and input builder live on the scoring server;
editing this copy changes nothing except your own understanding.
"""

import jax, jax.numpy as jnp
import numpy as np

N_VARS = 100000
N_CLAUSES = 400000
NNZ = 3200000

def setup_inputs(seed: int = 0) -> dict:
    key = jax.random.key(seed)
    k1, k2, k3 = jax.random.split(key, 3)
    preds = jax.random.uniform(k1, (N_VARS,), dtype=jnp.float32)
    lits = jax.random.randint(k2, (NNZ,), 0, 2 * N_VARS, dtype=jnp.int32)
    clauses = jnp.sort(jax.random.randint(k3, (NNZ,), 0, N_CLAUSES, dtype=jnp.int32))
    return {"preds": preds, "lits": lits, "clauses": clauses, "n_vars": N_VARS, "n_clauses": N_CLAUSES}

def reference(preds, lits, clauses, n_vars, n_clauses):
    # literal index -> variable index (literals >= n_vars are negations)
    is_pos = lits < n_vars
    lit_var = jnp.where(is_pos, lits, lits - n_vars)
    p = jnp.take(preds, lit_var, axis=0)
    # positive literal satisfied if pred >= 0.5, negative if pred < 0.5
    satisfied = jnp.where(is_pos, p >= 0.5, p < 0.5).astype(jnp.float32)
    # scatter-add satisfied literals per clause (torch.index_add), then bool
    clause_acc = jnp.zeros((N_CLAUSES,), dtype=jnp.float32).at[clauses].add(satisfied)
    sat_count = (clause_acc > 0).astype(jnp.float32).sum()
    loss = jnp.asarray(n_clauses, dtype=jnp.float32) - sat_count
    return loss / jnp.asarray(n_vars, dtype=jnp.float32)

if __name__ == "__main__":
    import jax
    _d = setup_inputs()
    print(jax.jit(kernel)(*tuple(_d.values())))

</pallas_src>

<mosaic_0001>
#map = affine_map<(d0, d1) -> (0)>
#map1 = affine_map<(d0, d1) -> (0, 0)>
module attributes {stable_mosaic.version = 14 : i64} {
  func.func @_tile_body(%arg0: i32, %arg1: i32, %arg2: memref<100000xf32, #tpu.memory_space<hbm>>, %arg3: memref<3200000xi32, #tpu.memory_space<hbm>>, %arg4: memref<3200000xi32, #tpu.memory_space<hbm>>, %arg5: memref<32x16xi32, #tpu.memory_space<hbm>>, %arg6: memref<100000xf32, #tpu.memory_space<vmem>>, %arg7: memref<100000xf32, #tpu.memory_space<vmem_shared>>, %arg8: memref<2000xi32, #tpu.memory_space<vmem>>, %arg9: memref<2000xi32, #tpu.memory_space<vmem>>, %arg10: memref<2000xi32, #tpu.memory_space<vmem>>, %arg11: memref<2000xi32, #tpu.memory_space<vmem>>, %arg12: memref<2000xi32, #tpu.memory_space<vmem>>, %arg13: memref<2000xi32, #tpu.memory_space<vmem>>, %arg14: memref<16xi32, #tpu.memory_space<vmem>>, %arg15: memref<!tpu.dma_semaphore, #tpu.memory_space<semaphore_mem>>, %arg16: memref<!tpu.dma_semaphore, #tpu.memory_space<semaphore_mem>>, %arg17: memref<!tpu.dma_semaphore, #tpu.memory_space<semaphore_mem>>) attributes {dimension_semantics = [#tpu.dimension_semantics<core_parallel>, #tpu.dimension_semantics<subcore_parallel>], iteration_bounds = array<i64: 2, 16>, scalar_prefetch = 0 : i64, scratch_operands = 12 : i64, tpu.core_type = #tpu.core_type<sc_vector_subcore>, window_params = [{transform_indices = #map}, {transform_indices = #map}, {transform_indices = #map}, {transform_indices = #map1}]} {
    %mul3A = arith.constant 2 : i32
    %mul3A_0 = arith.muli %arg1, %mul3A : i32
    %add3A = arith.addi %mul3A_0, %arg0 : i32
    %mul3A_1 = arith.constant 100000 : i32
    %mul3A_2 = arith.muli %add3A, %mul3A_1 : i32
    %add3A_3 = arith.constant 0 : i32
    %add3A_4 = arith.addi %mul3A_2, %add3A_3 : i32
    %dma_start3A = tpu.memref_slice %arg3[%add3A_4] : memref<3200000xi32, #tpu.memory_space<hbm>> -> memref<2000xi32, #tpu.memory_space<hbm>>
    %dma_start3A_5 = tpu.memref_slice %arg3[%add3A_4] : memref<3200000xi32, #tpu.memory_space<hbm>> -> memref<2000xi32, #tpu.memory_space<hbm>>
    tpu.enqueue_dma source(%dma_start3A_5 : memref<2000xi32, #tpu.memory_space<hbm>>) target(%arg8 : memref<2000xi32, #tpu.memory_space<vmem>>) target_semaphore(%arg15 : memref<!tpu.dma_semaphore, #tpu.memory_space<semaphore_mem>>)
    %dma_start3A_6 = tpu.memref_slice %arg4[%add3A_4] : memref<3200000xi32, #tpu.memory_space<hbm>> -> memref<2000xi32, #tpu.memory_space<hbm>>
    %dma_start3A_7 = tpu.memref_slice %arg4[%add3A_4] : memref<3200000xi32, #tpu.memory_space<hbm>> -> memref<2000xi32, #tpu.memory_space<hbm>>
    tpu.enqueue_dma source(%dma_start3A_7 : memref<2000xi32, #tpu.memory_space<hbm>>) target(%arg11 : memref<2000xi32, #tpu.memory_space<vmem>>) target_semaphore(%arg15 : memref<!tpu.dma_semaphore, #tpu.memory_space<semaphore_mem>>)
    %add3A_8 = arith.constant 2000 : i32
    %add3A_9 = arith.addi %mul3A_2, %add3A_8 : i32
    %dma_start3A_10 = tpu.memref_slice %arg3[%add3A_9] : memref<3200000xi32, #tpu.memory_space<hbm>> -> memref<2000xi32, #tpu.memory_space<hbm>>
    %dma_start3A_11 = tpu.memref_slice %arg3[%add3A_9] : memref<3200000xi32, #tpu.memory_space<hbm>> -> memref<2000xi32, #tpu.memory_space<hbm>>
    tpu.enqueue_dma source(%dma_start3A_11 : memref<2000xi32, #tpu.memory_space<hbm>>) target(%arg9 : memref<2000xi32, #tpu.memory_space<vmem>>) target_semaphore(%arg16 : memref<!tpu.dma_semaphore, #tpu.memory_space<semaphore_mem>>)
    %dma_start3A_12 = tpu.memref_slice %arg4[%add3A_9] : memref<3200000xi32, #tpu.memory_space<hbm>> -> memref<2000xi32, #tpu.memory_space<hbm>>
    %dma_start3A_13 = tpu.memref_slice %arg4[%add3A_9] : memref<3200000xi32, #tpu.memory_space<hbm>> -> memref<2000xi32, #tpu.memory_space<hbm>>
    tpu.enqueue_dma source(%dma_start3A_13 : memref<2000xi32, #tpu.memory_space<hbm>>) target(%arg12 : memref<2000xi32, #tpu.memory_space<vmem>>) target_semaphore(%arg16 : memref<!tpu.dma_semaphore, #tpu.memory_space<semaphore_mem>>)
    %add3A_14 = arith.constant 4000 : i32
    %add3A_15 = arith.addi %mul3A_2, %add3A_14 : i32
    %dma_start3A_16 = tpu.memref_slice %arg3[%add3A_15] : memref<3200000xi32, #tpu.memory_space<hbm>> -> memref<2000xi32, #tpu.memory_space<hbm>>
    %dma_start3A_17 = tpu.memref_slice %arg3[%add3A_15] : memref<3200000xi32, #tpu.memory_space<hbm>> -> memref<2000xi32, #tpu.memory_space<hbm>>
    tpu.enqueue_dma source(%dma_start3A_17 : memref<2000xi32, #tpu.memory_space<hbm>>) target(%arg10 : memref<2000xi32, #tpu.memory_space<vmem>>) target_semaphore(%arg17 : memref<!tpu.dma_semaphore, #tpu.memory_space<semaphore_mem>>)
    %dma_start3A_18 = tpu.memref_slice %arg4[%add3A_15] : memref<3200000xi32, #tpu.memory_space<hbm>> -> memref<2000xi32, #tpu.memory_space<hbm>>
    %dma_start3A_19 = tpu.memref_slice %arg4[%add3A_15] : memref<3200000xi32, #tpu.memory_space<hbm>> -> memref<2000xi32, #tpu.memory_space<hbm>>
    tpu.enqueue_dma source(%dma_start3A_19 : memref<2000xi32, #tpu.memory_space<hbm>>) target(%arg13 : memref<2000xi32, #tpu.memory_space<vmem>>) target_semaphore(%arg17 : memref<!tpu.dma_semaphore, #tpu.memory_space<semaphore_mem>>)
    %eq3A = arith.constant 0 : i32
    %eq3A_20 = arith.cmpi eq, %arg1, %eq3A : i32
    %convert_element_type3A = arith.extui %eq3A_20 : i1 to i32
    %cond3A = arith.constant 0 : i32
    %cond3A_21 = arith.cmpi ne, %convert_element_type3A, %cond3A : i32
    scf.if %cond3A_21 {
      "tpu.region"() ({
        %run_scoped3A = tpu.sem_alloc : memref<!tpu.dma_semaphore, #tpu.memory_space<semaphore_mem>>
        tpu.enqueue_dma source(%arg2 : memref<100000xf32, #tpu.memory_space<hbm>>) target(%arg7 : memref<100000xf32, #tpu.memory_space<vmem_shared>>) target_semaphore(%run_scoped3A : memref<!tpu.dma_semaphore, #tpu.memory_space<semaphore_mem>>)
        tpu.wait_dma2 semaphore(%run_scoped3A : memref<!tpu.dma_semaphore, #tpu.memory_space<semaphore_mem>>) src(%arg2 : memref<100000xf32, #tpu.memory_space<hbm>>) dst(%arg7 : memref<100000xf32, #tpu.memory_space<vmem_shared>>)
        tpu.yield
      }) : () -> ()
    } else {
    }
    %barrier3A = arith.constant 0 : index
    tpu.barrier barrier_id(%barrier3A)
    "tpu.region"() ({
      %run_scoped3A = tpu.sem_alloc : memref<!tpu.dma_semaphore, #tpu.memory_space<semaphore_mem>>
      tpu.enqueue_dma source(%arg7 : memref<100000xf32, #tpu.memory_space<vmem_shared>>) target(%arg6 : memref<100000xf32, #tpu.memory_space<vmem>>) target_semaphore(%run_scoped3A : memref<!tpu.dma_semaphore, #tpu.memory_space<semaphore_mem>>)
      tpu.wait_dma2 semaphore(%run_scoped3A : memref<!tpu.dma_semaphore, #tpu.memory_space<semaphore_mem>>) src(%arg7 : memref<100000xf32, #tpu.memory_space<vmem_shared>>) dst(%arg6 : memref<100000xf32, #tpu.memory_space<vmem>>)
      tpu.yield
    }) : () -> ()
    %iota3A = tpu.iota {dimensions = array<i32: 0>} : vector<16xi32>
    %sub3A = arith.constant 1 : i32
    %sub3A_22 = vector.broadcast %sub3A : i32 to vector<16xi32>
    %sub3A_23 = arith.subi %iota3A, %sub3A_22 : vector<16xi32>
    %max3A = arith.constant 0 : i32
    %max3A_24 = vector.broadcast %max3A : i32 to vector<16xi32>
    %max3A_25 = arith.maxsi %sub3A_23, %max3A_24 : vector<16xi32>
    %broadcast_in_dim3A = arith.constant 15 : i32
    %broadcast_in_dim3A_26 = vector.broadcast %broadcast_in_dim3A : i32 to vector<16xi32>
    %broadcast_in_dim3A_27 = arith.constant -1 : i32
    %broadcast_in_dim3A_28 = vector.broadcast %broadcast_in_dim3A_27 : i32 to vector<16xi32>
    %broadcast_in_dim3A_29 = arith.constant 0 : i32
    %broadcast_in_dim3A_30 = vector.broadcast %broadcast_in_dim3A_29 : i32 to vector<16xi32>
    %broadcast_in_dim3A_31 = arith.constant 1073741823 : i32
    %broadcast_in_dim3A_32 = vector.broadcast %broadcast_in_dim3A_31 : i32 to vector<16xi32>
    %scan3A = arith.constant 0 : i32
    %scan3A_33 = arith.constant 16 : i32
    %scan3A_34 = arith.addi %scan3A, %scan3A_33 : i32
    %scan3A_35 = arith.constant 1 : i32
    %scan3A_36:3 = scf.for %scan3A_201 = %scan3A to %scan3A_34 step %scan3A_35 iter_args(%scan3A_202 = %broadcast_in_dim3A_28, %scan3A_203 = %broadcast_in_dim3A_30, %scan3A_204 = %broadcast_in_dim3A_32) -> (vector<16xi32>, vector<16xi32>, vector<16xi32>)  : i32 {
      %mul3A_205 = arith.constant 3 : i32
      %mul3A_206 = arith.muli %mul3A_205, %scan3A_201 : i32
      %add3A_207 = arith.constant 0 : i32
      %add3A_208 = arith.addi %mul3A_206, %add3A_207 : i32
      %dma_wait3A_209 = arith.constant 0 : i32
      %dma_wait3A_210 = tpu.memref_slice %arg3[%dma_wait3A_209] : memref<3200000xi32, #tpu.memory_space<hbm>> -> memref<2000xi32, #tpu.memory_space<hbm>>
      %dma_wait3A_211 = arith.constant 0 : i32
      %dma_wait3A_212 = tpu.memref_slice %arg3[%dma_wait3A_211] : memref<3200000xi32, #tpu.memory_space<hbm>> -> memref<2000xi32, #tpu.memory_space<hbm>>
      tpu.wait_dma2 semaphore(%arg15 : memref<!tpu.dma_semaphore, #tpu.memory_space<semaphore_mem>>) src(%dma_wait3A_212 : memref<2000xi32, #tpu.memory_space<hbm>>) dst(%arg8 : memref<2000xi32, #tpu.memory_space<vmem>>)
      %dma_wait3A_213 = arith.constant 0 : i32
      %dma_wait3A_214 = tpu.memref_slice %arg4[%dma_wait3A_213] : memref<3200000xi32, #tpu.memory_space<hbm>> -> memref<2000xi32, #tpu.memory_space<hbm>>
      %dma_wait3A_215 = arith.constant 0 : i32
      %dma_wait3A_216 = tpu.memref_slice %arg4[%dma_wait3A_215] : memref<3200000xi32, #tpu.memory_space<hbm>> -> memref<2000xi32, #tpu.memory_space<hbm>>
      tpu.wait_dma2 semaphore(%arg15 : memref<!tpu.dma_semaphore, #tpu.memory_space<semaphore_mem>>) src(%dma_wait3A_216 : memref<2000xi32, #tpu.memory_space<hbm>>) dst(%arg11 : memref<2000xi32, #tpu.memory_space<vmem>>)
      %scan3A_217 = arith.constant 0 : i32
      %scan3A_218 = arith.constant 124 : i32
      %scan3A_219 = arith.addi %scan3A_217, %scan3A_218 : i32
      %scan3A_220 = arith.constant 4 : i32
      %scan3A_221:3 = scf.for %scan3A_448 = %scan3A_217 to %scan3A_219 step %scan3A_220 iter_args(%scan3A_449 = %scan3A_202, %scan3A_450 = %scan3A_203, %scan3A_451 = %scan3A_204) -> (vector<16xi32>, vector<16xi32>, vector<16xi32>)  : i32 {
        %mul3A_452 = arith.constant 16 : i32
        %mul3A_453 = arith.muli %scan3A_448, %mul3A_452 : i32
        %get3A_454 = arith.index_cast %mul3A_453 : i32 to index
        %get3A_455 = tpu.vector_load %arg8[%get3A_454] {strides = array<i32>} : memref<2000xi32, #tpu.memory_space<vmem>>, vector<16xi32>,
        %mul3A_456 = arith.constant 16 : i32
        %mul3A_457 = arith.muli %scan3A_448, %mul3A_456 : i32
        %get3A_458 = arith.index_cast %mul3A_457 : i32 to index
        %get3A_459 = tpu.vector_load %arg11[%get3A_458] {strides = array<i32>} : memref<2000xi32, #tpu.memory_space<vmem>>, vector<16xi32>,
        %lt3A_460 = arith.constant 100000 : i32
        %lt3A_461 = vector.broadcast %lt3A_460 : i32 to vector<16xi32>
        %lt3A_462 = arith.cmpi slt, %get3A_455, %lt3A_461 : vector<16xi32>
        %sub3A_463 = arith.constant 100000 : i32
        %sub3A_464 = vector.broadcast %sub3A_463 : i32 to vector<16xi32>
        %sub3A_465 = arith.subi %get3A_455, %sub3A_464 : vector<16xi32>
        %select_n3A_466 = arith.select %lt3A_462, %get3A_455, %sub3A_465 : vector<16xi1>, vector<16xi32>
        %gather3A_467 = tpu.vector_load_idx %arg6[%select_n3A_466] : memref<100000xf32, #tpu.memory_space<vmem>>[vector<16xi32>], vector<16xf32>,
        %ge3A_468 = arith.constant 5.000000e-01 : f32
        %ge3A_469 = vector.broadcast %ge3A_468 : f32 to vector<16xf32>
        %ge3A_470 = arith.cmpf oge, %gather3A_467, %ge3A_469 : vector<16xf32>
        %eq3A_471 = arith.xori %ge3A_470, %lt3A_462 : vector<16xi1>
        %eq3A_472 = arith.constant dense<true> : vector<16xi1>
        %eq3A_473 = arith.xori %eq3A_471, %eq3A_472 : vector<16xi1>
        %jit3A_474 = arith.constant -1 : i32
        %broadcast_in_dim3A_475 = vector.broadcast %jit3A_474 : i32 to vector<16xi32>
        %select_n3A_476 = arith.select %eq3A_473, %get3A_459, %broadcast_in_dim3A_475 : vector<16xi1>, vector<16xi32>
        %broadcast_in_dim3A_477 = arith.constant true
        %broadcast_in_dim3A_478 = vector.broadcast %broadcast_in_dim3A_477 : i1 to vector<16xi1>
        %masked_cummax3A_479 = arith.constant -2147483648 : i32
        %masked_cummax3A_480 = vector.broadcast %masked_cummax3A_479 : i32 to vector<16xi32>
        %masked_cummax3A_481 = arith.xori %select_n3A_476, %masked_cummax3A_480 : vector<16xi32>
        %masked_cummax3A_482 = tpu.scan <max>, %masked_cummax3A_481 masked %broadcast_in_dim3A_478 : vector<16xi32>, vector<16xi1> -> vector<16xi32>
        %masked_cummax3A_483 = arith.xori %masked_cummax3A_482, %masked_cummax3A_480 : vector<16xi32>
        %reshape3A_484 = vector.shape_cast %max3A_25 : vector<16xi32> to vector<16x1xi32>
        %gather3A_485 = vector.shape_cast %reshape3A_484 : vector<16x1xi32> to vector<16xi32>
        %gather3A_486 = tpu.dynamic_gather %masked_cummax3A_483[%gather3A_485] in [0] : vector<16xi32>, vector<16xi32> -> vector<16xi32>
        %eq3A_487 = arith.constant 0 : i32
        %eq3A_488 = vector.broadcast %eq3A_487 : i32 to vector<16xi32>
        %eq3A_489 = arith.cmpi eq, %iota3A, %eq3A_488 : vector<16xi32>
        %jit3A_490 = arith.constant -1 : i32
        %broadcast_in_dim3A_491 = vector.broadcast %jit3A_490 : i32 to vector<16xi32>
        %select_n3A_492 = arith.select %eq3A_489, %broadcast_in_dim3A_491, %gather3A_486 : vector<16xi1>, vector<16xi32>
        %max3A_493 = arith.maxsi %select_n3A_492, %scan3A_449 : vector<16xi32>
        %gt3A_494 = arith.cmpi sgt, %get3A_459, %max3A_493 : vector<16xi32>
        %and3A_495 = arith.andi %eq3A_473, %gt3A_494 : vector<16xi1>
        %convert_element_type3A_496 = arith.extui %and3A_495 : vector<16xi1> to vector<16xi32>
        %add3A_497 = arith.addi %scan3A_450, %convert_element_type3A_496 : vector<16xi32>
        %jit3A_498 = arith.constant 1073741823 : i32
        %broadcast_in_dim3A_499 = vector.broadcast %jit3A_498 : i32 to vector<16xi32>
        %select_n3A_500 = arith.select %eq3A_473, %get3A_459, %broadcast_in_dim3A_499 : vector<16xi1>, vector<16xi32>
        %min3A_501 = arith.minsi %scan3A_451, %select_n3A_500 : vector<16xi32>
        %reshape3A_502 = vector.shape_cast %broadcast_in_dim3A_26 : vector<16xi32> to vector<16x1xi32>
        %gather3A_503 = vector.shape_cast %reshape3A_502 : vector<16x1xi32> to vector<16xi32>
        %gather3A_504 = tpu.dynamic_gather %masked_cummax3A_483[%gather3A_503] in [0] : vector<16xi32>, vector<16xi32> -> vector<16xi32>
        %max3A_505 = arith.maxsi %scan3A_449, %gather3A_504 : vector<16xi32>
        %scan3A_506 = arith.constant 1 : i32
        %scan3A_507 = arith.addi %scan3A_448, %scan3A_506 : i32
        %mul3A_508 = arith.constant 16 : i32
        %mul3A_509 = arith.muli %scan3A_507, %mul3A_508 : i32
        %get3A_510 = arith.index_cast %mul3A_509 : i32 to index
        %get3A_511 = tpu.vector_load %arg8[%get3A_510] {strides = array<i32>} : memref<2000xi32, #tpu.memory_space<vmem>>, vector<16xi32>,
        %mul3A_512 = arith.constant 16 : i32
        %mul3A_513 = arith.muli %scan3A_507, %mul3A_512 : i32
        %get3A_514 = arith.index_cast %mul3A_513 : i32 to index
        %get3A_515 = tpu.vector_load %arg11[%get3A_514] {strides = array<i32>} : memref<2000xi32, #tpu.memory_space<vmem>>, vector<16xi32>,
        %lt3A_516 = arith.constant 100000 : i32
        %lt3A_517 = vector.broadcast %lt3A_516 : i32 to vector<16xi32>
        %lt3A_518 = arith.cmpi slt, %get3A_511, %lt3A_517 : vector<16xi32>
        %sub3A_519 = arith.constant 100000 : i32
        %sub3A_520 = vector.broadcast %sub3A_519 : i32 to vector<16xi32>
        %sub3A_521 = arith.subi %get3A_511, %sub3A_520 : vector<16xi32>
        %select_n3A_522 = arith.select %lt3A_518, %get3A_511, %sub3A_521 : vector<16xi1>, vector<16xi32>
        %gather3A_523 = tpu.vector_load_idx %arg6[%select_n3A_522] : memref<100000xf32, #tpu.memory_space<vmem>>[vector<16xi32>], vector<16xf32>,
        %ge3A_524 = arith.constant 5.000000e-01 : f32
        %ge3A_525 = vector.broadcast %ge3A_524 : f32 to vector<16xf32>
        %ge3A_526 = arith.cmpf oge, %gather3A_523, %ge3A_525 : vector<16xf32>
        %eq3A_527 = arith.xori %ge3A_526, %lt3A_518 : vector<16xi1>
        %eq3A_528 = arith.constant dense<true> : vector<16xi1>
        %eq3A_529 = arith.xori %eq3A_527, %eq3A_528 : vector<16xi1>
        %jit3A_530 = arith.constant -1 : i32
        %broadcast_in_dim3A_531 = vector.broadcast %jit3A_530 : i32 to vector<16xi32>
        %select_n3A_532 = arith.select %eq3A_529, %get3A_515, %broadcast_in_dim3A_531 : vector<16xi1>, vector<16xi32>
        %broadcast_in_dim3A_533 = arith.constant true
        %broadcast_in_dim3A_534 = vector.broadcast %broadcast_in_dim3A_533 : i1 to vector<16xi1>
        %masked_cummax3A_535 = arith.constant -2147483648 : i32
        %masked_cummax3A_536 = vector.broadcast %masked_cummax3A_535 : i32 to vector<16xi32>
        %masked_cummax3A_537 = arith.xori %select_n3A_532, %masked_cummax3A_536 : vector<16xi32>
        %masked_cummax3A_538 = tpu.scan <max>, %masked_cummax3A_537 masked %broadcast_in_dim3A_534 : vector<16xi32>, vector<16xi1> -> vector<16xi32>
        %masked_cummax3A_539 = arith.xori %masked_cummax3A_538, %masked_cummax3A_536 : vector<16xi32>
        %reshape3A_540 = vector.shape_cast %max3A_25 : vector<16xi32> to vector<16x1xi32>
        %gather3A_541 = vector.shape_cast %reshape3A_540 : vector<16x1xi32> to vector<16xi32>
        %gather3A_542 = tpu.dynamic_gather %masked_cummax3A_539[%gather3A_541] in [0] : vector<16xi32>, vector<16xi32> -> vector<16xi32>
        %eq3A_543 = arith.constant 0 : i32
        %eq3A_544 = vector.broadcast %eq3A_543 : i32 to vector<16xi32>
        %eq3A_545 = arith.cmpi eq, %iota3A, %eq3A_544 : vector<16xi32>
        %jit3A_546 = arith.constant -1 : i32
        %broadcast_in_dim3A_547 = vector.broadcast %jit3A_546 : i32 to vector<16xi32>
        %select_n3A_548 = arith.select %eq3A_545, %broadcast_in_dim3A_547, %gather3A_542 : vector<16xi1>, vector<16xi32>
        %max3A_549 = arith.maxsi %select_n3A_548, %max3A_505 : vector<16xi32>
        %gt3A_550 = arith.cmpi sgt, %get3A_515, %max3A_549 : vector<16xi32>
        %and3A_551 = arith.andi %eq3A_529, %gt3A_550 : vector<16xi1>
        %convert_element_type3A_552 = arith.extui %and3A_551 : vector<16xi1> to vector<16xi32>
        %add3A_553 = arith.addi %add3A_497, %convert_element_type3A_552 : vector<16xi32>
        %jit3A_554 = arith.constant 1073741823 : i32
        %broadcast_in_dim3A_555 = vector.broadcast %jit3A_554 : i32 to vector<16xi32>
        %select_n3A_556 = arith.select %eq3A_529, %get3A_515, %broadcast_in_dim3A_555 : vector<16xi1>, vector<16xi32>
        %min3A_557 = arith.minsi %min3A_501, %select_n3A_556 : vector<16xi32>
        %reshape3A_558 = vector.shape_cast %broadcast_in_dim3A_26 : vector<16xi32> to vector<16x1xi32>
        %gather3A_559 = vector.shape_cast %reshape3A_558 : vector<16x1xi32> to vector<16xi32>
        %gather3A_560 = tpu.dynamic_gather %masked_cummax3A_539[%gather3A_559] in [0] : vector<16xi32>, vector<16xi32> -> vector<16xi32>
        %max3A_561 = arith.maxsi %max3A_505, %gather3A_560 : vector<16xi32>
        %scan3A_562 = arith.constant 2 : i32
        %scan3A_563 = arith.addi %scan3A_448, %scan3A_562 : i32
        %mul3A_564 = arith.constant 16 : i32
        %mul3A_565 = arith.muli %scan3A_563, %mul3A_564 : i32
        %get3A_566 = arith.index_cast %mul3A_565 : i32 to index
        %get3A_567 = tpu.vector_load %arg8[%get3A_566] {strides = array<i32>} : memref<2000xi32, #tpu.memory_space<vmem>>, vector<16xi32>,
        %mul3A_568 = arith.constant 16 : i32
        %mul3A_569 = arith.muli %scan3A_563, %mul3A_568 : i32
        %get3A_570 = arith.index_cast %mul3A_569 : i32 to index
        %get3A_571 = tpu.vector_load %arg11[%get3A_570] {strides = array<i32>} : memref<2000xi32, #tpu.memory_space<vmem>>, vector<16xi32>,
        %lt3A_572 = arith.constant 100000 : i32
        %lt3A_573 = vector.broadcast %lt3A_572 : i32 to vector<16xi32>
        %lt3A_574 = arith.cmpi slt, %get3A_567, %lt3A_573 : vector<16xi32>
        %sub3A_575 = arith.constant 100000 : i32
        %sub3A_576 = vector.broadcast %sub3A_575 : i32 to vector<16xi32>
        %sub3A_577 = arith.subi %get3A_567, %sub3A_576 : vector<16xi32>
        %select_n3A_578 = arith.select %lt3A_574, %get3A_567, %sub3A_577 : vector<16xi1>, vector<16xi32>
        %gather3A_579 = tpu.vector_load_idx %arg6[%select_n3A_578] : memref<100000xf32, #tpu.memory_space<vmem>>[vector<16xi32>], vector<16xf32>,
        %ge3A_580 = arith.constant 5.000000e-01 : f32
        %ge3A_581 = vector.broadcast %ge3A_580 : f32 to vector<16xf32>
        %ge3A_582 = arith.cmpf oge, %gather3A_579, %ge3A_581 : vector<16xf32>
        %eq3A_583 = arith.xori %ge3A_582, %lt3A_574 : vector<16xi1>
        %eq3A_584 = arith.constant dense<true> : vector<16xi1>
        %eq3A_585 = arith.xori %eq3A_583, %eq3A_584 : vector<16xi1>
        %jit3A_586 = arith.constant -1 : i32
        %broadcast_in_dim3A_587 = vector.broadcast %jit3A_586 : i32 to vector<16xi32>
        %select_n3A_588 = arith.select %eq3A_585, %get3A_571, %broadcast_in_dim3A_587 : vector<16xi1>, vector<16xi32>
        %broadcast_in_dim3A_589 = arith.constant true
        %broadcast_in_dim3A_590 = vector.broadcast %broadcast_in_dim3A_589 : i1 to vector<16xi1>
        %masked_cummax3A_591 = arith.constant -2147483648 : i32
        %masked_cummax3A_592 = vector.broadcast %masked_cummax3A_591 : i32 to vector<16xi32>
        %masked_cummax3A_593 = arith.xori %select_n3A_588, %masked_cummax3A_592 : vector<16xi32>
        %masked_cummax3A_594 = tpu.scan <max>, %masked_cummax3A_593 masked %broadcast_in_dim3A_590 : vector<16xi32>, vector<16xi1> -> vector<16xi32>
        %masked_cummax3A_595 = arith.xori %masked_cummax3A_594, %masked_cummax3A_592 : vector<16xi32>
        %reshape3A_596 = vector.shape_cast %max3A_25 : vector<16xi32> to vector<16x1xi32>
        %gather3A_597 = vector.shape_cast %reshape3A_596 : vector<16x1xi32> to vector<16xi32>
        %gather3A_598 = tpu.dynamic_gather %masked_cummax3A_595[%gather3A_597] in [0] : vector<16xi32>, vector<16xi32> -> vector<16xi32>
        %eq3A_599 = arith.constant 0 : i32
        %eq3A_600 = vector.broadcast %eq3A_599 : i32 to vector<16xi32>
        %eq3A_601 = arith.cmpi eq, %iota3A, %eq3A_600 : vector<16xi32>
        %jit3A_602 = arith.constant -1 : i32
        %broadcast_in_dim3A_603 = vector.broadcast %jit3A_602 : i32 to vector<16xi32>
        %select_n3A_604 = arith.select %eq3A_601, %broadcast_in_dim3A_603, %gather3A_598 : vector<16xi1>, vector<16xi32>
        %max3A_605 = arith.maxsi %select_n3A_604, %max3A_561 : vector<16xi32>
        %gt3A_606 = arith.cmpi sgt, %get3A_571, %max3A_605 : vector<16xi32>
        %and3A_607 = arith.andi %eq3A_585, %gt3A_606 : vector<16xi1>
        %convert_element_type3A_608 = arith.extui %and3A_607 : vector<16xi1> to vector<16xi32>
        %add3A_609 = arith.addi %add3A_553, %convert_element_type3A_608 : vector<16xi32>
        %jit3A_610 = arith.constant 1073741823 : i32
        %broadcast_in_dim3A_611 = vector.broadcast %jit3A_610 : i32 to vector<16xi32>
        %select_n3A_612 = arith.select %eq3A_585, %get3A_571, %broadcast_in_dim3A_611 : vector<16xi1>, vector<16xi32>
        %min3A_613 = arith.minsi %min3A_557, %select_n3A_612 : vector<16xi32>
        %reshape3A_614 = vector.shape_cast %broadcast_in_dim3A_26 : vector<16xi32> to vector<16x1xi32>
        %gather3A_615 = vector.shape_cast %reshape3A_614 : vector<16x1xi32> to vector<16xi32>
        %gather3A_616 = tpu.dynamic_gather %masked_cummax3A_595[%gather3A_615] in [0] : vector<16xi32>, vector<16xi32> -> vector<16xi32>
        %max3A_617 = arith.maxsi %max3A_561, %gather3A_616 : vector<16xi32>
        %scan3A_618 = arith.constant 3 : i32
        %scan3A_619 = arith.addi %scan3A_448, %scan3A_618 : i32
        %mul3A_620 = arith.constant 16 : i32
        %mul3A_621 = arith.muli %scan3A_619, %mul3A_620 : i32
        %get3A_622 = arith.index_cast %mul3A_621 : i32 to index
        %get3A_623 = tpu.vector_load %arg8[%get3A_622] {strides = array<i32>} : memref<2000xi32, #tpu.memory_space<vmem>>, vector<16xi32>,
        %mul3A_624 = arith.constant 16 : i32
        %mul3A_625 = arith.muli %scan3A_619, %mul3A_624 : i32
        %get3A_626 = arith.index_cast %mul3A_625 : i32 to index
        %get3A_627 = tpu.vector_load %arg11[%get3A_626] {strides = array<i32>} : memref<2000xi32, #tpu.memory_space<vmem>>, vector<16xi32>,
        %lt3A_628 = arith.constant 100000 : i32
        %lt3A_629 = vector.broadcast %lt3A_628 : i32 to vector<16xi32>
        %lt3A_630 = arith.cmpi slt, %get3A_623, %lt3A_629 : vector<16xi32>
        %sub3A_631 = arith.constant 100000 : i32
        %sub3A_632 = vector.broadcast %sub3A_631 : i32 to vector<16xi32>
        %sub3A_633 = arith.subi %get3A_623, %sub3A_632 : vector<16xi32>
        %select_n3A_634 = arith.select %lt3A_630, %get3A_623, %sub3A_633 : vector<16xi1>, vector<16xi32>
        %gather3A_635 = tpu.vector_load_idx %arg6[%select_n3A_634] : memref<100000xf32, #tpu.memory_space<vmem>>[vector<16xi32>], vector<16xf32>,
        %ge3A_636 = arith.constant 5.000000e-01 : f32
        %ge3A_637 = vector.broadcast %ge3A_636 : f32 to vector<16xf32>
        %ge3A_638 = arith.cmpf oge, %gather3A_635, %ge3A_637 : vector<16xf32>
        %eq3A_639 = arith.xori %ge3A_638, %lt3A_630 : vector<16xi1>
        %eq3A_640 = arith.constant dense<true> : vector<16xi1>
        %eq3A_641 = arith.xori %eq3A_639, %eq3A_640 : vector<16xi1>
        %jit3A_642 = arith.constant -1 : i32
        %broadcast_in_dim3A_643 = vector.broadcast %jit3A_642 : i32 to vector<16xi32>
        %select_n3A_644 = arith.select %eq3A_641, %get3A_627, %broadcast_in_dim3A_643 : vector<16xi1>, vector<16xi32>
        %broadcast_in_dim3A_645 = arith.constant true
        %broadcast_in_dim3A_646 = vector.broadcast %broadcast_in_dim3A_645 : i1 to vector<16xi1>
        %masked_cummax3A_647 = arith.constant -2147483648 : i32
        %masked_cummax3A_648 = vector.broadcast %masked_cummax3A_647 : i32 to vector<16xi32>
        %masked_cummax3A_649 = arith.xori %select_n3A_644, %masked_cummax3A_648 : vector<16xi32>
        %masked_cummax3A_650 = tpu.scan <max>, %masked_cummax3A_649 masked %broadcast_in_dim3A_646 : vector<16xi32>, vector<16xi1> -> vector<16xi32>
        %masked_cummax3A_651 = arith.xori %masked_cummax3A_650, %masked_cummax3A_648 : vector<16xi32>
        %reshape3A_652 = vector.shape_cast %max3A_25 : vector<16xi32> to vector<16x1xi32>
        %gather3A_653 = vector.shape_cast %reshape3A_652 : vector<16x1xi32> to vector<16xi32>
        %gather3A_654 = tpu.dynamic_gather %masked_cummax3A_651[%gather3A_653] in [0] : vector<16xi32>, vector<16xi32> -> vector<16xi32>
        %eq3A_655 = arith.constant 0 : i32
        %eq3A_656 = vector.broadcast %eq3A_655 : i32 to vector<16xi32>
        %eq3A_657 = arith.cmpi eq, %iota3A, %eq3A_656 : vector<16xi32>
        %jit3A_658 = arith.constant -1 : i32
        %broadcast_in_dim3A_659 = vector.broadcast %jit3A_658 : i32 to vector<16xi32>
        %select_n3A_660 = arith.select %eq3A_657, %broadcast_in_dim3A_659, %gather3A_654 : vector<16xi1>, vector<16xi32>
        %max3A_661 = arith.maxsi %select_n3A_660, %max3A_617 : vector<16xi32>
        %gt3A_662 = arith.cmpi sgt, %get3A_627, %max3A_661 : vector<16xi32>
        %and3A_663 = arith.andi %eq3A_641, %gt3A_662 : vector<16xi1>
        %convert_element_type3A_664 = arith.extui %and3A_663 : vector<16xi1> to vector<16xi32>
        %add3A_665 = arith.addi %add3A_609, %convert_element_type3A_664 : vector<16xi32>
        %jit3A_666 = arith.constant 1073741823 : i32
        %broadcast_in_dim3A_667 = vector.broadcast %jit3A_666 : i32 to vector<16xi32>
        %select_n3A_668 = arith.select %eq3A_641, %get3A_627, %broadcast_in_dim3A_667 : vector<16xi1>, vector<16xi32>
        %min3A_669 = arith.minsi %min3A_613, %select_n3A_668 : vector<16xi32>
        %reshape3A_670 = vector.shape_cast %broadcast_in_dim3A_26 : vector<16xi32> to vector<16x1xi32>
        %gather3A_671 = vector.shape_cast %reshape3A_670 : vector<16x1xi32> to vector<16xi32>
        %gather3A_672 = tpu.dynamic_gather %masked_cummax3A_651[%gather3A_671] in [0] : vector<16xi32>, vector<16xi32> -> vector<16xi32>
        %max3A_673 = arith.maxsi %max3A_617, %gather3A_672 : vector<16xi32>
        scf.yield %max3A_673, %add3A_665, %min3A_669 : vector<16xi32>, vector<16xi32>, vector<16xi32>
      }
      %scan3A_222 = arith.constant 124 : i32
      %scan3A_223 = arith.addi %scan3A_217, %scan3A_222 : i32
      %mul3A_224 = arith.constant 16 : i32
      %mul3A_225 = arith.muli %scan3A_223, %mul3A_224 : i32
      %get3A_226 = arith.index_cast %mul3A_225 : i32 to index
      %get3A_227 = tpu.vector_load %arg8[%get3A_226] {strides = array<i32>} : memref<2000xi32, #tpu.memory_space<vmem>>, vector<16xi32>,
      %mul3A_228 = arith.constant 16 : i32
      %mul3A_229 = arith.muli %scan3A_223, %mul3A_228 : i32
      %get3A_230 = arith.index_cast %mul3A_229 : i32 to index
      %get3A_231 = tpu.vector_load %arg11[%get3A_230] {strides = array<i32>} : memref<2000xi32, #tpu.memory_space<vmem>>, vector<16xi32>,
      %lt3A_232 = arith.constant 100000 : i32
      %lt3A_233 = vector.broadcast %lt3A_232 : i32 to vector<16xi32>
      %lt3A_234 = arith.cmpi slt, %get3A_227, %lt3A_233 : vector<16xi32>
      %sub3A_235 = arith.constant 100000 : i32
      %sub3A_236 = vector.broadcast %sub3A_235 : i32 to vector<16xi32>
      %sub3A_237 = arith.subi %get3A_227, %sub3A_236 : vector<16xi32>
      %select_n3A_238 = arith.select %lt3A_234, %get3A_227, %sub3A_237 : vector<16xi1>, vector<16xi32>
      %gather3A_239 = tpu.vector_load_idx %arg6[%select_n3A_238] : memref<100000xf32, #tpu.memory_space<vmem>>[vector<16xi32>], vector<16xf32>,
      %ge3A_240 = arith.constant 5.000000e-01 : f32
      %ge3A_241 = vector.broadcast %ge3A_240 : f32 to vector<16xf32>
      %ge3A_242 = arith.cmpf oge, %gather3A_239, %ge3A_241 : vector<16xf32>
      %eq3A_243 = arith.xori %ge3A_242, %lt3A_234 : vector<16xi1>
      %eq3A_244 = arith.constant dense<true> : vector<16xi1>
      %eq3A_245 = arith.xori %eq3A_243, %eq3A_244 : vector<16xi1>
      %jit3A_246 = arith.constant -1 : i32
      %broadcast_in_dim3A_247 = vector.broadcast %jit3A_246 : i32 to vector<16xi32>
      %select_n3A_248 = arith.select %eq3A_245, %get3A_231, %broadcast_in_dim3A_247 : vector<16xi1>, vector<16xi32>
      %broadcast_in_dim3A_249 = arith.constant true
      %broadcast_in_dim3A_250 = vector.broadcast %broadcast_in_dim3A_249 : i1 to vector<16xi1>
      %masked_cummax3A_251 = arith.constant -2147483648 : i32
      %masked_cummax3A_252 = vector.broadcast %masked_cummax3A_251 : i32 to vector<16xi32>
      %masked_cummax3A_253 = arith.xori %select_n3A_248, %masked_cummax3A_252 : vector<16xi32>
      %masked_cummax3A_254 = tpu.scan <max>, %masked_cummax3A_253 masked %broadcast_in_dim3A_250 : vector<16xi32>, vector<16xi1> -> vector<16xi32>
      %masked_cummax3A_255 = arith.xori %masked_cummax3A_254, %masked_cummax3A_252 : vector<16xi32>
      %reshape3A_256 = vector.shape_cast %max3A_25 : vector<16xi32> to vector<16x1xi32>
      %gather3A_257 = vector.shape_cast %reshape3A_256 : vector<16x1xi32> to vector<16xi32>
      %gather3A_258 = tpu.dynamic_gather %masked_cummax3A_255[%gather3A_257] in [0] : vector<16xi32>, vector<16xi32> -> vector<16xi32>
      %eq3A_259 = arith.constant 0 : i32
      %eq3A_260 = vector.broadcast %eq3A_259 : i32 to vector<16xi32>
      %eq3A_261 = arith.cmpi eq, %iota3A, %eq3A_260 : vector<16xi32>
      %jit3A_262 = arith.constant -1 : i32
      %broadcast_in_dim3A_263 = vector.broadcast %jit3A_262 : i32 to vector<16xi32>
      %select_n3A_264 = arith.select %eq3A_261, %broadcast_in_dim3A_263, %gather3A_258 : vector<16xi1>, vector<16xi32>
      %max3A_265 = arith.maxsi %select_n3A_264, %scan3A_221#0 : vector<16xi32>
      %gt3A_266 = arith.cmpi sgt, %get3A_231, %max3A_265 : vector<16xi32>
      %and3A_267 = arith.andi %eq3A_245, %gt3A_266 : vector<16xi1>
      %convert_element_type3A_268 = arith.extui %and3A_267 : vector<16xi1> to vector<16xi32>
      %add3A_269 = arith.addi %scan3A_221#1, %convert_element_type3A_268 : vector<16xi32>
      %jit3A_270 = arith.constant 1073741823 : i32
      %broadcast_in_dim3A_271 = vector.broadcast %jit3A_270 : i32 to vector<16xi32>
      %select_n3A_272 = arith.select %eq3A_245, %get3A_231, %broadcast_in_dim3A_271 : vector<16xi1>, vector<16xi32>
      %min3A_273 = arith.minsi %scan3A_221#2, %select_n3A_272 : vector<16xi32>
      %reshape3A_274 = vector.shape_cast %broadcast_in_dim3A_26 : vector<16xi32> to vector<16x1xi32>
      %gather3A_275 = vector.shape_cast %reshape3A_274 : vector<16x1xi32> to vector<16xi32>
      %gather3A_276 = tpu.dynamic_gather %masked_cummax3A_255[%gather3A_275] in [0] : vector<16xi32>, vector<16xi32> -> vector<16xi32>
      %max3A_277 = arith.maxsi %scan3A_221#0, %gather3A_276 : vector<16xi32>
      %scan3A_278 = arith.constant 125 : i32
      %add3A_279 = arith.constant 3 : i32
      %add3A_280 = arith.addi %add3A_208, %add3A_279 : i32
      %lt3A_281 = arith.constant 50 : i32
      %lt3A_282 = arith.cmpi slt, %add3A_280, %lt3A_281 : i32
      %convert_element_type3A_283 = arith.extui %lt3A_282 : i1 to i32
      %cond3A_284 = arith.constant 0 : i32
      %cond3A_285 = arith.cmpi ne, %convert_element_type3A_283, %cond3A_284 : i32
      scf.if %cond3A_285 {
        %add3A_448 = arith.constant 3 : i32
        %add3A_449 = arith.addi %add3A_208, %add3A_448 : i32
        %mul3A_450 = arith.constant 2000 : i32
        %mul3A_451 = arith.muli %add3A_449, %mul3A_450 : i32
        %add3A_452 = arith.addi %mul3A_2, %mul3A_451 : i32
        %dma_start3A_453 = tpu.memref_slice %arg3[%add3A_452] : memref<3200000xi32, #tpu.memory_space<hbm>> -> memref<2000xi32, #tpu.memory_space<hbm>>
        %dma_start3A_454 = tpu.memref_slice %arg3[%add3A_452] : memref<3200000xi32, #tpu.memory_space<hbm>> -> memref<2000xi32, #tpu.memory_space<hbm>>
        tpu.enqueue_dma source(%dma_start3A_454 : memref<2000xi32, #tpu.memory_space<hbm>>) target(%arg8 : memref<2000xi32, #tpu.memory_space<vmem>>) target_semaphore(%arg15 : memref<!tpu.dma_semaphore, #tpu.memory_space<semaphore_mem>>)
        %dma_start3A_455 = tpu.memref_slice %arg4[%add3A_452] : memref<3200000xi32, #tpu.memory_space<hbm>> -> memref<2000xi32, #tpu.memory_space<hbm>>
        %dma_start3A_456 = tpu.memref_slice %arg4[%add3A_452] : memref<3200000xi32, #tpu.memory_space<hbm>> -> memref<2000xi32, #tpu.memory_space<hbm>>
        tpu.enqueue_dma source(%dma_start3A_456 : memref<2000xi32, #tpu.memory_space<hbm>>) target(%arg11 : memref<2000xi32, #tpu.memory_space<vmem>>) target_semaphore(%arg15 : memref<!tpu.dma_semaphore, #tpu.memory_space<semaphore_mem>>)
      } else {
      }
      %mul3A_286 = arith.constant 3 : i32
      %mul3A_287 = arith.muli %mul3A_286, %scan3A_201 : i32
      %add3A_288 = arith.constant 1 : i32
      %add3A_289 = arith.addi %mul3A_287, %add3A_288 : i32
      %dma_wait3A_290 = arith.constant 0 : i32
      %dma_wait3A_291 = tpu.memref_slice %arg3[%dma_wait3A_290] : memref<3200000xi32, #tpu.memory_space<hbm>> -> memref<2000xi32, #tpu.memory_space<hbm>>
      %dma_wait3A_292 = arith.constant 0 : i32
      %dma_wait3A_293 = tpu.memref_slice %arg3[%dma_wait3A_292] : memref<3200000xi32, #tpu.memory_space<hbm>> -> memref<2000xi32, #tpu.memory_space<hbm>>
      tpu.wait_dma2 semaphore(%arg16 : memref<!tpu.dma_semaphore, #tpu.memory_space<semaphore_mem>>) src(%dma_wait3A_293 : memref<2000xi32, #tpu.memory_space<hbm>>) dst(%arg9 : memref<2000xi32, #tpu.memory_space<vmem>>)
      %dma_wait3A_294 = arith.constant 0 : i32
      %dma_wait3A_295 = tpu.memref_slice %arg4[%dma_wait3A_294] : memref<3200000xi32, #tpu.memory_space<hbm>> -> memref<2000xi32, #tpu.memory_space<hbm>>
      %dma_wait3A_296 = arith.constant 0 : i32
      %dma_wait3A_297 = tpu.memref_slice %arg4[%dma_wait3A_296] : memref<3200000xi32, #tpu.memory_space<hbm>> -> memref<2000xi32, #tpu.memory_space<hbm>>
      tpu.wait_dma2 semaphore(%arg16 : memref<!tpu.dma_semaphore, #tpu.memory_space<semaphore_mem>>) src(%dma_wait3A_297 : memref<2000xi32, #tpu.memory_space<hbm>>) dst(%arg12 : memref<2000xi32, #tpu.memory_space<vmem>>)
      %scan3A_298 = arith.constant 0 : i32
      %scan3A_299 = arith.constant 124 : i32
      %scan3A_300 = arith.addi %scan3A_298, %scan3A_299 : i32
      %scan3A_301 = arith.constant 4 : i32
      %scan3A_302:3 = scf.for %scan3A_448 = %scan3A_298 to %scan3A_300 step %scan3A_301 iter_args(%scan3A_449 = %max3A_277, %scan3A_450 = %add3A_269, %scan3A_451 = %min3A_273) -> (vector<16xi32>, vector<16xi32>, vector<16xi32>)  : i32 {
        %mul3A_452 = arith.constant 16 : i32
        %mul3A_453 = arith.muli %scan3A_448, %mul3A_452 : i32
        %get3A_454 = arith.index_cast %mul3A_453 : i32 to index
        %get3A_455 = tpu.vector_load %arg9[%get3A_454] {strides = array<i32>} : memref<2000xi32, #tpu.memory_space<vmem>>, vector<16xi32>,
        %mul3A_456 = arith.constant 16 : i32
        %mul3A_457 = arith.muli %scan3A_448, %mul3A_456 : i32
        %get3A_458 = arith.index_cast %mul3A_457 : i32 to index
        %get3A_459 = tpu.vector_load %arg12[%get3A_458] {strides = array<i32>} : memref<2000xi32, #tpu.memory_space<vmem>>, vector<16xi32>,
        %lt3A_460 = arith.constant 100000 : i32
        %lt3A_461 = vector.broadcast %lt3A_460 : i32 to vector<16xi32>
        %lt3A_462 = arith.cmpi slt, %get3A_455, %lt3A_461 : vector<16xi32>
        %sub3A_463 = arith.constant 100000 : i32
        %sub3A_464 = vector.broadcast %sub3A_463 : i32 to vector<16xi32>
        %sub3A_465 = arith.subi %get3A_455, %sub3A_464 : vector<16xi32>
        %select_n3A_466 = arith.select %lt3A_462, %get3A_455, %sub3A_465 : vector<16xi1>, vector<16xi32>
        %gather3A_467 = tpu.vector_load_idx %arg6[%select_n3A_466] : memref<100000xf32, #tpu.memory_space<vmem>>[vector<16xi32>], vector<16xf32>,
        %ge3A_468 = arith.constant 5.000000e-01 : f32
        %ge3A_469 = vector.broadcast %ge3A_468 : f32 to vector<16xf32>
        %ge3A_470 = arith.cmpf oge, %gather3A_467, %ge3A_469 : vector<16xf32>
        %eq3A_471 = arith.xori %ge3A_470, %lt3A_462 : vector<16xi1>
        %eq3A_472 = arith.constant dense<true> : vector<16xi1>
        %eq3A_473 = arith.xori %eq3A_471, %eq3A_472 : vector<16xi1>
        %jit3A_474 = arith.constant -1 : i32
        %broadcast_in_dim3A_475 = vector.broadcast %jit3A_474 : i32 to vector<16xi32>
        %select_n3A_476 = arith.select %eq3A_473, %get3A_459, %broadcast_in_dim3A_475 : vector<16xi1>, vector<16xi32>
        %broadcast_in_dim3A_477 = arith.constant true
        %broadcast_in_dim3A_478 = vector.broadcast %broadcast_in_dim3A_477 : i1 to vector<16xi1>
        %masked_cummax3A_479 = arith.constant -2147483648 : i32
        %masked_cummax3A_480 = vector.broadcast %masked_cummax3A_479 : i32 to vector<16xi32>
        %masked_cummax3A_481 = arith.xori %select_n3A_476, %masked_cummax3A_480 : vector<16xi32>
        %masked_cummax3A_482 = tpu.scan <max>, %masked_cummax3A_481 masked %broadcast_in_dim3A_478 : vector<16xi32>, vector<16xi1> -> vector<16xi32>
        %masked_cummax3A_483 = arith.xori %masked_cummax3A_482, %masked_cummax3A_480 : vector<16xi32>
        %reshape3A_484 = vector.shape_cast %max3A_25 : vector<16xi32> to vector<16x1xi32>
        %gather3A_485 = vector.shape_cast %reshape3A_484 : vector<16x1xi32> to vector<16xi32>
        %gather3A_486 = tpu.dynamic_gather %masked_cummax3A_483[%gather3A_485] in [0] : vector<16xi32>, vector<16xi32> -> vector<16xi32>
        %eq3A_487 = arith.constant 0 : i32
        %eq3A_488 = vector.broadcast %eq3A_487 : i32 to vector<16xi32>
        %eq3A_489 = arith.cmpi eq, %iota3A, %eq3A_488 : vector<16xi32>
        %jit3A_490 = arith.constant -1 : i32
        %broadcast_in_dim3A_491 = vector.broadcast %jit3A_490 : i32 to vector<16xi32>
        %select_n3A_492 = arith.select %eq3A_489, %broadcast_in_dim3A_491, %gather3A_486 : vector<16xi1>, vector<16xi32>
        %max3A_493 = arith.maxsi %select_n3A_492, %scan3A_449 : vector<16xi32>
        %gt3A_494 = arith.cmpi sgt, %get3A_459, %max3A_493 : vector<16xi32>
        %and3A_495 = arith.andi %eq3A_473, %gt3A_494 : vector<16xi1>
        %convert_element_type3A_496 = arith.extui %and3A_495 : vector<16xi1> to vector<16xi32>
        %add3A_497 = arith.addi %scan3A_450, %convert_element_type3A_496 : vector<16xi32>
        %jit3A_498 = arith.constant 1073741823 : i32
        %broadcast_in_dim3A_499 = vector.broadcast %jit3A_498 : i32 to vector<16xi32>
        %select_n3A_500 = arith.select %eq3A_473, %get3A_459, %broadcast_in_dim3A_499 : vector<16xi1>, vector<16xi32>
        %min3A_501 = arith.minsi %scan3A_451, %select_n3A_500 : vector<16xi32>
        %reshape3A_502 = vector.shape_cast %broadcast_in_dim3A_26 : vector<16xi32> to vector<16x1xi32>
        %gather3A_503 = vector.shape_cast %reshape3A_502 : vector<16x1xi32> to vector<16xi32>
        %gather3A_504 = tpu.dynamic_gather %masked_cummax3A_483[%gather3A_503] in [0] : vector<16xi32>, vector<16xi32> -> vector<16xi32>
        %max3A_505 = arith.maxsi %scan3A_449, %gather3A_504 : vector<16xi32>
        %scan3A_506 = arith.constant 1 : i32
        %scan3A_507 = arith.addi %scan3A_448, %scan3A_506 : i32
        %mul3A_508 = arith.constant 16 : i32
        %mul3A_509 = arith.muli %scan3A_507, %mul3A_508 : i32
        %get3A_510 = arith.index_cast %mul3A_509 : i32 to index
        %get3A_511 = tpu.vector_load %arg9[%get3A_510] {strides = array<i32>} : memref<2000xi32, #tpu.memory_space<vmem>>, vector<16xi32>,
        %mul3A_512 = arith.constant 16 : i32
        %mul3A_513 = arith.muli %scan3A_507, %mul3A_512 : i32
        %get3A_514 = arith.index_cast %mul3A_513 : i32 to index
        %get3A_515 = tpu.vector_load %arg12[%get3A_514] {strides = array<i32>} : memref<2000xi32, #tpu.memory_space<vmem>>, vector<16xi32>,
        %lt3A_516 = arith.constant 100000 : i32
        %lt3A_517 = vector.broadcast %lt3A_516 : i32 to vector<16xi32>
        %lt3A_518 = arith.cmpi slt, %get3A_511, %lt3A_517 : vector<16xi32>
        %sub3A_519 = arith.constant 100000 : i32
        %sub3A_520 = vector.broadcast %sub3A_519 : i32 to vector<16xi32>
        %sub3A_521 = arith.subi %get3A_511, %sub3A_520 : vector<16xi32>
        %select_n3A_522 = arith.select %lt3A_518, %get3A_511, %sub3A_521 : vector<16xi1>, vector<16xi32>
        %gather3A_523 = tpu.vector_load_idx %arg6[%select_n3A_522] : memref<100000xf32, #tpu.memory_space<vmem>>[vector<16xi32>], vector<16xf32>,
        %ge3A_524 = arith.constant 5.000000e-01 : f32
        %ge3A_525 = vector.broadcast %ge3A_524 : f32 to vector<16xf32>
        %ge3A_526 = arith.cmpf oge, %gather3A_523, %ge3A_525 : vector<16xf32>
        %eq3A_527 = arith.xori %ge3A_526, %lt3A_518 : vector<16xi1>
        %eq3A_528 = arith.constant dense<true> : vector<16xi1>
        %eq3A_529 = arith.xori %eq3A_527, %eq3A_528 : vector<16xi1>
        %jit3A_530 = arith.constant -1 : i32
        %broadcast_in_dim3A_531 = vector.broadcast %jit3A_530 : i32 to vector<16xi32>
        %select_n3A_532 = arith.select %eq3A_529, %get3A_515, %broadcast_in_dim3A_531 : vector<16xi1>, vector<16xi32>
        %broadcast_in_dim3A_533 = arith.constant true
        %broadcast_in_dim3A_534 = vector.broadcast %broadcast_in_dim3A_533 : i1 to vector<16xi1>
        %masked_cummax3A_535 = arith.constant -2147483648 : i32
        %masked_cummax3A_536 = vector.broadcast %masked_cummax3A_535 : i32 to vector<16xi32>
        %masked_cummax3A_537 = arith.xori %select_n3A_532, %masked_cummax3A_536 : vector<16xi32>
        %masked_cummax3A_538 = tpu.scan <max>, %masked_cummax3A_537 masked %broadcast_in_dim3A_534 : vector<16xi32>, vector<16xi1> -> vector<16xi32>
        %masked_cummax3A_539 = arith.xori %masked_cummax3A_538, %masked_cummax3A_536 : vector<16xi32>
        %reshape3A_540 = vector.shape_cast %max3A_25 : vector<16xi32> to vector<16x1xi32>
        %gather3A_541 = vector.shape_cast %reshape3A_540 : vector<16x1xi32> to vector<16xi32>
        %gather3A_542 = tpu.dynamic_gather %masked_cummax3A_539[%gather3A_541] in [0] : vector<16xi32>, vector<16xi32> -> vector<16xi32>
        %eq3A_543 = arith.constant 0 : i32
        %eq3A_544 = vector.broadcast %eq3A_543 : i32 to vector<16xi32>
        %eq3A_545 = arith.cmpi eq, %iota3A, %eq3A_544 : vector<16xi32>
        %jit3A_546 = arith.constant -1 : i32
        %broadcast_in_dim3A_547 = vector.broadcast %jit3A_546 : i32 to vector<16xi32>
        %select_n3A_548 = arith.select %eq3A_545, %broadcast_in_dim3A_547, %gather3A_542 : vector<16xi1>, vector<16xi32>
        %max3A_549 = arith.maxsi %select_n3A_548, %max3A_505 : vector<16xi32>
        %gt3A_550 = arith.cmpi sgt, %get3A_515, %max3A_549 : vector<16xi32>
        %and3A_551 = arith.andi %eq3A_529, %gt3A_550 : vector<16xi1>
        %convert_element_type3A_552 = arith.extui %and3A_551 : vector<16xi1> to vector<16xi32>
        %add3A_553 = arith.addi %add3A_497, %convert_element_type3A_552 : vector<16xi32>
        %jit3A_554 = arith.constant 1073741823 : i32
        %broadcast_in_dim3A_555 = vector.broadcast %jit3A_554 : i32 to vector<16xi32>
        %select_n3A_556 = arith.select %eq3A_529, %get3A_515, %broadcast_in_dim3A_555 : vector<16xi1>, vector<16xi32>
        %min3A_557 = arith.minsi %min3A_501, %select_n3A_556 : vector<16xi32>
        %reshape3A_558 = vector.shape_cast %broadcast_in_dim3A_26 : vector<16xi32> to vector<16x1xi32>
        %gather3A_559 = vector.shape_cast %reshape3A_558 : vector<16x1xi32> to vector<16xi32>
        %gather3A_560 = tpu.dynamic_gather %masked_cummax3A_539[%gather3A_559] in [0] : vector<16xi32>, vector<16xi32> -> vector<16xi32>
        %max3A_561 = arith.maxsi %max3A_505, %gather3A_560 : vector<16xi32>
        %scan3A_562 = arith.constant 2 : i32
        %scan3A_563 = arith.addi %scan3A_448, %scan3A_562 : i32
        %mul3A_564 = arith.constant 16 : i32
        %mul3A_565 = arith.muli %scan3A_563, %mul3A_564 : i32
        %get3A_566 = arith.index_cast %mul3A_565 : i32 to index
        %get3A_567 = tpu.vector_load %arg9[%get3A_566] {strides = array<i32>} : memref<2000xi32, #tpu.memory_space<vmem>>, vector<16xi32>,
        %mul3A_568 = arith.constant 16 : i32
        %mul3A_569 = arith.muli %scan3A_563, %mul3A_568 : i32
        %get3A_570 = arith.index_cast %mul3A_569 : i32 to index
        %get3A_571 = tpu.vector_load %arg12[%get3A_570] {strides = array<i32>} : memref<2000xi32, #tpu.memory_space<vmem>>, vector<16xi32>,
        %lt3A_572 = arith.constant 100000 : i32
        %lt3A_573 = vector.broadcast %lt3A_572 : i32 to vector<16xi32>
        %lt3A_574 = arith.cmpi slt, %get3A_567, %lt3A_573 : vector<16xi32>
        %sub3A_575 = arith.constant 100000 : i32
        %sub3A_576 = vector.broadcast %sub3A_575 : i32 to vector<16xi32>
        %sub3A_577 = arith.subi %get3A_567, %sub3A_576 : vector<16xi32>
        %select_n3A_578 = arith.select %lt3A_574, %get3A_567, %sub3A_577 : vector<16xi1>, vector<16xi32>
        %gather3A_579 = tpu.vector_load_idx %arg6[%select_n3A_578] : memref<100000xf32, #tpu.memory_space<vmem>>[vector<16xi32>], vector<16xf32>,
        %ge3A_580 = arith.constant 5.000000e-01 : f32
        %ge3A_581 = vector.broadcast %ge3A_580 : f32 to vector<16xf32>
        %ge3A_582 = arith.cmpf oge, %gather3A_579, %ge3A_581 : vector<16xf32>
        %eq3A_583 = arith.xori %ge3A_582, %lt3A_574 : vector<16xi1>
        %eq3A_584 = arith.constant dense<true> : vector<16xi1>
        %eq3A_585 = arith.xori %eq3A_583, %eq3A_584 : vector<16xi1>
        %jit3A_586 = arith.constant -1 : i32
        %broadcast_in_dim3A_587 = vector.broadcast %jit3A_586 : i32 to vector<16xi32>
        %select_n3A_588 = arith.select %eq3A_585, %get3A_571, %broadcast_in_dim3A_587 : vector<16xi1>, vector<16xi32>
        %broadcast_in_dim3A_589 = arith.constant true
        %broadcast_in_dim3A_590 = vector.broadcast %broadcast_in_dim3A_589 : i1 to vector<16xi1>
        %masked_cummax3A_591 = arith.constant -2147483648 : i32
        %masked_cummax3A_592 = vector.broadcast %masked_cummax3A_591 : i32 to vector<16xi32>
        %masked_cummax3A_593 = arith.xori %select_n3A_588, %masked_cummax3A_592 : vector<16xi32>
        %masked_cummax3A_594 = tpu.scan <max>, %masked_cummax3A_593 masked %broadcast_in_dim3A_590 : vector<16xi32>, vector<16xi1> -> vector<16xi32>
        %masked_cummax3A_595 = arith.xori %masked_cummax3A_594, %masked_cummax3A_592 : vector<16xi32>
        %reshape3A_596 = vector.shape_cast %max3A_25 : vector<16xi32> to vector<16x1xi32>
        %gather3A_597 = vector.shape_cast %reshape3A_596 : vector<16x1xi32> to vector<16xi32>
        %gather3A_598 = tpu.dynamic_gather %masked_cummax3A_595[%gather3A_597] in [0] : vector<16xi32>, vector<16xi32> -> vector<16xi32>
        %eq3A_599 = arith.constant 0 : i32
        %eq3A_600 = vector.broadcast %eq3A_599 : i32 to vector<16xi32>
        %eq3A_601 = arith.cmpi eq, %iota3A, %eq3A_600 : vector<16xi32>
        %jit3A_602 = arith.constant -1 : i32
        %broadcast_in_dim3A_603 = vector.broadcast %jit3A_602 : i32 to vector<16xi32>
        %select_n3A_604 = arith.select %eq3A_601, %broadcast_in_dim3A_603, %gather3A_598 : vector<16xi1>, vector<16xi32>
        %max3A_605 = arith.maxsi %select_n3A_604, %max3A_561 : vector<16xi32>
        %gt3A_606 = arith.cmpi sgt, %get3A_571, %max3A_605 : vector<16xi32>
        %and3A_607 = arith.andi %eq3A_585, %gt3A_606 : vector<16xi1>
        %convert_element_type3A_608 = arith.extui %and3A_607 : vector<16xi1> to vector<16xi32>
        %add3A_609 = arith.addi %add3A_553, %convert_element_type3A_608 : vector<16xi32>
        %jit3A_610 = arith.constant 1073741823 : i32
        %broadcast_in_dim3A_611 = vector.broadcast %jit3A_610 : i32 to vector<16xi32>
        %select_n3A_612 = arith.select %eq3A_585, %get3A_571, %broadcast_in_dim3A_611 : vector<16xi1>, vector<16xi32>
        %min3A_613 = arith.minsi %min3A_557, %select_n3A_612 : vector<16xi32>
        %reshape3A_614 = vector.shape_cast %broadcast_in_dim3A_26 : vector<16xi32> to vector<16x1xi32>
        %gather3A_615 = vector.shape_cast %reshape3A_614 : vector<16x1xi32> to vector<16xi32>
        %gather3A_616 = tpu.dynamic_gather %masked_cummax3A_595[%gather3A_615] in [0] : vector<16xi32>, vector<16xi32> -> vector<16xi32>
        %max3A_617 = arith.maxsi %max3A_561, %gather3A_616 : vector<16xi32>
        %scan3A_618 = arith.constant 3 : i32
        %scan3A_619 = arith.addi %scan3A_448, %scan3A_618 : i32
        %mul3A_620 = arith.constant 16 : i32
        %mul3A_621 = arith.muli %scan3A_619, %mul3A_620 : i32
        %get3A_622 = arith.index_cast %mul3A_621 : i32 to index
        %get3A_623 = tpu.vector_load %arg9[%get3A_622] {strides = array<i32>} : memref<2000xi32, #tpu.memory_space<vmem>>, vector<16xi32>,
        %mul3A_624 = arith.constant 16 : i32
        %mul3A_625 = arith.muli %scan3A_619, %mul3A_624 : i32
        %get3A_626 = arith.index_cast %mul3A_625 : i32 to index
        %get3A_627 = tpu.vector_load %arg12[%get3A_626] {strides = array<i32>} : memref<2000xi32, #tpu.memory_space<vmem>>, vector<16xi32>,
        %lt3A_628 = arith.constant 100000 : i32
        %lt3A_629 = vector.broadcast %lt3A_628 : i32 to vector<16xi32>
        %lt3A_630 = arith.cmpi slt, %get3A_623, %lt3A_629 : vector<16xi32>
        %sub3A_631 = arith.constant 100000 : i32
        %sub3A_632 = vector.broadcast %sub3A_631 : i32 to vector<16xi32>
        %sub3A_633 = arith.subi %get3A_623, %sub3A_632 : vector<16xi32>
        %select_n3A_634 = arith.select %lt3A_630, %get3A_623, %sub3A_633 : vector<16xi1>, vector<16xi32>
        %gather3A_635 = tpu.vector_load_idx %arg6[%select_n3A_634] : memref<100000xf32, #tpu.memory_space<vmem>>[vector<16xi32>], vector<16xf32>,
        %ge3A_636 = arith.constant 5.000000e-01 : f32
        %ge3A_637 = vector.broadcast %ge3A_636 : f32 to vector<16xf32>
        %ge3A_638 = arith.cmpf oge, %gather3A_635, %ge3A_637 : vector<16xf32>
        %eq3A_639 = arith.xori %ge3A_638, %lt3A_630 : vector<16xi1>
        %eq3A_640 = arith.constant dense<true> : vector<16xi1>
        %eq3A_641 = arith.xori %eq3A_639, %eq3A_640 : vector<16xi1>
        %jit3A_642 = arith.constant -1 : i32
        %broadcast_in_dim3A_643 = vector.broadcast %jit3A_642 : i32 to vector<16xi32>
        %select_n3A_644 = arith.select %eq3A_641, %get3A_627, %broadcast_in_dim3A_643 : vector<16xi1>, vector<16xi32>
        %broadcast_in_dim3A_645 = arith.constant true
        %broadcast_in_dim3A_646 = vector.broadcast %broadcast_in_dim3A_645 : i1 to vector<16xi1>
        %masked_cummax3A_647 = arith.constant -2147483648 : i32
        %masked_cummax3A_648 = vector.broadcast %masked_cummax3A_647 : i32 to vector<16xi32>
        %masked_cummax3A_649 = arith.xori %select_n3A_644, %masked_cummax3A_648 : vector<16xi32>
        %masked_cummax3A_650 = tpu.scan <max>, %masked_cummax3A_649 masked %broadcast_in_dim3A_646 : vector<16xi32>, vector<16xi1> -> vector<16xi32>
        %masked_cummax3A_651 = arith.xori %masked_cummax3A_650, %masked_cummax3A_648 : vector<16xi32>
        %reshape3A_652 = vector.shape_cast %max3A_25 : vector<16xi32> to vector<16x1xi32>
        %gather3A_653 = vector.shape_cast %reshape3A_652 : vector<16x1xi32> to vector<16xi32>
        %gather3A_654 = tpu.dynamic_gather %masked_cummax3A_651[%gather3A_653] in [0] : vector<16xi32>, vector<16xi32> -> vector<16xi32>
        %eq3A_655 = arith.constant 0 : i32
        %eq3A_656 = vector.broadcast %eq3A_655 : i32 to vector<16xi32>
        %eq3A_657 = arith.cmpi eq, %iota3A, %eq3A_656 : vector<16xi32>
        %jit3A_658 = arith.constant -1 : i32
        %broadcast_in_dim3A_659 = vector.broadcast %jit3A_658 : i32 to vector<16xi32>
        %select_n3A_660 = arith.select %eq3A_657, %broadcast_in_dim3A_659, %gather3A_654 : vector<16xi1>, vector<16xi32>
        %max3A_661 = arith.maxsi %select_n3A_660, %max3A_617 : vector<16xi32>
        %gt3A_662 = arith.cmpi sgt, %get3A_627, %max3A_661 : vector<16xi32>
        %and3A_663 = arith.andi %eq3A_641, %gt3A_662 : vector<16xi1>
        %convert_element_type3A_664 = arith.extui %and3A_663 : vector<16xi1> to vector<16xi32>
        %add3A_665 = arith.addi %add3A_609, %convert_element_type3A_664 : vector<16xi32>
        %jit3A_666 = arith.constant 1073741823 : i32
        %broadcast_in_dim3A_667 = vector.broadcast %jit3A_666 : i32 to vector<16xi32>
        %select_n3A_668 = arith.select %eq3A_641, %get3A_627, %broadcast_in_dim3A_667 : vector<16xi1>, vector<16xi32>
        %min3A_669 = arith.minsi %min3A_613, %select_n3A_668 : vector<16xi32>
        %reshape3A_670 = vector.shape_cast %broadcast_in_dim3A_26 : vector<16xi32> to vector<16x1xi32>
        %gather3A_671 = vector.shape_cast %reshape3A_670 : vector<16x1xi32> to vector<16xi32>
        %gather3A_672 = tpu.dynamic_gather %masked_cummax3A_651[%gather3A_671] in [0] : vector<16xi32>, vector<16xi32> -> vector<16xi32>
        %max3A_673 = arith.maxsi %max3A_617, %gather3A_672 : vector<16xi32>
        scf.yield %max3A_673, %add3A_665, %min3A_669 : vector<16xi32>, vector<16xi32>, vector<16xi32>
      }
      %scan3A_303 = arith.constant 124 : i32
      %scan3A_304 = arith.addi %scan3A_298, %scan3A_303 : i32
      %mul3A_305 = arith.constant 16 : i32
      %mul3A_306 = arith.muli %scan3A_304, %mul3A_305 : i32
      %get3A_307 = arith.index_cast %mul3A_306 : i32 to index
      %get3A_308 = tpu.vector_load %arg9[%get3A_307] {strides = array<i32>} : memref<2000xi32, #tpu.memory_space<vmem>>, vector<16xi32>,
      %mul3A_309 = arith.constant 16 : i32
      %mul3A_310 = arith.muli %scan3A_304, %mul3A_309 : i32
      %get3A_311 = arith.index_cast %mul3A_310 : i32 to index
      %get3A_312 = tpu.vector_load %arg12[%get3A_311] {strides = array<i32>} : memref<2000xi32, #tpu.memory_space<vmem>>, vector<16xi32>,
      %lt3A_313 = arith.constant 100000 : i32
      %lt3A_314 = vector.broadcast %lt3A_313 : i32 to vector<16xi32>
      %lt3A_315 = arith.cmpi slt, %get3A_308, %lt3A_314 : vector<16xi32>
      %sub3A_316 = arith.constant 100000 : i32
      %sub3A_317 = vector.broadcast %sub3A_316 : i32 to vector<16xi32>
      %sub3A_318 = arith.subi %get3A_308, %sub3A_317 : vector<16xi32>
      %select_n3A_319 = arith.select %lt3A_315, %get3A_308, %sub3A_318 : vector<16xi1>, vector<16xi32>
      %gather3A_320 = tpu.vector_load_idx %arg6[%select_n3A_319] : memref<100000xf32, #tpu.memory_space<vmem>>[vector<16xi32>], vector<16xf32>,
      %ge3A_321 = arith.constant 5.000000e-01 : f32
      %ge3A_322 = vector.broadcast %ge3A_321 : f32 to vector<16xf32>
      %ge3A_323 = arith.cmpf oge, %gather3A_320, %ge3A_322 : vector<16xf32>
      %eq3A_324 = arith.xori %ge3A_323, %lt3A_315 : vector<16xi1>
      %eq3A_325 = arith.constant dense<true> : vector<16xi1>
      %eq3A_326 = arith.xori %eq3A_324, %eq3A_325 : vector<16xi1>
      %jit3A_327 = arith.constant -1 : i32
      %broadcast_in_dim3A_328 = vector.broadcast %jit3A_327 : i32 to vector<16xi32>
      %select_n3A_329 = arith.select %eq3A_326, %get3A_312, %broadcast_in_dim3A_328 : vector<16xi1>, vector<16xi32>
      %broadcast_in_dim3A_330 = arith.constant true
      %broadcast_in_dim3A_331 = vector.broadcast %broadcast_in_dim3A_330 : i1 to vector<16xi1>
      %masked_cummax3A_332 = arith.constant -2147483648 : i32
      %masked_cummax3A_333 = vector.broadcast %masked_cummax3A_332 : i32 to vector<16xi32>
      %masked_cummax3A_334 = arith.xori %select_n3A_329, %masked_cummax3A_333 : vector<16xi32>
      %masked_cummax3A_335 = tpu.scan <max>, %masked_cummax3A_334 masked %broadcast_in_dim3A_331 : vector<16xi32>, vector<16xi1> -> vector<16xi32>
      %masked_cummax3A_336 = arith.xori %masked_cummax3A_335, %masked_cummax3A_333 : vector<16xi32>
      %reshape3A_337 = vector.shape_cast %max3A_25 : vector<16xi32> to vector<16x1xi32>
      %gather3A_338 = vector.shape_cast %reshape3A_337 : vector<16x1xi32> to vector<16xi32>
      %gather3A_339 = tpu.dynamic_gather %masked_cummax3A_336[%gather3A_338] in [0] : vector<16xi32>, vector<16xi32> -> vector<16xi32>
      %eq3A_340 = arith.constant 0 : i32
      %eq3A_341 = vector.broadcast %eq3A_340 : i32 to vector<16xi32>
      %eq3A_342 = arith.cmpi eq, %iota3A, %eq3A_341 : vector<16xi32>
      %jit3A_343 = arith.constant -1 : i32
      %broadcast_in_dim3A_344 = vector.broadcast %jit3A_343 : i32 to vector<16xi32>
      %select_n3A_345 = arith.select %eq3A_342, %broadcast_in_dim3A_344, %gather3A_339 : vector<16xi1>, vector<16xi32>
      %max3A_346 = arith.maxsi %select_n3A_345, %scan3A_302#0 : vector<16xi32>
      %gt3A_347 = arith.cmpi sgt, %get3A_312, %max3A_346 : vector<16xi32>
      %and3A_348 = arith.andi %eq3A_326, %gt3A_347 : vector<16xi1>
      %convert_element_type3A_349 = arith.extui %and3A_348 : vector<16xi1> to vector<16xi32>
      %add3A_350 = arith.addi %scan3A_302#1, %convert_element_type3A_349 : vector<16xi32>
      %jit3A_351 = arith.constant 1073741823 : i32
      %broadcast_in_dim3A_352 = vector.broadcast %jit3A_351 : i32 to vector<16xi32>
      %select_n3A_353 = arith.select %eq3A_326, %get3A_312, %broadcast_in_dim3A_352 : vector<16xi1>, vector<16xi32>
      %min3A_354 = arith.minsi %scan3A_302#2, %select_n3A_353 : vector<16xi32>
      %reshape3A_355 = vector.shape_cast %broadcast_in_dim3A_26 : vector<16xi32> to vector<16x1xi32>
      %gather3A_356 = vector.shape_cast %reshape3A_355 : vector<16x1xi32> to vector<16xi32>
      %gather3A_357 = tpu.dynamic_gather %masked_cummax3A_336[%gather3A_356] in [0] : vector<16xi32>, vector<16xi32> -> vector<16xi32>
      %max3A_358 = arith.maxsi %scan3A_302#0, %gather3A_357 : vector<16xi32>
      %scan3A_359 = arith.constant 125 : i32
      %add3A_360 = arith.constant 3 : i32
      %add3A_361 = arith.addi %add3A_289, %add3A_360 : i32
      %lt3A_362 = arith.constant 50 : i32
      %lt3A_363 = arith.cmpi slt, %add3A_361, %lt3A_362 : i32
      %convert_element_type3A_364 = arith.extui %lt3A_363 : i1 to i32
      %cond3A_365 = arith.constant 0 : i32
      %cond3A_366 = arith.cmpi ne, %convert_element_type3A_364, %cond3A_365 : i32
      scf.if %cond3A_366 {
        %add3A_448 = arith.constant 3 : i32
        %add3A_449 = arith.addi %add3A_289, %add3A_448 : i32
        %mul3A_450 = arith.constant 2000 : i32
        %mul3A_451 = arith.muli %add3A_449, %mul3A_450 : i32
        %add3A_452 = arith.addi %mul3A_2, %mul3A_451 : i32
        %dma_start3A_453 = tpu.memref_slice %arg3[%add3A_452] : memref<3200000xi32, #tpu.memory_space<hbm>> -> memref<2000xi32, #tpu.memory_space<hbm>>
        %dma_start3A_454 = tpu.memref_slice %arg3[%add3A_452] : memref<3200000xi32, #tpu.memory_space<hbm>> -> memref<2000xi32, #tpu.memory_space<hbm>>
        tpu.enqueue_dma source(%dma_start3A_454 : memref<2000xi32, #tpu.memory_space<hbm>>) target(%arg9 : memref<2000xi32, #tpu.memory_space<vmem>>) target_semaphore(%arg16 : memref<!tpu.dma_semaphore, #tpu.memory_space<semaphore_mem>>)
        %dma_start3A_455 = tpu.memref_slice %arg4[%add3A_452] : memref<3200000xi32, #tpu.memory_space<hbm>> -> memref<2000xi32, #tpu.memory_space<hbm>>
        %dma_start3A_456 = tpu.memref_slice %arg4[%add3A_452] : memref<3200000xi32, #tpu.memory_space<hbm>> -> memref<2000xi32, #tpu.memory_space<hbm>>
        tpu.enqueue_dma source(%dma_start3A_456 : memref<2000xi32, #tpu.memory_space<hbm>>) target(%arg12 : memref<2000xi32, #tpu.memory_space<vmem>>) target_semaphore(%arg16 : memref<!tpu.dma_semaphore, #tpu.memory_space<semaphore_mem>>)
      } else {
      }
      %mul3A_367 = arith.constant 3 : i32
      %mul3A_368 = arith.muli %mul3A_367, %scan3A_201 : i32
      %add3A_369 = arith.constant 2 : i32
      %add3A_370 = arith.addi %mul3A_368, %add3A_369 : i32
      %dma_wait3A_371 = arith.constant 0 : i32
      %dma_wait3A_372 = tpu.memref_slice %arg3[%dma_wait3A_371] : memref<3200000xi32, #tpu.memory_space<hbm>> -> memref<2000xi32, #tpu.memory_space<hbm>>
      %dma_wait3A_373 = arith.constant 0 : i32
      %dma_wait3A_374 = tpu.memref_slice %arg3[%dma_wait3A_373] : memref<3200000xi32, #tpu.memory_space<hbm>> -> memref<2000xi32, #tpu.memory_space<hbm>>
      tpu.wait_dma2 semaphore(%arg17 : memref<!tpu.dma_semaphore, #tpu.memory_space<semaphore_mem>>) src(%dma_wait3A_374 : memref<2000xi32, #tpu.memory_space<hbm>>) dst(%arg10 : memref<2000xi32, #tpu.memory_space<vmem>>)
      %dma_wait3A_375 = arith.constant 0 : i32
      %dma_wait3A_376 = tpu.memref_slice %arg4[%dma_wait3A_375] : memref<3200000xi32, #tpu.memory_space<hbm>> -> memref<2000xi32, #tpu.memory_space<hbm>>
      %dma_wait3A_377 = arith.constant 0 : i32
      %dma_wait3A_378 = tpu.memref_slice %arg4[%dma_wait3A_377] : memref<3200000xi32, #tpu.memory_space<hbm>> -> memref<2000xi32, #tpu.memory_space<hbm>>
      tpu.wait_dma2 semaphore(%arg17 : memref<!tpu.dma_semaphore, #tpu.memory_space<semaphore_mem>>) src(%dma_wait3A_378 : memref<2000xi32, #tpu.memory_space<hbm>>) dst(%arg13 : memref<2000xi32, #tpu.memory_space<vmem>>)
      %scan3A_379 = arith.constant 0 : i32
      %scan3A_380 = arith.constant 124 : i32
      %scan3A_381 = arith.addi %scan3A_379, %scan3A_380 : i32
      %scan3A_382 = arith.constant 4 : i32
      %scan3A_383:3 = scf.for %scan3A_448 = %scan3A_379 to %scan3A_381 step %scan3A_382 iter_args(%scan3A_449 = %max3A_358, %scan3A_450 = %add3A_350, %scan3A_451 = %min3A_354) -> (vector<16xi32>, vector<16xi32>, vector<16xi32>)  : i32 {
        %mul3A_452 = arith.constant 16 : i32
        %mul3A_453 = arith.muli %scan3A_448, %mul3A_452 : i32
        %get3A_454 = arith.index_cast %mul3A_453 : i32 to index
        %get3A_455 = tpu.vector_load %arg10[%get3A_454] {strides = array<i32>} : memref<2000xi32, #tpu.memory_space<vmem>>, vector<16xi32>,
        %mul3A_456 = arith.constant 16 : i32
        %mul3A_457 = arith.muli %scan3A_448, %mul3A_456 : i32
        %get3A_458 = arith.index_cast %mul3A_457 : i32 to index
        %get3A_459 = tpu.vector_load %arg13[%get3A_458] {strides = array<i32>} : memref<2000xi32, #tpu.memory_space<vmem>>, vector<16xi32>,
        %lt3A_460 = arith.constant 100000 : i32
        %lt3A_461 = vector.broadcast %lt3A_460 : i32 to vector<16xi32>
        %lt3A_462 = arith.cmpi slt, %get3A_455, %lt3A_461 : vector<16xi32>
        %sub3A_463 = arith.constant 100000 : i32
        %sub3A_464 = vector.broadcast %sub3A_463 : i32 to vector<16xi32>
        %sub3A_465 = arith.subi %get3A_455, %sub3A_464 : vector<16xi32>
        %select_n3A_466 = arith.select %lt3A_462, %get3A_455, %sub3A_465 : vector<16xi1>, vector<16xi32>
        %gather3A_467 = tpu.vector_load_idx %arg6[%select_n3A_466] : memref<100000xf32, #tpu.memory_space<vmem>>[vector<16xi32>], vector<16xf32>,
        %ge3A_468 = arith.constant 5.000000e-01 : f32
        %ge3A_469 = vector.broadcast %ge3A_468 : f32 to vector<16xf32>
        %ge3A_470 = arith.cmpf oge, %gather3A_467, %ge3A_469 : vector<16xf32>
        %eq3A_471 = arith.xori %ge3A_470, %lt3A_462 : vector<16xi1>
        %eq3A_472 = arith.constant dense<true> : vector<16xi1>
        %eq3A_473 = arith.xori %eq3A_471, %eq3A_472 : vector<16xi1>
        %jit3A_474 = arith.constant -1 : i32
        %broadcast_in_dim3A_475 = vector.broadcast %jit3A_474 : i32 to vector<16xi32>
        %select_n3A_476 = arith.select %eq3A_473, %get3A_459, %broadcast_in_dim3A_475 : vector<16xi1>, vector<16xi32>
        %broadcast_in_dim3A_477 = arith.constant true
        %broadcast_in_dim3A_478 = vector.broadcast %broadcast_in_dim3A_477 : i1 to vector<16xi1>
        %masked_cummax3A_479 = arith.constant -2147483648 : i32
        %masked_cummax3A_480 = vector.broadcast %masked_cummax3A_479 : i32 to vector<16xi32>
        %masked_cummax3A_481 = arith.xori %select_n3A_476, %masked_cummax3A_480 : vector<16xi32>
        %masked_cummax3A_482 = tpu.scan <max>, %masked_cummax3A_481 masked %broadcast_in_dim3A_478 : vector<16xi32>, vector<16xi1> -> vector<16xi32>
        %masked_cummax3A_483 = arith.xori %masked_cummax3A_482, %masked_cummax3A_480 : vector<16xi32>
        %reshape3A_484 = vector.shape_cast %max3A_25 : vector<16xi32> to vector<16x1xi32>
        %gather3A_485 = vector.shape_cast %reshape3A_484 : vector<16x1xi32> to vector<16xi32>
        %gather3A_486 = tpu.dynamic_gather %masked_cummax3A_483[%gather3A_485] in [0] : vector<16xi32>, vector<16xi32> -> vector<16xi32>
        %eq3A_487 = arith.constant 0 : i32
        %eq3A_488 = vector.broadcast %eq3A_487 : i32 to vector<16xi32>
        %eq3A_489 = arith.cmpi eq, %iota3A, %eq3A_488 : vector<16xi32>
        %jit3A_490 = arith.constant -1 : i32
        %broadcast_in_dim3A_491 = vector.broadcast %jit3A_490 : i32 to vector<16xi32>
        %select_n3A_492 = arith.select %eq3A_489, %broadcast_in_dim3A_491, %gather3A_486 : vector<16xi1>, vector<16xi32>
        %max3A_493 = arith.maxsi %select_n3A_492, %scan3A_449 : vector<16xi32>
        %gt3A_494 = arith.cmpi sgt, %get3A_459, %max3A_493 : vector<16xi32>
        %and3A_495 = arith.andi %eq3A_473, %gt3A_494 : vector<16xi1>
        %convert_element_type3A_496 = arith.extui %and3A_495 : vector<16xi1> to vector<16xi32>
        %add3A_497 = arith.addi %scan3A_450, %convert_element_type3A_496 : vector<16xi32>
        %jit3A_498 = arith.constant 1073741823 : i32
        %broadcast_in_dim3A_499 = vector.broadcast %jit3A_498 : i32 to vector<16xi32>
        %select_n3A_500 = arith.select %eq3A_473, %get3A_459, %broadcast_in_dim3A_499 : vector<16xi1>, vector<16xi32>
        %min3A_501 = arith.minsi %scan3A_451, %select_n3A_500 : vector<16xi32>
        %reshape3A_502 = vector.shape_cast %broadcast_in_dim3A_26 : vector<16xi32> to vector<16x1xi32>
        %gather3A_503 = vector.shape_cast %reshape3A_502 : vector<16x1xi32> to vector<16xi32>
        %gather3A_504 = tpu.dynamic_gather %masked_cummax3A_483[%gather3A_503] in [0] : vector<16xi32>, vector<16xi32> -> vector<16xi32>
        %max3A_505 = arith.maxsi %scan3A_449, %gather3A_504 : vector<16xi32>
        %scan3A_506 = arith.constant 1 : i32
        %scan3A_507 = arith.addi %scan3A_448, %scan3A_506 : i32
        %mul3A_508 = arith.constant 16 : i32
        %mul3A_509 = arith.muli %scan3A_507, %mul3A_508 : i32
        %get3A_510 = arith.index_cast %mul3A_509 : i32 to index
        %get3A_511 = tpu.vector_load %arg10[%get3A_510] {strides = array<i32>} : memref<2000xi32, #tpu.memory_space<vmem>>, vector<16xi32>,
        %mul3A_512 = arith.constant 16 : i32
        %mul3A_513 = arith.muli %scan3A_507, %mul3A_512 : i32
        %get3A_514 = arith.index_cast %mul3A_513 : i32 to index
        %get3A_515 = tpu.vector_load %arg13[%get3A_514] {strides = array<i32>} : memref<2000xi32, #tpu.memory_space<vmem>>, vector<16xi32>,
        %lt3A_516 = arith.constant 100000 : i32
        %lt3A_517 = vector.broadcast %lt3A_516 : i32 to vector<16xi32>
        %lt3A_518 = arith.cmpi slt, %get3A_511, %lt3A_517 : vector<16xi32>
        %sub3A_519 = arith.constant 100000 : i32
        %sub3A_520 = vector.broadcast %sub3A_519 : i32 to vector<16xi32>
        %sub3A_521 = arith.subi %get3A_511, %sub3A_520 : vector<16xi32>
        %select_n3A_522 = arith.select %lt3A_518, %get3A_511, %sub3A_521 : vector<16xi1>, vector<16xi32>
        %gather3A_523 = tpu.vector_load_idx %arg6[%select_n3A_522] : memref<100000xf32, #tpu.memory_space<vmem>>[vector<16xi32>], vector<16xf32>,
        %ge3A_524 = arith.constant 5.000000e-01 : f32
        %ge3A_525 = vector.broadcast %ge3A_524 : f32 to vector<16xf32>
        %ge3A_526 = arith.cmpf oge, %gather3A_523, %ge3A_525 : vector<16xf32>
        %eq3A_527 = arith.xori %ge3A_526, %lt3A_518 : vector<16xi1>
        %eq3A_528 = arith.constant dense<true> : vector<16xi1>
        %eq3A_529 = arith.xori %eq3A_527, %eq3A_528 : vector<16xi1>
        %jit3A_530 = arith.constant -1 : i32
        %broadcast_in_dim3A_531 = vector.broadcast %jit3A_530 : i32 to vector<16xi32>
        %select_n3A_532 = arith.select %eq3A_529, %get3A_515, %broadcast_in_dim3A_531 : vector<16xi1>, vector<16xi32>
        %broadcast_in_dim3A_533 = arith.constant true
        %broadcast_in_dim3A_534 = vector.broadcast %broadcast_in_dim3A_533 : i1 to vector<16xi1>
        %masked_cummax3A_535 = arith.constant -2147483648 : i32
        %masked_cummax3A_536 = vector.broadcast %masked_cummax3A_535 : i32 to vector<16xi32>
        %masked_cummax3A_537 = arith.xori %select_n3A_532, %masked_cummax3A_536 : vector<16xi32>
        %masked_cummax3A_538 = tpu.scan <max>, %masked_cummax3A_537 masked %broadcast_in_dim3A_534 : vector<16xi32>, vector<16xi1> -> vector<16xi32>
        %masked_cummax3A_539 = arith.xori %masked_cummax3A_538, %masked_cummax3A_536 : vector<16xi32>
        %reshape3A_540 = vector.shape_cast %max3A_25 : vector<16xi32> to vector<16x1xi32>
        %gather3A_541 = vector.shape_cast %reshape3A_540 : vector<16x1xi32> to vector<16xi32>
        %gather3A_542 = tpu.dynamic_gather %masked_cummax3A_539[%gather3A_541] in [0] : vector<16xi32>, vector<16xi32> -> vector<16xi32>
        %eq3A_543 = arith.constant 0 : i32
        %eq3A_544 = vector.broadcast %eq3A_543 : i32 to vector<16xi32>
        %eq3A_545 = arith.cmpi eq, %iota3A, %eq3A_544 : vector<16xi32>
        %jit3A_546 = arith.constant -1 : i32
        %broadcast_in_dim3A_547 = vector.broadcast %jit3A_546 : i32 to vector<16xi32>
        %select_n3A_548 = arith.select %eq3A_545, %broadcast_in_dim3A_547, %gather3A_542 : vector<16xi1>, vector<16xi32>
        %max3A_549 = arith.maxsi %select_n3A_548, %max3A_505 : vector<16xi32>
        %gt3A_550 = arith.cmpi sgt, %get3A_515, %max3A_549 : vector<16xi32>
        %and3A_551 = arith.andi %eq3A_529, %gt3A_550 : vector<16xi1>
        %convert_element_type3A_552 = arith.extui %and3A_551 : vector<16xi1> to vector<16xi32>
        %add3A_553 = arith.addi %add3A_497, %convert_element_type3A_552 : vector<16xi32>
        %jit3A_554 = arith.constant 1073741823 : i32
        %broadcast_in_dim3A_555 = vector.broadcast %jit3A_554 : i32 to vector<16xi32>
        %select_n3A_556 = arith.select %eq3A_529, %get3A_515, %broadcast_in_dim3A_555 : vector<16xi1>, vector<16xi32>
        %min3A_557 = arith.minsi %min3A_501, %select_n3A_556 : vector<16xi32>
        %reshape3A_558 = vector.shape_cast %broadcast_in_dim3A_26 : vector<16xi32> to vector<16x1xi32>
        %gather3A_559 = vector.shape_cast %reshape3A_558 : vector<16x1xi32> to vector<16xi32>
        %gather3A_560 = tpu.dynamic_gather %masked_cummax3A_539[%gather3A_559] in [0] : vector<16xi32>, vector<16xi32> -> vector<16xi32>
        %max3A_561 = arith.maxsi %max3A_505, %gather3A_560 : vector<16xi32>
        %scan3A_562 = arith.constant 2 : i32
        %scan3A_563 = arith.addi %scan3A_448, %scan3A_562 : i32
        %mul3A_564 = arith.constant 16 : i32
        %mul3A_565 = arith.muli %scan3A_563, %mul3A_564 : i32
        %get3A_566 = arith.index_cast %mul3A_565 : i32 to index
        %get3A_567 = tpu.vector_load %arg10[%get3A_566] {strides = array<i32>} : memref<2000xi32, #tpu.memory_space<vmem>>, vector<16xi32>,
        %mul3A_568 = arith.constant 16 : i32
        %mul3A_569 = arith.muli %scan3A_563, %mul3A_568 : i32
        %get3A_570 = arith.index_cast %mul3A_569 : i32 to index
        %get3A_571 = tpu.vector_load %arg13[%get3A_570] {strides = array<i32>} : memref<2000xi32, #tpu.memory_space<vmem>>, vector<16xi32>,
        %lt3A_572 = arith.constant 100000 : i32
        %lt3A_573 = vector.broadcast %lt3A_572 : i32 to vector<16xi32>
        %lt3A_574 = arith.cmpi slt, %get3A_567, %lt3A_573 : vector<16xi32>
        %sub3A_575 = arith.constant 100000 : i32
        %sub3A_576 = vector.broadcast %sub3A_575 : i32 to vector<16xi32>
        %sub3A_577 = arith.subi %get3A_567, %sub3A_576 : vector<16xi32>
        %select_n3A_578 = arith.select %lt3A_574, %get3A_567, %sub3A_577 : vector<16xi1>, vector<16xi32>
        %gather3A_579 = tpu.vector_load_idx %arg6[%select_n3A_578] : memref<100000xf32, #tpu.memory_space<vmem>>[vector<16xi32>], vector<16xf32>,
        %ge3A_580 = arith.constant 5.000000e-01 : f32
        %ge3A_581 = vector.broadcast %ge3A_580 : f32 to vector<16xf32>
        %ge3A_582 = arith.cmpf oge, %gather3A_579, %ge3A_581 : vector<16xf32>
        %eq3A_583 = arith.xori %ge3A_582, %lt3A_574 : vector<16xi1>
        %eq3A_584 = arith.constant dense<true> : vector<16xi1>
        %eq3A_585 = arith.xori %eq3A_583, %eq3A_584 : vector<16xi1>
        %jit3A_586 = arith.constant -1 : i32
        %broadcast_in_dim3A_587 = vector.broadcast %jit3A_586 : i32 to vector<16xi32>
        %select_n3A_588 = arith.select %eq3A_585, %get3A_571, %broadcast_in_dim3A_587 : vector<16xi1>, vector<16xi32>
        %broadcast_in_dim3A_589 = arith.constant true
        %broadcast_in_dim3A_590 = vector.broadcast %broadcast_in_dim3A_589 : i1 to vector<16xi1>
        %masked_cummax3A_591 = arith.constant -2147483648 : i32
        %masked_cummax3A_592 = vector.broadcast %masked_cummax3A_591 : i32 to vector<16xi32>
        %masked_cummax3A_593 = arith.xori %select_n3A_588, %masked_cummax3A_592 : vector<16xi32>
        %masked_cummax3A_594 = tpu.scan <max>, %masked_cummax3A_593 masked %broadcast_in_dim3A_590 : vector<16xi32>, vector<16xi1> -> vector<16xi32>
        %masked_cummax3A_595 = arith.xori %masked_cummax3A_594, %masked_cummax3A_592 : vector<16xi32>
        %reshape3A_596 = vector.shape_cast %max3A_25 : vector<16xi32> to vector<16x1xi32>
        %gather3A_597 = vector.shape_cast %reshape3A_596 : vector<16x1xi32> to vector<16xi32>
        %gather3A_598 = tpu.dynamic_gather %masked_cummax3A_595[%gather3A_597] in [0] : vector<16xi32>, vector<16xi32> -> vector<16xi32>
        %eq3A_599 = arith.constant 0 : i32
        %eq3A_600 = vector.broadcast %eq3A_599 : i32 to vector<16xi32>
        %eq3A_601 = arith.cmpi eq, %iota3A, %eq3A_600 : vector<16xi32>
        %jit3A_602 = arith.constant -1 : i32
        %broadcast_in_dim3A_603 = vector.broadcast %jit3A_602 : i32 to vector<16xi32>
        %select_n3A_604 = arith.select %eq3A_601, %broadcast_in_dim3A_603, %gather3A_598 : vector<16xi1>, vector<16xi32>
        %max3A_605 = arith.maxsi %select_n3A_604, %max3A_561 : vector<16xi32>
        %gt3A_606 = arith.cmpi sgt, %get3A_571, %max3A_605 : vector<16xi32>
        %and3A_607 = arith.andi %eq3A_585, %gt3A_606 : vector<16xi1>
        %convert_element_type3A_608 = arith.extui %and3A_607 : vector<16xi1> to vector<16xi32>
        %add3A_609 = arith.addi %add3A_553, %convert_element_type3A_608 : vector<16xi32>
        %jit3A_610 = arith.constant 1073741823 : i32
        %broadcast_in_dim3A_611 = vector.broadcast %jit3A_610 : i32 to vector<16xi32>
        %select_n3A_612 = arith.select %eq3A_585, %get3A_571, %broadcast_in_dim3A_611 : vector<16xi1>, vector<16xi32>
        %min3A_613 = arith.minsi %min3A_557, %select_n3A_612 : vector<16xi32>
        %reshape3A_614 = vector.shape_cast %broadcast_in_dim3A_26 : vector<16xi32> to vector<16x1xi32>
        %gather3A_615 = vector.shape_cast %reshape3A_614 : vector<16x1xi32> to vector<16xi32>
        %gather3A_616 = tpu.dynamic_gather %masked_cummax3A_595[%gather3A_615] in [0] : vector<16xi32>, vector<16xi32> -> vector<16xi32>
        %max3A_617 = arith.maxsi %max3A_561, %gather3A_616 : vector<16xi32>
        %scan3A_618 = arith.constant 3 : i32
        %scan3A_619 = arith.addi %scan3A_448, %scan3A_618 : i32
        %mul3A_620 = arith.constant 16 : i32
        %mul3A_621 = arith.muli %scan3A_619, %mul3A_620 : i32
        %get3A_622 = arith.index_cast %mul3A_621 : i32 to index
        %get3A_623 = tpu.vector_load %arg10[%get3A_622] {strides = array<i32>} : memref<2000xi32, #tpu.memory_space<vmem>>, vector<16xi32>,
        %mul3A_624 = arith.constant 16 : i32
        %mul3A_625 = arith.muli %scan3A_619, %mul3A_624 : i32
        %get3A_626 = arith.index_cast %mul3A_625 : i32 to index
        %get3A_627 = tpu.vector_load %arg13[%get3A_626] {strides = array<i32>} : memref<2000xi32, #tpu.memory_space<vmem>>, vector<16xi32>,
        %lt3A_628 = arith.constant 100000 : i32
        %lt3A_629 = vector.broadcast %lt3A_628 : i32 to vector<16xi32>
        %lt3A_630 = arith.cmpi slt, %get3A_623, %lt3A_629 : vector<16xi32>
        %sub3A_631 = arith.constant 100000 : i32
        %sub3A_632 = vector.broadcast %sub3A_631 : i32 to vector<16xi32>
        %sub3A_633 = arith.subi %get3A_623, %sub3A_632 : vector<16xi32>
        %select_n3A_634 = arith.select %lt3A_630, %get3A_623, %sub3A_633 : vector<16xi1>, vector<16xi32>
        %gather3A_635 = tpu.vector_load_idx %arg6[%select_n3A_634] : memref<100000xf32, #tpu.memory_space<vmem>>[vector<16xi32>], vector<16xf32>,
        %ge3A_636 = arith.constant 5.000000e-01 : f32
        %ge3A_637 = vector.broadcast %ge3A_636 : f32 to vector<16xf32>
        %ge3A_638 = arith.cmpf oge, %gather3A_635, %ge3A_637 : vector<16xf32>
        %eq3A_639 = arith.xori %ge3A_638, %lt3A_630 : vector<16xi1>
        %eq3A_640 = arith.constant dense<true> : vector<16xi1>
        %eq3A_641 = arith.xori %eq3A_639, %eq3A_640 : vector<16xi1>
        %jit3A_642 = arith.constant -1 : i32
        %broadcast_in_dim3A_643 = vector.broadcast %jit3A_642 : i32 to vector<16xi32>
        %select_n3A_644 = arith.select %eq3A_641, %get3A_627, %broadcast_in_dim3A_643 : vector<16xi1>, vector<16xi32>
        %broadcast_in_dim3A_645 = arith.constant true
        %broadcast_in_dim3A_646 = vector.broadcast %broadcast_in_dim3A_645 : i1 to vector<16xi1>
        %masked_cummax3A_647 = arith.constant -2147483648 : i32
        %masked_cummax3A_648 = vector.broadcast %masked_cummax3A_647 : i32 to vector<16xi32>
        %masked_cummax3A_649 = arith.xori %select_n3A_644, %masked_cummax3A_648 : vector<16xi32>
        %masked_cummax3A_650 = tpu.scan <max>, %masked_cummax3A_649 masked %broadcast_in_dim3A_646 : vector<16xi32>, vector<16xi1> -> vector<16xi32>
        %masked_cummax3A_651 = arith.xori %masked_cummax3A_650, %masked_cummax3A_648 : vector<16xi32>
        %reshape3A_652 = vector.shape_cast %max3A_25 : vector<16xi32> to vector<16x1xi32>
        %gather3A_653 = vector.shape_cast %reshape3A_652 : vector<16x1xi32> to vector<16xi32>
        %gather3A_654 = tpu.dynamic_gather %masked_cummax3A_651[%gather3A_653] in [0] : vector<16xi32>, vector<16xi32> -> vector<16xi32>
        %eq3A_655 = arith.constant 0 : i32
        %eq3A_656 = vector.broadcast %eq3A_655 : i32 to vector<16xi32>
        %eq3A_657 = arith.cmpi eq, %iota3A, %eq3A_656 : vector<16xi32>
        %jit3A_658 = arith.constant -1 : i32
        %broadcast_in_dim3A_659 = vector.broadcast %jit3A_658 : i32 to vector<16xi32>
        %select_n3A_660 = arith.select %eq3A_657, %broadcast_in_dim3A_659, %gather3A_654 : vector<16xi1>, vector<16xi32>
        %max3A_661 = arith.maxsi %select_n3A_660, %max3A_617 : vector<16xi32>
        %gt3A_662 = arith.cmpi sgt, %get3A_627, %max3A_661 : vector<16xi32>
        %and3A_663 = arith.andi %eq3A_641, %gt3A_662 : vector<16xi1>
        %convert_element_type3A_664 = arith.extui %and3A_663 : vector<16xi1> to vector<16xi32>
        %add3A_665 = arith.addi %add3A_609, %convert_element_type3A_664 : vector<16xi32>
        %jit3A_666 = arith.constant 1073741823 : i32
        %broadcast_in_dim3A_667 = vector.broadcast %jit3A_666 : i32 to vector<16xi32>
        %select_n3A_668 = arith.select %eq3A_641, %get3A_627, %broadcast_in_dim3A_667 : vector<16xi1>, vector<16xi32>
        %min3A_669 = arith.minsi %min3A_613, %select_n3A_668 : vector<16xi32>
        %reshape3A_670 = vector.shape_cast %broadcast_in_dim3A_26 : vector<16xi32> to vector<16x1xi32>
        %gather3A_671 = vector.shape_cast %reshape3A_670 : vector<16x1xi32> to vector<16xi32>
        %gather3A_672 = tpu.dynamic_gather %masked_cummax3A_651[%gather3A_671] in [0] : vector<16xi32>, vector<16xi32> -> vector<16xi32>
        %max3A_673 = arith.maxsi %max3A_617, %gather3A_672 : vector<16xi32>
        scf.yield %max3A_673, %add3A_665, %min3A_669 : vector<16xi32>, vector<16xi32>, vector<16xi32>
      }
      %scan3A_384 = arith.constant 124 : i32
      %scan3A_385 = arith.addi %scan3A_379, %scan3A_384 : i32
      %mul3A_386 = arith.constant 16 : i32
      %mul3A_387 = arith.muli %scan3A_385, %mul3A_386 : i32
      %get3A_388 = arith.index_cast %mul3A_387 : i32 to index
      %get3A_389 = tpu.vector_load %arg10[%get3A_388] {strides = array<i32>} : memref<2000xi32, #tpu.memory_space<vmem>>, vector<16xi32>,
      %mul3A_390 = arith.constant 16 : i32
      %mul3A_391 = arith.muli %scan3A_385, %mul3A_390 : i32
      %get3A_392 = arith.index_cast %mul3A_391 : i32 to index
      %get3A_393 = tpu.vector_load %arg13[%get3A_392] {strides = array<i32>} : memref<2000xi32, #tpu.memory_space<vmem>>, vector<16xi32>,
      %lt3A_394 = arith.constant 100000 : i32
      %lt3A_395 = vector.broadcast %lt3A_394 : i32 to vector<16xi32>
      %lt3A_396 = arith.cmpi slt, %get3A_389, %lt3A_395 : vector<16xi32>
      %sub3A_397 = arith.constant 100000 : i32
      %sub3A_398 = vector.broadcast %sub3A_397 : i32 to vector<16xi32>
      %sub3A_399 = arith.subi %get3A_389, %sub3A_398 : vector<16xi32>
      %select_n3A_400 = arith.select %lt3A_396, %get3A_389, %sub3A_399 : vector<16xi1>, vector<16xi32>
      %gather3A_401 = tpu.vector_load_idx %arg6[%select_n3A_400] : memref<100000xf32, #tpu.memory_space<vmem>>[vector<16xi32>], vector<16xf32>,
      %ge3A_402 = arith.constant 5.000000e-01 : f32
      %ge3A_403 = vector.broadcast %ge3A_402 : f32 to vector<16xf32>
      %ge3A_404 = arith.cmpf oge, %gather3A_401, %ge3A_403 : vector<16xf32>
      %eq3A_405 = arith.xori %ge3A_404, %lt3A_396 : vector<16xi1>
      %eq3A_406 = arith.constant dense<true> : vector<16xi1>
      %eq3A_407 = arith.xori %eq3A_405, %eq3A_406 : vector<16xi1>
      %jit3A_408 = arith.constant -1 : i32
      %broadcast_in_dim3A_409 = vector.broadcast %jit3A_408 : i32 to vector<16xi32>
      %select_n3A_410 = arith.select %eq3A_407, %get3A_393, %broadcast_in_dim3A_409 : vector<16xi1>, vector<16xi32>
      %broadcast_in_dim3A_411 = arith.constant true
      %broadcast_in_dim3A_412 = vector.broadcast %broadcast_in_dim3A_411 : i1 to vector<16xi1>
      %masked_cummax3A_413 = arith.constant -2147483648 : i32
      %masked_cummax3A_414 = vector.broadcast %masked_cummax3A_413 : i32 to vector<16xi32>
      %masked_cummax3A_415 = arith.xori %select_n3A_410, %masked_cummax3A_414 : vector<16xi32>
      %masked_cummax3A_416 = tpu.scan <max>, %masked_cummax3A_415 masked %broadcast_in_dim3A_412 : vector<16xi32>, vector<16xi1> -> vector<16xi32>
      %masked_cummax3A_417 = arith.xori %masked_cummax3A_416, %masked_cummax3A_414 : vector<16xi32>
      %reshape3A_418 = vector.shape_cast %max3A_25 : vector<16xi32> to vector<16x1xi32>
      %gather3A_419 = vector.shape_cast %reshape3A_418 : vector<16x1xi32> to vector<16xi32>
      %gather3A_420 = tpu.dynamic_gather %masked_cummax3A_417[%gather3A_419] in [0] : vector<16xi32>, vector<16xi32> -> vector<16xi32>
      %eq3A_421 = arith.constant 0 : i32
      %eq3A_422 = vector.broadcast %eq3A_421 : i32 to vector<16xi32>
      %eq3A_423 = arith.cmpi eq, %iota3A, %eq3A_422 : vector<16xi32>
      %jit3A_424 = arith.constant -1 : i32
      %broadcast_in_dim3A_425 = vector.broadcast %jit3A_424 : i32 to vector<16xi32>
      %select_n3A_426 = arith.select %eq3A_423, %broadcast_in_dim3A_425, %gather3A_420 : vector<16xi1>, vector<16xi32>
      %max3A_427 = arith.maxsi %select_n3A_426, %scan3A_383#0 : vector<16xi32>
      %gt3A_428 = arith.cmpi sgt, %get3A_393, %max3A_427 : vector<16xi32>
      %and3A_429 = arith.andi %eq3A_407, %gt3A_428 : vector<16xi1>
      %convert_element_type3A_430 = arith.extui %and3A_429 : vector<16xi1> to vector<16xi32>
      %add3A_431 = arith.addi %scan3A_383#1, %convert_element_type3A_430 : vector<16xi32>
      %jit3A_432 = arith.constant 1073741823 : i32
      %broadcast_in_dim3A_433 = vector.broadcast %jit3A_432 : i32 to vector<16xi32>
      %select_n3A_434 = arith.select %eq3A_407, %get3A_393, %broadcast_in_dim3A_433 : vector<16xi1>, vector<16xi32>
      %min3A_435 = arith.minsi %scan3A_383#2, %select_n3A_434 : vector<16xi32>
      %reshape3A_436 = vector.shape_cast %broadcast_in_dim3A_26 : vector<16xi32> to vector<16x1xi32>
      %gather3A_437 = vector.shape_cast %reshape3A_436 : vector<16x1xi32> to vector<16xi32>
      %gather3A_438 = tpu.dynamic_gather %masked_cummax3A_417[%gather3A_437] in [0] : vector<16xi32>, vector<16xi32> -> vector<16xi32>
      %max3A_439 = arith.maxsi %scan3A_383#0, %gather3A_438 : vector<16xi32>
      %scan3A_440 = arith.constant 125 : i32
      %add3A_441 = arith.constant 3 : i32
      %add3A_442 = arith.addi %add3A_370, %add3A_441 : i32
      %lt3A_443 = arith.constant 50 : i32
      %lt3A_444 = arith.cmpi slt, %add3A_442, %lt3A_443 : i32
      %convert_element_type3A_445 = arith.extui %lt3A_444 : i1 to i32
      %cond3A_446 = arith.constant 0 : i32
      %cond3A_447 = arith.cmpi ne, %convert_element_type3A_445, %cond3A_446 : i32
      scf.if %cond3A_447 {
        %add3A_448 = arith.constant 3 : i32
        %add3A_449 = arith.addi %add3A_370, %add3A_448 : i32
        %mul3A_450 = arith.constant 2000 : i32
        %mul3A_451 = arith.muli %add3A_449, %mul3A_450 : i32
        %add3A_452 = arith.addi %mul3A_2, %mul3A_451 : i32
        %dma_start3A_453 = tpu.memref_slice %arg3[%add3A_452] : memref<3200000xi32, #tpu.memory_space<hbm>> -> memref<2000xi32, #tpu.memory_space<hbm>>
        %dma_start3A_454 = tpu.memref_slice %arg3[%add3A_452] : memref<3200000xi32, #tpu.memory_space<hbm>> -> memref<2000xi32, #tpu.memory_space<hbm>>
        tpu.enqueue_dma source(%dma_start3A_454 : memref<2000xi32, #tpu.memory_space<hbm>>) target(%arg10 : memref<2000xi32, #tpu.memory_space<vmem>>) target_semaphore(%arg17 : memref<!tpu.dma_semaphore, #tpu.memory_space<semaphore_mem>>)
        %dma_start3A_455 = tpu.memref_slice %arg4[%add3A_452] : memref<3200000xi32, #tpu.memory_space<hbm>> -> memref<2000xi32, #tpu.memory_space<hbm>>
        %dma_start3A_456 = tpu.memref_slice %arg4[%add3A_452] : memref<3200000xi32, #tpu.memory_space<hbm>> -> memref<2000xi32, #tpu.memory_space<hbm>>
        tpu.enqueue_dma source(%dma_start3A_456 : memref<2000xi32, #tpu.memory_space<hbm>>) target(%arg13 : memref<2000xi32, #tpu.memory_space<vmem>>) target_semaphore(%arg17 : memref<!tpu.dma_semaphore, #tpu.memory_space<semaphore_mem>>)
      } else {
      }
      scf.yield %max3A_439, %add3A_431, %min3A_435 : vector<16xi32>, vector<16xi32>, vector<16xi32>
    }
    %scan3A_37 = arith.constant 16 : i32
    %dma_wait3A = arith.constant 0 : i32
    %dma_wait3A_38 = tpu.memref_slice %arg3[%dma_wait3A] : memref<3200000xi32, #tpu.memory_space<hbm>> -> memref<2000xi32, #tpu.memory_space<hbm>>
    %dma_wait3A_39 = arith.constant 0 : i32
    %dma_wait3A_40 = tpu.memref_slice %arg3[%dma_wait3A_39] : memref<3200000xi32, #tpu.memory_space<hbm>> -> memref<2000xi32, #tpu.memory_space<hbm>>
    tpu.wait_dma2 semaphore(%arg15 : memref<!tpu.dma_semaphore, #tpu.memory_space<semaphore_mem>>) src(%dma_wait3A_40 : memref<2000xi32, #tpu.memory_space<hbm>>) dst(%arg8 : memref<2000xi32, #tpu.memory_space<vmem>>)
    %dma_wait3A_41 = arith.constant 0 : i32
    %dma_wait3A_42 = tpu.memref_slice %arg4[%dma_wait3A_41] : memref<3200000xi32, #tpu.memory_space<hbm>> -> memref<2000xi32, #tpu.memory_space<hbm>>
    %dma_wait3A_43 = arith.constant 0 : i32
    %dma_wait3A_44 = tpu.memref_slice %arg4[%dma_wait3A_43] : memref<3200000xi32, #tpu.memory_space<hbm>> -> memref<2000xi32, #tpu.memory_space<hbm>>
    tpu.wait_dma2 semaphore(%arg15 : memref<!tpu.dma_semaphore, #tpu.memory_space<semaphore_mem>>) src(%dma_wait3A_44 : memref<2000xi32, #tpu.memory_space<hbm>>) dst(%arg11 : memref<2000xi32, #tpu.memory_space<vmem>>)
    %scan3A_45 = arith.constant 0 : i32
    %scan3A_46 = arith.constant 124 : i32
    %scan3A_47 = arith.addi %scan3A_45, %scan3A_46 : i32
    %scan3A_48 = arith.constant 4 : i32
    %scan3A_49:3 = scf.for %scan3A_201 = %scan3A_45 to %scan3A_47 step %scan3A_48 iter_args(%scan3A_202 = %scan3A_36#0, %scan3A_203 = %scan3A_36#1, %scan3A_204 = %scan3A_36#2) -> (vector<16xi32>, vector<16xi32>, vector<16xi32>)  : i32 {
      %mul3A_205 = arith.constant 16 : i32
      %mul3A_206 = arith.muli %scan3A_201, %mul3A_205 : i32
      %get3A_207 = arith.index_cast %mul3A_206 : i32 to index
      %get3A_208 = tpu.vector_load %arg8[%get3A_207] {strides = array<i32>} : memref<2000xi32, #tpu.memory_space<vmem>>, vector<16xi32>,
      %mul3A_209 = arith.constant 16 : i32
      %mul3A_210 = arith.muli %scan3A_201, %mul3A_209 : i32
      %get3A_211 = arith.index_cast %mul3A_210 : i32 to index
      %get3A_212 = tpu.vector_load %arg11[%get3A_211] {strides = array<i32>} : memref<2000xi32, #tpu.memory_space<vmem>>, vector<16xi32>,
      %lt3A_213 = arith.constant 100000 : i32
      %lt3A_214 = vector.broadcast %lt3A_213 : i32 to vector<16xi32>
      %lt3A_215 = arith.cmpi slt, %get3A_208, %lt3A_214 : vector<16xi32>
      %sub3A_216 = arith.constant 100000 : i32
      %sub3A_217 = vector.broadcast %sub3A_216 : i32 to vector<16xi32>
      %sub3A_218 = arith.subi %get3A_208, %sub3A_217 : vector<16xi32>
      %select_n3A_219 = arith.select %lt3A_215, %get3A_208, %sub3A_218 : vector<16xi1>, vector<16xi32>
      %gather3A_220 = tpu.vector_load_idx %arg6[%select_n3A_219] : memref<100000xf32, #tpu.memory_space<vmem>>[vector<16xi32>], vector<16xf32>,
      %ge3A_221 = arith.constant 5.000000e-01 : f32
      %ge3A_222 = vector.broadcast %ge3A_221 : f32 to vector<16xf32>
      %ge3A_223 = arith.cmpf oge, %gather3A_220, %ge3A_222 : vector<16xf32>
      %eq3A_224 = arith.xori %ge3A_223, %lt3A_215 : vector<16xi1>
      %eq3A_225 = arith.constant dense<true> : vector<16xi1>
      %eq3A_226 = arith.xori %eq3A_224, %eq3A_225 : vector<16xi1>
      %jit3A_227 = arith.constant -1 : i32
      %broadcast_in_dim3A_228 = vector.broadcast %jit3A_227 : i32 to vector<16xi32>
      %select_n3A_229 = arith.select %eq3A_226, %get3A_212, %broadcast_in_dim3A_228 : vector<16xi1>, vector<16xi32>
      %broadcast_in_dim3A_230 = arith.constant true
      %broadcast_in_dim3A_231 = vector.broadcast %broadcast_in_dim3A_230 : i1 to vector<16xi1>
      %masked_cummax3A_232 = arith.constant -2147483648 : i32
      %masked_cummax3A_233 = vector.broadcast %masked_cummax3A_232 : i32 to vector<16xi32>
      %masked_cummax3A_234 = arith.xori %select_n3A_229, %masked_cummax3A_233 : vector<16xi32>
      %masked_cummax3A_235 = tpu.scan <max>, %masked_cummax3A_234 masked %broadcast_in_dim3A_231 : vector<16xi32>, vector<16xi1> -> vector<16xi32>
      %masked_cummax3A_236 = arith.xori %masked_cummax3A_235, %masked_cummax3A_233 : vector<16xi32>
      %reshape3A_237 = vector.shape_cast %max3A_25 : vector<16xi32> to vector<16x1xi32>
      %gather3A_238 = vector.shape_cast %reshape3A_237 : vector<16x1xi32> to vector<16xi32>
      %gather3A_239 = tpu.dynamic_gather %masked_cummax3A_236[%gather3A_238] in [0] : vector<16xi32>, vector<16xi32> -> vector<16xi32>
      %eq3A_240 = arith.constant 0 : i32
      %eq3A_241 = vector.broadcast %eq3A_240 : i32 to vector<16xi32>
      %eq3A_242 = arith.cmpi eq, %iota3A, %eq3A_241 : vector<16xi32>
      %jit3A_243 = arith.constant -1 : i32
      %broadcast_in_dim3A_244 = vector.broadcast %jit3A_243 : i32 to vector<16xi32>
      %select_n3A_245 = arith.select %eq3A_242, %broadcast_in_dim3A_244, %gather3A_239 : vector<16xi1>, vector<16xi32>
      %max3A_246 = arith.maxsi %select_n3A_245, %scan3A_202 : vector<16xi32>
      %gt3A_247 = arith.cmpi sgt, %get3A_212, %max3A_246 : vector<16xi32>
      %and3A_248 = arith.andi %eq3A_226, %gt3A_247 : vector<16xi1>
      %convert_element_type3A_249 = arith.extui %and3A_248 : vector<16xi1> to vector<16xi32>
      %add3A_250 = arith.addi %scan3A_203, %convert_element_type3A_249 : vector<16xi32>
      %jit3A_251 = arith.constant 1073741823 : i32
      %broadcast_in_dim3A_252 = vector.broadcast %jit3A_251 : i32 to vector<16xi32>
      %select_n3A_253 = arith.select %eq3A_226, %get3A_212, %broadcast_in_dim3A_252 : vector<16xi1>, vector<16xi32>
      %min3A_254 = arith.minsi %scan3A_204, %select_n3A_253 : vector<16xi32>
      %reshape3A_255 = vector.shape_cast %broadcast_in_dim3A_26 : vector<16xi32> to vector<16x1xi32>
      %gather3A_256 = vector.shape_cast %reshape3A_255 : vector<16x1xi32> to vector<16xi32>
      %gather3A_257 = tpu.dynamic_gather %masked_cummax3A_236[%gather3A_256] in [0] : vector<16xi32>, vector<16xi32> -> vector<16xi32>
      %max3A_258 = arith.maxsi %scan3A_202, %gather3A_257 : vector<16xi32>
      %scan3A_259 = arith.constant 1 : i32
      %scan3A_260 = arith.addi %scan3A_201, %scan3A_259 : i32
      %mul3A_261 = arith.constant 16 : i32
      %mul3A_262 = arith.muli %scan3A_260, %mul3A_261 : i32
      %get3A_263 = arith.index_cast %mul3A_262 : i32 to index
      %get3A_264 = tpu.vector_load %arg8[%get3A_263] {strides = array<i32>} : memref<2000xi32, #tpu.memory_space<vmem>>, vector<16xi32>,
      %mul3A_265 = arith.constant 16 : i32
      %mul3A_266 = arith.muli %scan3A_260, %mul3A_265 : i32
      %get3A_267 = arith.index_cast %mul3A_266 : i32 to index
      %get3A_268 = tpu.vector_load %arg11[%get3A_267] {strides = array<i32>} : memref<2000xi32, #tpu.memory_space<vmem>>, vector<16xi32>,
      %lt3A_269 = arith.constant 100000 : i32
      %lt3A_270 = vector.broadcast %lt3A_269 : i32 to vector<16xi32>
      %lt3A_271 = arith.cmpi slt, %get3A_264, %lt3A_270 : vector<16xi32>
      %sub3A_272 = arith.constant 100000 : i32
      %sub3A_273 = vector.broadcast %sub3A_272 : i32 to vector<16xi32>
      %sub3A_274 = arith.subi %get3A_264, %sub3A_273 : vector<16xi32>
      %select_n3A_275 = arith.select %lt3A_271, %get3A_264, %sub3A_274 : vector<16xi1>, vector<16xi32>
      %gather3A_276 = tpu.vector_load_idx %arg6[%select_n3A_275] : memref<100000xf32, #tpu.memory_space<vmem>>[vector<16xi32>], vector<16xf32>,
      %ge3A_277 = arith.constant 5.000000e-01 : f32
      %ge3A_278 = vector.broadcast %ge3A_277 : f32 to vector<16xf32>
      %ge3A_279 = arith.cmpf oge, %gather3A_276, %ge3A_278 : vector<16xf32>
      %eq3A_280 = arith.xori %ge3A_279, %lt3A_271 : vector<16xi1>
      %eq3A_281 = arith.constant dense<true> : vector<16xi1>
      %eq3A_282 = arith.xori %eq3A_280, %eq3A_281 : vector<16xi1>
      %jit3A_283 = arith.constant -1 : i32
      %broadcast_in_dim3A_284 = vector.broadcast %jit3A_283 : i32 to vector<16xi32>
      %select_n3A_285 = arith.select %eq3A_282, %get3A_268, %broadcast_in_dim3A_284 : vector<16xi1>, vector<16xi32>
      %broadcast_in_dim3A_286 = arith.constant true
      %broadcast_in_dim3A_287 = vector.broadcast %broadcast_in_dim3A_286 : i1 to vector<16xi1>
      %masked_cummax3A_288 = arith.constant -2147483648 : i32
      %masked_cummax3A_289 = vector.broadcast %masked_cummax3A_288 : i32 to vector<16xi32>
      %masked_cummax3A_290 = arith.xori %select_n3A_285, %masked_cummax3A_289 : vector<16xi32>
      %masked_cummax3A_291 = tpu.scan <max>, %masked_cummax3A_290 masked %broadcast_in_dim3A_287 : vector<16xi32>, vector<16xi1> -> vector<16xi32>
      %masked_cummax3A_292 = arith.xori %masked_cummax3A_291, %masked_cummax3A_289 : vector<16xi32>
      %reshape3A_293 = vector.shape_cast %max3A_25 : vector<16xi32> to vector<16x1xi32>
      %gather3A_294 = vector.shape_cast %reshape3A_293 : vector<16x1xi32> to vector<16xi32>
      %gather3A_295 = tpu.dynamic_gather %masked_cummax3A_292[%gather3A_294] in [0] : vector<16xi32>, vector<16xi32> -> vector<16xi32>
      %eq3A_296 = arith.constant 0 : i32
      %eq3A_297 = vector.broadcast %eq3A_296 : i32 to vector<16xi32>
      %eq3A_298 = arith.cmpi eq, %iota3A, %eq3A_297 : vector<16xi32>
      %jit3A_299 = arith.constant -1 : i32
      %broadcast_in_dim3A_300 = vector.broadcast %jit3A_299 : i32 to vector<16xi32>
      %select_n3A_301 = arith.select %eq3A_298, %broadcast_in_dim3A_300, %gather3A_295 : vector<16xi1>, vector<16xi32>
      %max3A_302 = arith.maxsi %select_n3A_301, %max3A_258 : vector<16xi32>
      %gt3A_303 = arith.cmpi sgt, %get3A_268, %max3A_302 : vector<16xi32>
      %and3A_304 = arith.andi %eq3A_282, %gt3A_303 : vector<16xi1>
      %convert_element_type3A_305 = arith.extui %and3A_304 : vector<16xi1> to vector<16xi32>
      %add3A_306 = arith.addi %add3A_250, %convert_element_type3A_305 : vector<16xi32>
      %jit3A_307 = arith.constant 1073741823 : i32
      %broadcast_in_dim3A_308 = vector.broadcast %jit3A_307 : i32 to vector<16xi32>
      %select_n3A_309 = arith.select %eq3A_282, %get3A_268, %broadcast_in_dim3A_308 : vector<16xi1>, vector<16xi32>
      %min3A_310 = arith.minsi %min3A_254, %select_n3A_309 : vector<16xi32>
      %reshape3A_311 = vector.shape_cast %broadcast_in_dim3A_26 : vector<16xi32> to vector<16x1xi32>
      %gather3A_312 = vector.shape_cast %reshape3A_311 : vector<16x1xi32> to vector<16xi32>
      %gather3A_313 = tpu.dynamic_gather %masked_cummax3A_292[%gather3A_312] in [0] : vector<16xi32>, vector<16xi32> -> vector<16xi32>
      %max3A_314 = arith.maxsi %max3A_258, %gather3A_313 : vector<16xi32>
      %scan3A_315 = arith.constant 2 : i32
      %scan3A_316 = arith.addi %scan3A_201, %scan3A_315 : i32
      %mul3A_317 = arith.constant 16 : i32
      %mul3A_318 = arith.muli %scan3A_316, %mul3A_317 : i32
      %get3A_319 = arith.index_cast %mul3A_318 : i32 to index
      %get3A_320 = tpu.vector_load %arg8[%get3A_319] {strides = array<i32>} : memref<2000xi32, #tpu.memory_space<vmem>>, vector<16xi32>,
      %mul3A_321 = arith.constant 16 : i32
      %mul3A_322 = arith.muli %scan3A_316, %mul3A_321 : i32
      %get3A_323 = arith.index_cast %mul3A_322 : i32 to index
      %get3A_324 = tpu.vector_load %arg11[%get3A_323] {strides = array<i32>} : memref<2000xi32, #tpu.memory_space<vmem>>, vector<16xi32>,
      %lt3A_325 = arith.constant 100000 : i32
      %lt3A_326 = vector.broadcast %lt3A_325 : i32 to vector<16xi32>
      %lt3A_327 = arith.cmpi slt, %get3A_320, %lt3A_326 : vector<16xi32>
      %sub3A_328 = arith.constant 100000 : i32
      %sub3A_329 = vector.broadcast %sub3A_328 : i32 to vector<16xi32>
      %sub3A_330 = arith.subi %get3A_320, %sub3A_329 : vector<16xi32>
      %select_n3A_331 = arith.select %lt3A_327, %get3A_320, %sub3A_330 : vector<16xi1>, vector<16xi32>
      %gather3A_332 = tpu.vector_load_idx %arg6[%select_n3A_331] : memref<100000xf32, #tpu.memory_space<vmem>>[vector<16xi32>], vector<16xf32>,
      %ge3A_333 = arith.constant 5.000000e-01 : f32
      %ge3A_334 = vector.broadcast %ge3A_333 : f32 to vector<16xf32>
      %ge3A_335 = arith.cmpf oge, %gather3A_332, %ge3A_334 : vector<16xf32>
      %eq3A_336 = arith.xori %ge3A_335, %lt3A_327 : vector<16xi1>
      %eq3A_337 = arith.constant dense<true> : vector<16xi1>
      %eq3A_338 = arith.xori %eq3A_336, %eq3A_337 : vector<16xi1>
      %jit3A_339 = arith.constant -1 : i32
      %broadcast_in_dim3A_340 = vector.broadcast %jit3A_339 : i32 to vector<16xi32>
      %select_n3A_341 = arith.select %eq3A_338, %get3A_324, %broadcast_in_dim3A_340 : vector<16xi1>, vector<16xi32>
      %broadcast_in_dim3A_342 = arith.constant true
      %broadcast_in_dim3A_343 = vector.broadcast %broadcast_in_dim3A_342 : i1 to vector<16xi1>
      %masked_cummax3A_344 = arith.constant -2147483648 : i32
      %masked_cummax3A_345 = vector.broadcast %masked_cummax3A_344 : i32 to vector<16xi32>
      %masked_cummax3A_346 = arith.xori %select_n3A_341, %masked_cummax3A_345 : vector<16xi32>
      %masked_cummax3A_347 = tpu.scan <max>, %masked_cummax3A_346 masked %broadcast_in_dim3A_343 : vector<16xi32>, vector<16xi1> -> vector<16xi32>
      %masked_cummax3A_348 = arith.xori %masked_cummax3A_347, %masked_cummax3A_345 : vector<16xi32>
      %reshape3A_349 = vector.shape_cast %max3A_25 : vector<16xi32> to vector<16x1xi32>
      %gather3A_350 = vector.shape_cast %reshape3A_349 : vector<16x1xi32> to vector<16xi32>
      %gather3A_351 = tpu.dynamic_gather %masked_cummax3A_348[%gather3A_350] in [0] : vector<16xi32>, vector<16xi32> -> vector<16xi32>
      %eq3A_352 = arith.constant 0 : i32
      %eq3A_353 = vector.broadcast %eq3A_352 : i32 to vector<16xi32>
      %eq3A_354 = arith.cmpi eq, %iota3A, %eq3A_353 : vector<16xi32>
      %jit3A_355 = arith.constant -1 : i32
      %broadcast_in_dim3A_356 = vector.broadcast %jit3A_355 : i32 to vector<16xi32>
      %select_n3A_357 = arith.select %eq3A_354, %broadcast_in_dim3A_356, %gather3A_351 : vector<16xi1>, vector<16xi32>
      %max3A_358 = arith.maxsi %select_n3A_357, %max3A_314 : vector<16xi32>
      %gt3A_359 = arith.cmpi sgt, %get3A_324, %max3A_358 : vector<16xi32>
      %and3A_360 = arith.andi %eq3A_338, %gt3A_359 : vector<16xi1>
      %convert_element_type3A_361 = arith.extui %and3A_360 : vector<16xi1> to vector<16xi32>
      %add3A_362 = arith.addi %add3A_306, %convert_element_type3A_361 : vector<16xi32>
      %jit3A_363 = arith.constant 1073741823 : i32
      %broadcast_in_dim3A_364 = vector.broadcast %jit3A_363 : i32 to vector<16xi32>
      %select_n3A_365 = arith.select %eq3A_338, %get3A_324, %broadcast_in_dim3A_364 : vector<16xi1>, vector<16xi32>
      %min3A_366 = arith.minsi %min3A_310, %select_n3A_365 : vector<16xi32>
      %reshape3A_367 = vector.shape_cast %broadcast_in_dim3A_26 : vector<16xi32> to vector<16x1xi32>
      %gather3A_368 = vector.shape_cast %reshape3A_367 : vector<16x1xi32> to vector<16xi32>
      %gather3A_369 = tpu.dynamic_gather %masked_cummax3A_348[%gather3A_368] in [0] : vector<16xi32>, vector<16xi32> -> vector<16xi32>
      %max3A_370 = arith.maxsi %max3A_314, %gather3A_369 : vector<16xi32>
      %scan3A_371 = arith.constant 3 : i32
      %scan3A_372 = arith.addi %scan3A_201, %scan3A_371 : i32
      %mul3A_373 = arith.constant 16 : i32
      %mul3A_374 = arith.muli %scan3A_372, %mul3A_373 : i32
      %get3A_375 = arith.index_cast %mul3A_374 : i32 to index
      %get3A_376 = tpu.vector_load %arg8[%get3A_375] {strides = array<i32>} : memref<2000xi32, #tpu.memory_space<vmem>>, vector<16xi32>,
      %mul3A_377 = arith.constant 16 : i32
      %mul3A_378 = arith.muli %scan3A_372, %mul3A_377 : i32
      %get3A_379 = arith.index_cast %mul3A_378 : i32 to index
      %get3A_380 = tpu.vector_load %arg11[%get3A_379] {strides = array<i32>} : memref<2000xi32, #tpu.memory_space<vmem>>, vector<16xi32>,
      %lt3A_381 = arith.constant 100000 : i32
      %lt3A_382 = vector.broadcast %lt3A_381 : i32 to vector<16xi32>
      %lt3A_383 = arith.cmpi slt, %get3A_376, %lt3A_382 : vector<16xi32>
      %sub3A_384 = arith.constant 100000 : i32
      %sub3A_385 = vector.broadcast %sub3A_384 : i32 to vector<16xi32>
      %sub3A_386 = arith.subi %get3A_376, %sub3A_385 : vector<16xi32>
      %select_n3A_387 = arith.select %lt3A_383, %get3A_376, %sub3A_386 : vector<16xi1>, vector<16xi32>
      %gather3A_388 = tpu.vector_load_idx %arg6[%select_n3A_387] : memref<100000xf32, #tpu.memory_space<vmem>>[vector<16xi32>], vector<16xf32>,
      %ge3A_389 = arith.constant 5.000000e-01 : f32
      %ge3A_390 = vector.broadcast %ge3A_389 : f32 to vector<16xf32>
      %ge3A_391 = arith.cmpf oge, %gather3A_388, %ge3A_390 : vector<16xf32>
      %eq3A_392 = arith.xori %ge3A_391, %lt3A_383 : vector<16xi1>
      %eq3A_393 = arith.constant dense<true> : vector<16xi1>
      %eq3A_394 = arith.xori %eq3A_392, %eq3A_393 : vector<16xi1>
      %jit3A_395 = arith.constant -1 : i32
      %broadcast_in_dim3A_396 = vector.broadcast %jit3A_395 : i32 to vector<16xi32>
      %select_n3A_397 = arith.select %eq3A_394, %get3A_380, %broadcast_in_dim3A_396 : vector<16xi1>, vector<16xi32>
      %broadcast_in_dim3A_398 = arith.constant true
      %broadcast_in_dim3A_399 = vector.broadcast %broadcast_in_dim3A_398 : i1 to vector<16xi1>
      %masked_cummax3A_400 = arith.constant -2147483648 : i32
      %masked_cummax3A_401 = vector.broadcast %masked_cummax3A_400 : i32 to vector<16xi32>
      %masked_cummax3A_402 = arith.xori %select_n3A_397, %masked_cummax3A_401 : vector<16xi32>
      %masked_cummax3A_403 = tpu.scan <max>, %masked_cummax3A_402 masked %broadcast_in_dim3A_399 : vector<16xi32>, vector<16xi1> -> vector<16xi32>
      %masked_cummax3A_404 = arith.xori %masked_cummax3A_403, %masked_cummax3A_401 : vector<16xi32>
      %reshape3A_405 = vector.shape_cast %max3A_25 : vector<16xi32> to vector<16x1xi32>
      %gather3A_406 = vector.shape_cast %reshape3A_405 : vector<16x1xi32> to vector<16xi32>
      %gather3A_407 = tpu.dynamic_gather %masked_cummax3A_404[%gather3A_406] in [0] : vector<16xi32>, vector<16xi32> -> vector<16xi32>
      %eq3A_408 = arith.constant 0 : i32
      %eq3A_409 = vector.broadcast %eq3A_408 : i32 to vector<16xi32>
      %eq3A_410 = arith.cmpi eq, %iota3A, %eq3A_409 : vector<16xi32>
      %jit3A_411 = arith.constant -1 : i32
      %broadcast_in_dim3A_412 = vector.broadcast %jit3A_411 : i32 to vector<16xi32>
      %select_n3A_413 = arith.select %eq3A_410, %broadcast_in_dim3A_412, %gather3A_407 : vector<16xi1>, vector<16xi32>
      %max3A_414 = arith.maxsi %select_n3A_413, %max3A_370 : vector<16xi32>
      %gt3A_415 = arith.cmpi sgt, %get3A_380, %max3A_414 : vector<16xi32>
      %and3A_416 = arith.andi %eq3A_394, %gt3A_415 : vector<16xi1>
      %convert_element_type3A_417 = arith.extui %and3A_416 : vector<16xi1> to vector<16xi32>
      %add3A_418 = arith.addi %add3A_362, %convert_element_type3A_417 : vector<16xi32>
      %jit3A_419 = arith.constant 1073741823 : i32
      %broadcast_in_dim3A_420 = vector.broadcast %jit3A_419 : i32 to vector<16xi32>
      %select_n3A_421 = arith.select %eq3A_394, %get3A_380, %broadcast_in_dim3A_420 : vector<16xi1>, vector<16xi32>
      %min3A_422 = arith.minsi %min3A_366, %select_n3A_421 : vector<16xi32>
      %reshape3A_423 = vector.shape_cast %broadcast_in_dim3A_26 : vector<16xi32> to vector<16x1xi32>
      %gather3A_424 = vector.shape_cast %reshape3A_423 : vector<16x1xi32> to vector<16xi32>
      %gather3A_425 = tpu.dynamic_gather %masked_cummax3A_404[%gather3A_424] in [0] : vector<16xi32>, vector<16xi32> -> vector<16xi32>
      %max3A_426 = arith.maxsi %max3A_370, %gather3A_425 : vector<16xi32>
      scf.yield %max3A_426, %add3A_418, %min3A_422 : vector<16xi32>, vector<16xi32>, vector<16xi32>
    }
    %scan3A_50 = arith.constant 124 : i32
    %scan3A_51 = arith.addi %scan3A_45, %scan3A_50 : i32
    %mul3A_52 = arith.constant 16 : i32
    %mul3A_53 = arith.muli %scan3A_51, %mul3A_52 : i32
    %get3A = arith.index_cast %mul3A_53 : i32 to index
    %get3A_54 = tpu.vector_load %arg8[%get3A] {strides = array<i32>} : memref<2000xi32, #tpu.memory_space<vmem>>, vector<16xi32>,
    %mul3A_55 = arith.constant 16 : i32
    %mul3A_56 = arith.muli %scan3A_51, %mul3A_55 : i32
    %get3A_57 = arith.index_cast %mul3A_56 : i32 to index
    %get3A_58 = tpu.vector_load %arg11[%get3A_57] {strides = array<i32>} : memref<2000xi32, #tpu.memory_space<vmem>>, vector<16xi32>,
    %lt3A = arith.constant 100000 : i32
    %lt3A_59 = vector.broadcast %lt3A : i32 to vector<16xi32>
    %lt3A_60 = arith.cmpi slt, %get3A_54, %lt3A_59 : vector<16xi32>
    %sub3A_61 = arith.constant 100000 : i32
    %sub3A_62 = vector.broadcast %sub3A_61 : i32 to vector<16xi32>
    %sub3A_63 = arith.subi %get3A_54, %sub3A_62 : vector<16xi32>
    %select_n3A = arith.select %lt3A_60, %get3A_54, %sub3A_63 : vector<16xi1>, vector<16xi32>
    %gather3A = tpu.vector_load_idx %arg6[%select_n3A] : memref<100000xf32, #tpu.memory_space<vmem>>[vector<16xi32>], vector<16xf32>,
    %ge3A = arith.constant 5.000000e-01 : f32
    %ge3A_64 = vector.broadcast %ge3A : f32 to vector<16xf32>
    %ge3A_65 = arith.cmpf oge, %gather3A, %ge3A_64 : vector<16xf32>
    %eq3A_66 = arith.xori %ge3A_65, %lt3A_60 : vector<16xi1>
    %eq3A_67 = arith.constant dense<true> : vector<16xi1>
    %eq3A_68 = arith.xori %eq3A_66, %eq3A_67 : vector<16xi1>
    %jit3A = arith.constant -1 : i32
    %broadcast_in_dim3A_69 = vector.broadcast %jit3A : i32 to vector<16xi32>
    %select_n3A_70 = arith.select %eq3A_68, %get3A_58, %broadcast_in_dim3A_69 : vector<16xi1>, vector<16xi32>
    %broadcast_in_dim3A_71 = arith.constant true
    %broadcast_in_dim3A_72 = vector.broadcast %broadcast_in_dim3A_71 : i1 to vector<16xi1>
    %masked_cummax3A = arith.constant -2147483648 : i32
    %masked_cummax3A_73 = vector.broadcast %masked_cummax3A : i32 to vector<16xi32>
    %masked_cummax3A_74 = arith.xori %select_n3A_70, %masked_cummax3A_73 : vector<16xi32>
    %masked_cummax3A_75 = tpu.scan <max>, %masked_cummax3A_74 masked %broadcast_in_dim3A_72 : vector<16xi32>, vector<16xi1> -> vector<16xi32>
    %masked_cummax3A_76 = arith.xori %masked_cummax3A_75, %masked_cummax3A_73 : vector<16xi32>
    %reshape3A = vector.shape_cast %max3A_25 : vector<16xi32> to vector<16x1xi32>
    %gather3A_77 = vector.shape_cast %reshape3A : vector<16x1xi32> to vector<16xi32>
    %gather3A_78 = tpu.dynamic_gather %masked_cummax3A_76[%gather3A_77] in [0] : vector<16xi32>, vector<16xi32> -> vector<16xi32>
    %eq3A_79 = arith.constant 0 : i32
    %eq3A_80 = vector.broadcast %eq3A_79 : i32 to vector<16xi32>
    %eq3A_81 = arith.cmpi eq, %iota3A, %eq3A_80 : vector<16xi32>
    %jit3A_82 = arith.constant -1 : i32
    %broadcast_in_dim3A_83 = vector.broadcast %jit3A_82 : i32 to vector<16xi32>
    %select_n3A_84 = arith.select %eq3A_81, %broadcast_in_dim3A_83, %gather3A_78 : vector<16xi1>, vector<16xi32>
    %max3A_85 = arith.maxsi %select_n3A_84, %scan3A_49#0 : vector<16xi32>
    %gt3A = arith.cmpi sgt, %get3A_58, %max3A_85 : vector<16xi32>
    %and3A = arith.andi %eq3A_68, %gt3A : vector<16xi1>
    %convert_element_type3A_86 = arith.extui %and3A : vector<16xi1> to vector<16xi32>
    %add3A_87 = arith.addi %scan3A_49#1, %convert_element_type3A_86 : vector<16xi32>
    %jit3A_88 = arith.constant 1073741823 : i32
    %broadcast_in_dim3A_89 = vector.broadcast %jit3A_88 : i32 to vector<16xi32>
    %select_n3A_90 = arith.select %eq3A_68, %get3A_58, %broadcast_in_dim3A_89 : vector<16xi1>, vector<16xi32>
    %min3A = arith.minsi %scan3A_49#2, %select_n3A_90 : vector<16xi32>
    %reshape3A_91 = vector.shape_cast %broadcast_in_dim3A_26 : vector<16xi32> to vector<16x1xi32>
    %gather3A_92 = vector.shape_cast %reshape3A_91 : vector<16x1xi32> to vector<16xi32>
    %gather3A_93 = tpu.dynamic_gather %masked_cummax3A_76[%gather3A_92] in [0] : vector<16xi32>, vector<16xi32> -> vector<16xi32>
    %max3A_94 = arith.maxsi %scan3A_49#0, %gather3A_93 : vector<16xi32>
    %scan3A_95 = arith.constant 125 : i32
    %dma_wait3A_96 = arith.constant 0 : i32
    %dma_wait3A_97 = tpu.memref_slice %arg3[%dma_wait3A_96] : memref<3200000xi32, #tpu.memory_space<hbm>> -> memref<2000xi32, #tpu.memory_space<hbm>>
    %dma_wait3A_98 = arith.constant 0 : i32
    %dma_wait3A_99 = tpu.memref_slice %arg3[%dma_wait3A_98] : memref<3200000xi32, #tpu.memory_space<hbm>> -> memref<2000xi32, #tpu.memory_space<hbm>>
    tpu.wait_dma2 semaphore(%arg16 : memref<!tpu.dma_semaphore, #tpu.memory_space<semaphore_mem>>) src(%dma_wait3A_99 : memref<2000xi32, #tpu.memory_space<hbm>>) dst(%arg9 : memref<2000xi32, #tpu.memory_space<vmem>>)
    %dma_wait3A_100 = arith.constant 0 : i32
    %dma_wait3A_101 = tpu.memref_slice %arg4[%dma_wait3A_100] : memref<3200000xi32, #tpu.memory_space<hbm>> -> memref<2000xi32, #tpu.memory_space<hbm>>
    %dma_wait3A_102 = arith.constant 0 : i32
    %dma_wait3A_103 = tpu.memref_slice %arg4[%dma_wait3A_102] : memref<3200000xi32, #tpu.memory_space<hbm>> -> memref<2000xi32, #tpu.memory_space<hbm>>
    tpu.wait_dma2 semaphore(%arg16 : memref<!tpu.dma_semaphore, #tpu.memory_space<semaphore_mem>>) src(%dma_wait3A_103 : memref<2000xi32, #tpu.memory_space<hbm>>) dst(%arg12 : memref<2000xi32, #tpu.memory_space<vmem>>)
    %scan3A_104 = arith.constant 0 : i32
    %scan3A_105 = arith.constant 124 : i32
    %scan3A_106 = arith.addi %scan3A_104, %scan3A_105 : i32
    %scan3A_107 = arith.constant 4 : i32
    %scan3A_108:3 = scf.for %scan3A_201 = %scan3A_104 to %scan3A_106 step %scan3A_107 iter_args(%scan3A_202 = %max3A_94, %scan3A_203 = %add3A_87, %scan3A_204 = %min3A) -> (vector<16xi32>, vector<16xi32>, vector<16xi32>)  : i32 {
      %mul3A_205 = arith.constant 16 : i32
      %mul3A_206 = arith.muli %scan3A_201, %mul3A_205 : i32
      %get3A_207 = arith.index_cast %mul3A_206 : i32 to index
      %get3A_208 = tpu.vector_load %arg9[%get3A_207] {strides = array<i32>} : memref<2000xi32, #tpu.memory_space<vmem>>, vector<16xi32>,
      %mul3A_209 = arith.constant 16 : i32
      %mul3A_210 = arith.muli %scan3A_201, %mul3A_209 : i32
      %get3A_211 = arith.index_cast %mul3A_210 : i32 to index
      %get3A_212 = tpu.vector_load %arg12[%get3A_211] {strides = array<i32>} : memref<2000xi32, #tpu.memory_space<vmem>>, vector<16xi32>,
      %lt3A_213 = arith.constant 100000 : i32
      %lt3A_214 = vector.broadcast %lt3A_213 : i32 to vector<16xi32>
      %lt3A_215 = arith.cmpi slt, %get3A_208, %lt3A_214 : vector<16xi32>
      %sub3A_216 = arith.constant 100000 : i32
      %sub3A_217 = vector.broadcast %sub3A_216 : i32 to vector<16xi32>
      %sub3A_218 = arith.subi %get3A_208, %sub3A_217 : vector<16xi32>
      %select_n3A_219 = arith.select %lt3A_215, %get3A_208, %sub3A_218 : vector<16xi1>, vector<16xi32>
      %gather3A_220 = tpu.vector_load_idx %arg6[%select_n3A_219] : memref<100000xf32, #tpu.memory_space<vmem>>[vector<16xi32>], vector<16xf32>,
      %ge3A_221 = arith.constant 5.000000e-01 : f32
      %ge3A_222 = vector.broadcast %ge3A_221 : f32 to vector<16xf32>
      %ge3A_223 = arith.cmpf oge, %gather3A_220, %ge3A_222 : vector<16xf32>
      %eq3A_224 = arith.xori %ge3A_223, %lt3A_215 : vector<16xi1>
      %eq3A_225 = arith.constant dense<true> : vector<16xi1>
      %eq3A_226 = arith.xori %eq3A_224, %eq3A_225 : vector<16xi1>
      %jit3A_227 = arith.constant -1 : i32
      %broadcast_in_dim3A_228 = vector.broadcast %jit3A_227 : i32 to vector<16xi32>
      %select_n3A_229 = arith.select %eq3A_226, %get3A_212, %broadcast_in_dim3A_228 : vector<16xi1>, vector<16xi32>
      %broadcast_in_dim3A_230 = arith.constant true
      %broadcast_in_dim3A_231 = vector.broadcast %broadcast_in_dim3A_230 : i1 to vector<16xi1>
      %masked_cummax3A_232 = arith.constant -2147483648 : i32
      %masked_cummax3A_233 = vector.broadcast %masked_cummax3A_232 : i32 to vector<16xi32>
      %masked_cummax3A_234 = arith.xori %select_n3A_229, %masked_cummax3A_233 : vector<16xi32>
      %masked_cummax3A_235 = tpu.scan <max>, %masked_cummax3A_234 masked %broadcast_in_dim3A_231 : vector<16xi32>, vector<16xi1> -> vector<16xi32>
      %masked_cummax3A_236 = arith.xori %masked_cummax3A_235, %masked_cummax3A_233 : vector<16xi32>
      %reshape3A_237 = vector.shape_cast %max3A_25 : vector<16xi32> to vector<16x1xi32>
      %gather3A_238 = vector.shape_cast %reshape3A_237 : vector<16x1xi32> to vector<16xi32>
      %gather3A_239 = tpu.dynamic_gather %masked_cummax3A_236[%gather3A_238] in [0] : vector<16xi32>, vector<16xi32> -> vector<16xi32>
      %eq3A_240 = arith.constant 0 : i32
      %eq3A_241 = vector.broadcast %eq3A_240 : i32 to vector<16xi32>
      %eq3A_242 = arith.cmpi eq, %iota3A, %eq3A_241 : vector<16xi32>
      %jit3A_243 = arith.constant -1 : i32
      %broadcast_in_dim3A_244 = vector.broadcast %jit3A_243 : i32 to vector<16xi32>
      %select_n3A_245 = arith.select %eq3A_242, %broadcast_in_dim3A_244, %gather3A_239 : vector<16xi1>, vector<16xi32>
      %max3A_246 = arith.maxsi %select_n3A_245, %scan3A_202 : vector<16xi32>
      %gt3A_247 = arith.cmpi sgt, %get3A_212, %max3A_246 : vector<16xi32>
      %and3A_248 = arith.andi %eq3A_226, %gt3A_247 : vector<16xi1>
      %convert_element_type3A_249 = arith.extui %and3A_248 : vector<16xi1> to vector<16xi32>
      %add3A_250 = arith.addi %scan3A_203, %convert_element_type3A_249 : vector<16xi32>
      %jit3A_251 = arith.constant 1073741823 : i32
      %broadcast_in_dim3A_252 = vector.broadcast %jit3A_251 : i32 to vector<16xi32>
      %select_n3A_253 = arith.select %eq3A_226, %get3A_212, %broadcast_in_dim3A_252 : vector<16xi1>, vector<16xi32>
      %min3A_254 = arith.minsi %scan3A_204, %select_n3A_253 : vector<16xi32>
      %reshape3A_255 = vector.shape_cast %broadcast_in_dim3A_26 : vector<16xi32> to vector<16x1xi32>
      %gather3A_256 = vector.shape_cast %reshape3A_255 : vector<16x1xi32> to vector<16xi32>
      %gather3A_257 = tpu.dynamic_gather %masked_cummax3A_236[%gather3A_256] in [0] : vector<16xi32>, vector<16xi32> -> vector<16xi32>
      %max3A_258 = arith.maxsi %scan3A_202, %gather3A_257 : vector<16xi32>
      %scan3A_259 = arith.constant 1 : i32
      %scan3A_260 = arith.addi %scan3A_201, %scan3A_259 : i32
      %mul3A_261 = arith.constant 16 : i32
      %mul3A_262 = arith.muli %scan3A_260, %mul3A_261 : i32
      %get3A_263 = arith.index_cast %mul3A_262 : i32 to index
      %get3A_264 = tpu.vector_load %arg9[%get3A_263] {strides = array<i32>} : memref<2000xi32, #tpu.memory_space<vmem>>, vector<16xi32>,
      %mul3A_265 = arith.constant 16 : i32
      %mul3A_266 = arith.muli %scan3A_260, %mul3A_265 : i32
      %get3A_267 = arith.index_cast %mul3A_266 : i32 to index
      %get3A_268 = tpu.vector_load %arg12[%get3A_267] {strides = array<i32>} : memref<2000xi32, #tpu.memory_space<vmem>>, vector<16xi32>,
      %lt3A_269 = arith.constant 100000 : i32
      %lt3A_270 = vector.broadcast %lt3A_269 : i32 to vector<16xi32>
      %lt3A_271 = arith.cmpi slt, %get3A_264, %lt3A_270 : vector<16xi32>
      %sub3A_272 = arith.constant 100000 : i32
      %sub3A_273 = vector.broadcast %sub3A_272 : i32 to vector<16xi32>
      %sub3A_274 = arith.subi %get3A_264, %sub3A_273 : vector<16xi32>
      %select_n3A_275 = arith.select %lt3A_271, %get3A_264, %sub3A_274 : vector<16xi1>, vector<16xi32>
      %gather3A_276 = tpu.vector_load_idx %arg6[%select_n3A_275] : memref<100000xf32, #tpu.memory_space<vmem>>[vector<16xi32>], vector<16xf32>,
      %ge3A_277 = arith.constant 5.000000e-01 : f32
      %ge3A_278 = vector.broadcast %ge3A_277 : f32 to vector<16xf32>
      %ge3A_279 = arith.cmpf oge, %gather3A_276, %ge3A_278 : vector<16xf32>
      %eq3A_280 = arith.xori %ge3A_279, %lt3A_271 : vector<16xi1>
      %eq3A_281 = arith.constant dense<true> : vector<16xi1>
      %eq3A_282 = arith.xori %eq3A_280, %eq3A_281 : vector<16xi1>
      %jit3A_283 = arith.constant -1 : i32
      %broadcast_in_dim3A_284 = vector.broadcast %jit3A_283 : i32 to vector<16xi32>
      %select_n3A_285 = arith.select %eq3A_282, %get3A_268, %broadcast_in_dim3A_284 : vector<16xi1>, vector<16xi32>
      %broadcast_in_dim3A_286 = arith.constant true
      %broadcast_in_dim3A_287 = vector.broadcast %broadcast_in_dim3A_286 : i1 to vector<16xi1>
      %masked_cummax3A_288 = arith.constant -2147483648 : i32
      %masked_cummax3A_289 = vector.broadcast %masked_cummax3A_288 : i32 to vector<16xi32>
      %masked_cummax3A_290 = arith.xori %select_n3A_285, %masked_cummax3A_289 : vector<16xi32>
      %masked_cummax3A_291 = tpu.scan <max>, %masked_cummax3A_290 masked %broadcast_in_dim3A_287 : vector<16xi32>, vector<16xi1> -> vector<16xi32>
      %masked_cummax3A_292 = arith.xori %masked_cummax3A_291, %masked_cummax3A_289 : vector<16xi32>
      %reshape3A_293 = vector.shape_cast %max3A_25 : vector<16xi32> to vector<16x1xi32>
      %gather3A_294 = vector.shape_cast %reshape3A_293 : vector<16x1xi32> to vector<16xi32>
      %gather3A_295 = tpu.dynamic_gather %masked_cummax3A_292[%gather3A_294] in [0] : vector<16xi32>, vector<16xi32> -> vector<16xi32>
      %eq3A_296 = arith.constant 0 : i32
      %eq3A_297 = vector.broadcast %eq3A_296 : i32 to vector<16xi32>
      %eq3A_298 = arith.cmpi eq, %iota3A, %eq3A_297 : vector<16xi32>
      %jit3A_299 = arith.constant -1 : i32
      %broadcast_in_dim3A_300 = vector.broadcast %jit3A_299 : i32 to vector<16xi32>
      %select_n3A_301 = arith.select %eq3A_298, %broadcast_in_dim3A_300, %gather3A_295 : vector<16xi1>, vector<16xi32>
      %max3A_302 = arith.maxsi %select_n3A_301, %max3A_258 : vector<16xi32>
      %gt3A_303 = arith.cmpi sgt, %get3A_268, %max3A_302 : vector<16xi32>
      %and3A_304 = arith.andi %eq3A_282, %gt3A_303 : vector<16xi1>
      %convert_element_type3A_305 = arith.extui %and3A_304 : vector<16xi1> to vector<16xi32>
      %add3A_306 = arith.addi %add3A_250, %convert_element_type3A_305 : vector<16xi32>
      %jit3A_307 = arith.constant 1073741823 : i32
      %broadcast_in_dim3A_308 = vector.broadcast %jit3A_307 : i32 to vector<16xi32>
      %select_n3A_309 = arith.select %eq3A_282, %get3A_268, %broadcast_in_dim3A_308 : vector<16xi1>, vector<16xi32>
      %min3A_310 = arith.minsi %min3A_254, %select_n3A_309 : vector<16xi32>
      %reshape3A_311 = vector.shape_cast %broadcast_in_dim3A_26 : vector<16xi32> to vector<16x1xi32>
      %gather3A_312 = vector.shape_cast %reshape3A_311 : vector<16x1xi32> to vector<16xi32>
      %gather3A_313 = tpu.dynamic_gather %masked_cummax3A_292[%gather3A_312] in [0] : vector<16xi32>, vector<16xi32> -> vector<16xi32>
      %max3A_314 = arith.maxsi %max3A_258, %gather3A_313 : vector<16xi32>
      %scan3A_315 = arith.constant 2 : i32
      %scan3A_316 = arith.addi %scan3A_201, %scan3A_315 : i32
      %mul3A_317 = arith.constant 16 : i32
      %mul3A_318 = arith.muli %scan3A_316, %mul3A_317 : i32
      %get3A_319 = arith.index_cast %mul3A_318 : i32 to index
      %get3A_320 = tpu.vector_load %arg9[%get3A_319] {strides = array<i32>} : memref<2000xi32, #tpu.memory_space<vmem>>, vector<16xi32>,
      %mul3A_321 = arith.constant 16 : i32
      %mul3A_322 = arith.muli %scan3A_316, %mul3A_321 : i32
      %get3A_323 = arith.index_cast %mul3A_322 : i32 to index
      %get3A_324 = tpu.vector_load %arg12[%get3A_323] {strides = array<i32>} : memref<2000xi32, #tpu.memory_space<vmem>>, vector<16xi32>,
      %lt3A_325 = arith.constant 100000 : i32
      %lt3A_326 = vector.broadcast %lt3A_325 : i32 to vector<16xi32>
      %lt3A_327 = arith.cmpi slt, %get3A_320, %lt3A_326 : vector<16xi32>
      %sub3A_328 = arith.constant 100000 : i32
      %sub3A_329 = vector.broadcast %sub3A_328 : i32 to vector<16xi32>
      %sub3A_330 = arith.subi %get3A_320, %sub3A_329 : vector<16xi32>
      %select_n3A_331 = arith.select %lt3A_327, %get3A_320, %sub3A_330 : vector<16xi1>, vector<16xi32>
      %gather3A_332 = tpu.vector_load_idx %arg6[%select_n3A_331] : memref<100000xf32, #tpu.memory_space<vmem>>[vector<16xi32>], vector<16xf32>,
      %ge3A_333 = arith.constant 5.000000e-01 : f32
      %ge3A_334 = vector.broadcast %ge3A_333 : f32 to vector<16xf32>
      %ge3A_335 = arith.cmpf oge, %gather3A_332, %ge3A_334 : vector<16xf32>
      %eq3A_336 = arith.xori %ge3A_335, %lt3A_327 : vector<16xi1>
      %eq3A_337 = arith.constant dense<true> : vector<16xi1>
      %eq3A_338 = arith.xori %eq3A_336, %eq3A_337 : vector<16xi1>
      %jit3A_339 = arith.constant -1 : i32
      %broadcast_in_dim3A_340 = vector.broadcast %jit3A_339 : i32 to vector<16xi32>
      %select_n3A_341 = arith.select %eq3A_338, %get3A_324, %broadcast_in_dim3A_340 : vector<16xi1>, vector<16xi32>
      %broadcast_in_dim3A_342 = arith.constant true
      %broadcast_in_dim3A_343 = vector.broadcast %broadcast_in_dim3A_342 : i1 to vector<16xi1>
      %masked_cummax3A_344 = arith.constant -2147483648 : i32
      %masked_cummax3A_345 = vector.broadcast %masked_cummax3A_344 : i32 to vector<16xi32>
      %masked_cummax3A_346 = arith.xori %select_n3A_341, %masked_cummax3A_345 : vector<16xi32>
      %masked_cummax3A_347 = tpu.scan <max>, %masked_cummax3A_346 masked %broadcast_in_dim3A_343 : vector<16xi32>, vector<16xi1> -> vector<16xi32>
      %masked_cummax3A_348 = arith.xori %masked_cummax3A_347, %masked_cummax3A_345 : vector<16xi32>
      %reshape3A_349 = vector.shape_cast %max3A_25 : vector<16xi32> to vector<16x1xi32>
      %gather3A_350 = vector.shape_cast %reshape3A_349 : vector<16x1xi32> to vector<16xi32>
      %gather3A_351 = tpu.dynamic_gather %masked_cummax3A_348[%gather3A_350] in [0] : vector<16xi32>, vector<16xi32> -> vector<16xi32>
      %eq3A_352 = arith.constant 0 : i32
      %eq3A_353 = vector.broadcast %eq3A_352 : i32 to vector<16xi32>
      %eq3A_354 = arith.cmpi eq, %iota3A, %eq3A_353 : vector<16xi32>
      %jit3A_355 = arith.constant -1 : i32
      %broadcast_in_dim3A_356 = vector.broadcast %jit3A_355 : i32 to vector<16xi32>
      %select_n3A_357 = arith.select %eq3A_354, %broadcast_in_dim3A_356, %gather3A_351 : vector<16xi1>, vector<16xi32>
      %max3A_358 = arith.maxsi %select_n3A_357, %max3A_314 : vector<16xi32>
      %gt3A_359 = arith.cmpi sgt, %get3A_324, %max3A_358 : vector<16xi32>
      %and3A_360 = arith.andi %eq3A_338, %gt3A_359 : vector<16xi1>
      %convert_element_type3A_361 = arith.extui %and3A_360 : vector<16xi1> to vector<16xi32>
      %add3A_362 = arith.addi %add3A_306, %convert_element_type3A_361 : vector<16xi32>
      %jit3A_363 = arith.constant 1073741823 : i32
      %broadcast_in_dim3A_364 = vector.broadcast %jit3A_363 : i32 to vector<16xi32>
      %select_n3A_365 = arith.select %eq3A_338, %get3A_324, %broadcast_in_dim3A_364 : vector<16xi1>, vector<16xi32>
      %min3A_366 = arith.minsi %min3A_310, %select_n3A_365 : vector<16xi32>
      %reshape3A_367 = vector.shape_cast %broadcast_in_dim3A_26 : vector<16xi32> to vector<16x1xi32>
      %gather3A_368 = vector.shape_cast %reshape3A_367 : vector<16x1xi32> to vector<16xi32>
      %gather3A_369 = tpu.dynamic_gather %masked_cummax3A_348[%gather3A_368] in [0] : vector<16xi32>, vector<16xi32> -> vector<16xi32>
      %max3A_370 = arith.maxsi %max3A_314, %gather3A_369 : vector<16xi32>
      %scan3A_371 = arith.constant 3 : i32
      %scan3A_372 = arith.addi %scan3A_201, %scan3A_371 : i32
      %mul3A_373 = arith.constant 16 : i32
      %mul3A_374 = arith.muli %scan3A_372, %mul3A_373 : i32
      %get3A_375 = arith.index_cast %mul3A_374 : i32 to index
      %get3A_376 = tpu.vector_load %arg9[%get3A_375] {strides = array<i32>} : memref<2000xi32, #tpu.memory_space<vmem>>, vector<16xi32>,
      %mul3A_377 = arith.constant 16 : i32
      %mul3A_378 = arith.muli %scan3A_372, %mul3A_377 : i32
      %get3A_379 = arith.index_cast %mul3A_378 : i32 to index
      %get3A_380 = tpu.vector_load %arg12[%get3A_379] {strides = array<i32>} : memref<2000xi32, #tpu.memory_space<vmem>>, vector<16xi32>,
      %lt3A_381 = arith.constant 100000 : i32
      %lt3A_382 = vector.broadcast %lt3A_381 : i32 to vector<16xi32>
      %lt3A_383 = arith.cmpi slt, %get3A_376, %lt3A_382 : vector<16xi32>
      %sub3A_384 = arith.constant 100000 : i32
      %sub3A_385 = vector.broadcast %sub3A_384 : i32 to vector<16xi32>
      %sub3A_386 = arith.subi %get3A_376, %sub3A_385 : vector<16xi32>
      %select_n3A_387 = arith.select %lt3A_383, %get3A_376, %sub3A_386 : vector<16xi1>, vector<16xi32>
      %gather3A_388 = tpu.vector_load_idx %arg6[%select_n3A_387] : memref<100000xf32, #tpu.memory_space<vmem>>[vector<16xi32>], vector<16xf32>,
      %ge3A_389 = arith.constant 5.000000e-01 : f32
      %ge3A_390 = vector.broadcast %ge3A_389 : f32 to vector<16xf32>
      %ge3A_391 = arith.cmpf oge, %gather3A_388, %ge3A_390 : vector<16xf32>
      %eq3A_392 = arith.xori %ge3A_391, %lt3A_383 : vector<16xi1>
      %eq3A_393 = arith.constant dense<true> : vector<16xi1>
      %eq3A_394 = arith.xori %eq3A_392, %eq3A_393 : vector<16xi1>
      %jit3A_395 = arith.constant -1 : i32
      %broadcast_in_dim3A_396 = vector.broadcast %jit3A_395 : i32 to vector<16xi32>
      %select_n3A_397 = arith.select %eq3A_394, %get3A_380, %broadcast_in_dim3A_396 : vector<16xi1>, vector<16xi32>
      %broadcast_in_dim3A_398 = arith.constant true
      %broadcast_in_dim3A_399 = vector.broadcast %broadcast_in_dim3A_398 : i1 to vector<16xi1>
      %masked_cummax3A_400 = arith.constant -2147483648 : i32
      %masked_cummax3A_401 = vector.broadcast %masked_cummax3A_400 : i32 to vector<16xi32>
      %masked_cummax3A_402 = arith.xori %select_n3A_397, %masked_cummax3A_401 : vector<16xi32>
      %masked_cummax3A_403 = tpu.scan <max>, %masked_cummax3A_402 masked %broadcast_in_dim3A_399 : vector<16xi32>, vector<16xi1> -> vector<16xi32>
      %masked_cummax3A_404 = arith.xori %masked_cummax3A_403, %masked_cummax3A_401 : vector<16xi32>
      %reshape3A_405 = vector.shape_cast %max3A_25 : vector<16xi32> to vector<16x1xi32>
      %gather3A_406 = vector.shape_cast %reshape3A_405 : vector<16x1xi32> to vector<16xi32>
      %gather3A_407 = tpu.dynamic_gather %masked_cummax3A_404[%gather3A_406] in [0] : vector<16xi32>, vector<16xi32> -> vector<16xi32>
      %eq3A_408 = arith.constant 0 : i32
      %eq3A_409 = vector.broadcast %eq3A_408 : i32 to vector<16xi32>
      %eq3A_410 = arith.cmpi eq, %iota3A, %eq3A_409 : vector<16xi32>
      %jit3A_411 = arith.constant -1 : i32
      %broadcast_in_dim3A_412 = vector.broadcast %jit3A_411 : i32 to vector<16xi32>
      %select_n3A_413 = arith.select %eq3A_410, %broadcast_in_dim3A_412, %gather3A_407 : vector<16xi1>, vector<16xi32>
      %max3A_414 = arith.maxsi %select_n3A_413, %max3A_370 : vector<16xi32>
      %gt3A_415 = arith.cmpi sgt, %get3A_380, %max3A_414 : vector<16xi32>
      %and3A_416 = arith.andi %eq3A_394, %gt3A_415 : vector<16xi1>
      %convert_element_type3A_417 = arith.extui %and3A_416 : vector<16xi1> to vector<16xi32>
      %add3A_418 = arith.addi %add3A_362, %convert_element_type3A_417 : vector<16xi32>
      %jit3A_419 = arith.constant 1073741823 : i32
      %broadcast_in_dim3A_420 = vector.broadcast %jit3A_419 : i32 to vector<16xi32>
      %select_n3A_421 = arith.select %eq3A_394, %get3A_380, %broadcast_in_dim3A_420 : vector<16xi1>, vector<16xi32>
      %min3A_422 = arith.minsi %min3A_366, %select_n3A_421 : vector<16xi32>
      %reshape3A_423 = vector.shape_cast %broadcast_in_dim3A_26 : vector<16xi32> to vector<16x1xi32>
      %gather3A_424 = vector.shape_cast %reshape3A_423 : vector<16x1xi32> to vector<16xi32>
      %gather3A_425 = tpu.dynamic_gather %masked_cummax3A_404[%gather3A_424] in [0] : vector<16xi32>, vector<16xi32> -> vector<16xi32>
      %max3A_426 = arith.maxsi %max3A_370, %gather3A_425 : vector<16xi32>
      scf.yield %max3A_426, %add3A_418, %min3A_422 : vector<16xi32>, vector<16xi32>, vector<16xi32>
    }
    %scan3A_109 = arith.constant 124 : i32
    %scan3A_110 = arith.addi %scan3A_104, %scan3A_109 : i32
    %mul3A_111 = arith.constant 16 : i32
    %mul3A_112 = arith.muli %scan3A_110, %mul3A_111 : i32
    %get3A_113 = arith.index_cast %mul3A_112 : i32 to index
    %get3A_114 = tpu.vector_load %arg9[%get3A_113] {strides = array<i32>} : memref<2000xi32, #tpu.memory_space<vmem>>, vector<16xi32>,
    %mul3A_115 = arith.constant 16 : i32
    %mul3A_116 = arith.muli %scan3A_110, %mul3A_115 : i32
    %get3A_117 = arith.index_cast %mul3A_116 : i32 to index
    %get3A_118 = tpu.vector_load %arg12[%get3A_117] {strides = array<i32>} : memref<2000xi32, #tpu.memory_space<vmem>>, vector<16xi32>,
    %lt3A_119 = arith.constant 100000 : i32
    %lt3A_120 = vector.broadcast %lt3A_119 : i32 to vector<16xi32>
    %lt3A_121 = arith.cmpi slt, %get3A_114, %lt3A_120 : vector<16xi32>
    %sub3A_122 = arith.constant 100000 : i32
    %sub3A_123 = vector.broadcast %sub3A_122 : i32 to vector<16xi32>
    %sub3A_124 = arith.subi %get3A_114, %sub3A_123 : vector<16xi32>
    %select_n3A_125 = arith.select %lt3A_121, %get3A_114, %sub3A_124 : vector<16xi1>, vector<16xi32>
    %gather3A_126 = tpu.vector_load_idx %arg6[%select_n3A_125] : memref<100000xf32, #tpu.memory_space<vmem>>[vector<16xi32>], vector<16xf32>,
    %ge3A_127 = arith.constant 5.000000e-01 : f32
    %ge3A_128 = vector.broadcast %ge3A_127 : f32 to vector<16xf32>
    %ge3A_129 = arith.cmpf oge, %gather3A_126, %ge3A_128 : vector<16xf32>
    %eq3A_130 = arith.xori %ge3A_129, %lt3A_121 : vector<16xi1>
    %eq3A_131 = arith.constant dense<true> : vector<16xi1>
    %eq3A_132 = arith.xori %eq3A_130, %eq3A_131 : vector<16xi1>
    %jit3A_133 = arith.constant -1 : i32
    %broadcast_in_dim3A_134 = vector.broadcast %jit3A_133 : i32 to vector<16xi32>
    %select_n3A_135 = arith.select %eq3A_132, %get3A_118, %broadcast_in_dim3A_134 : vector<16xi1>, vector<16xi32>
    %broadcast_in_dim3A_136 = arith.constant true
    %broadcast_in_dim3A_137 = vector.broadcast %broadcast_in_dim3A_136 : i1 to vector<16xi1>
    %masked_cummax3A_138 = arith.constant -2147483648 : i32
    %masked_cummax3A_139 = vector.broadcast %masked_cummax3A_138 : i32 to vector<16xi32>
    %masked_cummax3A_140 = arith.xori %select_n3A_135, %masked_cummax3A_139 : vector<16xi32>
    %masked_cummax3A_141 = tpu.scan <max>, %masked_cummax3A_140 masked %broadcast_in_dim3A_137 : vector<16xi32>, vector<16xi1> -> vector<16xi32>
    %masked_cummax3A_142 = arith.xori %masked_cummax3A_141, %masked_cummax3A_139 : vector<16xi32>
    %reshape3A_143 = vector.shape_cast %max3A_25 : vector<16xi32> to vector<16x1xi32>
    %gather3A_144 = vector.shape_cast %reshape3A_143 : vector<16x1xi32> to vector<16xi32>
    %gather3A_145 = tpu.dynamic_gather %masked_cummax3A_142[%gather3A_144] in [0] : vector<16xi32>, vector<16xi32> -> vector<16xi32>
    %eq3A_146 = arith.constant 0 : i32
    %eq3A_147 = vector.broadcast %eq3A_146 : i32 to vector<16xi32>
    %eq3A_148 = arith.cmpi eq, %iota3A, %eq3A_147 : vector<16xi32>
    %jit3A_149 = arith.constant -1 : i32
    %broadcast_in_dim3A_150 = vector.broadcast %jit3A_149 : i32 to vector<16xi32>
    %select_n3A_151 = arith.select %eq3A_148, %broadcast_in_dim3A_150, %gather3A_145 : vector<16xi1>, vector<16xi32>
    %max3A_152 = arith.maxsi %select_n3A_151, %scan3A_108#0 : vector<16xi32>
    %gt3A_153 = arith.cmpi sgt, %get3A_118, %max3A_152 : vector<16xi32>
    %and3A_154 = arith.andi %eq3A_132, %gt3A_153 : vector<16xi1>
    %convert_element_type3A_155 = arith.extui %and3A_154 : vector<16xi1> to vector<16xi32>
    %add3A_156 = arith.addi %scan3A_108#1, %convert_element_type3A_155 : vector<16xi32>
    %jit3A_157 = arith.constant 1073741823 : i32
    %broadcast_in_dim3A_158 = vector.broadcast %jit3A_157 : i32 to vector<16xi32>
    %select_n3A_159 = arith.select %eq3A_132, %get3A_118, %broadcast_in_dim3A_158 : vector<16xi1>, vector<16xi32>
    %min3A_160 = arith.minsi %scan3A_108#2, %select_n3A_159 : vector<16xi32>
    %reshape3A_161 = vector.shape_cast %broadcast_in_dim3A_26 : vector<16xi32> to vector<16x1xi32>
    %gather3A_162 = vector.shape_cast %reshape3A_161 : vector<16x1xi32> to vector<16xi32>
    %gather3A_163 = tpu.dynamic_gather %masked_cummax3A_142[%gather3A_162] in [0] : vector<16xi32>, vector<16xi32> -> vector<16xi32>
    %max3A_164 = arith.maxsi %scan3A_108#0, %gather3A_163 : vector<16xi32>
    %scan3A_165 = arith.constant 125 : i32
    %reduce_sum3A = arith.constant true
    %reduce_sum3A_166 = vector.broadcast %reduce_sum3A : i1 to vector<16xi1>
    %reduce_sum3A_167 = tpu.scan <sum>, %add3A_156 masked %reduce_sum3A_166 : vector<16xi32>, vector<16xi1> -> vector<16xi32>
    %reduce_sum3A_168 = vector.extract %reduce_sum3A_167[15] : i32 from vector<16xi32>
    %reduce_min3A = arith.constant true
    %reduce_min3A_169 = vector.broadcast %reduce_min3A : i1 to vector<16xi1>
    %reduce_min3A_170 = arith.constant -2147483648 : i32
    %reduce_min3A_171 = vector.broadcast %reduce_min3A_170 : i32 to vector<16xi32>
    %reduce_min3A_172 = arith.xori %min3A_160, %reduce_min3A_171 : vector<16xi32>
    %reduce_min3A_173 = tpu.scan <min>, %reduce_min3A_172 masked %reduce_min3A_169 : vector<16xi32>, vector<16xi1> -> vector<16xi32>
    %reduce_min3A_174 = arith.xori %reduce_min3A_173, %reduce_min3A_171 : vector<16xi32>
    %reduce_min3A_175 = vector.extract %reduce_min3A_174[15] : i32 from vector<16xi32>
    %reduce_max3A = arith.constant true
    %reduce_max3A_176 = vector.broadcast %reduce_max3A : i1 to vector<16xi1>
    %reduce_max3A_177 = arith.constant -2147483648 : i32
    %reduce_max3A_178 = vector.broadcast %reduce_max3A_177 : i32 to vector<16xi32>
    %reduce_max3A_179 = arith.xori %max3A_164, %reduce_max3A_178 : vector<16xi32>
    %reduce_max3A_180 = tpu.scan <max>, %reduce_max3A_179 masked %reduce_max3A_176 : vector<16xi32>, vector<16xi1> -> vector<16xi32>
    %reduce_max3A_181 = arith.xori %reduce_max3A_180, %reduce_max3A_178 : vector<16xi32>
    %reduce_max3A_182 = vector.extract %reduce_max3A_181[15] : i32 from vector<16xi32>
    %eq3A_183 = arith.constant 0 : i32
    %eq3A_184 = vector.broadcast %eq3A_183 : i32 to vector<16xi32>
    %eq3A_185 = arith.cmpi eq, %iota3A, %eq3A_184 : vector<16xi32>
    %eq3A_186 = arith.constant 1 : i32
    %eq3A_187 = vector.broadcast %eq3A_186 : i32 to vector<16xi32>
    %eq3A_188 = arith.cmpi eq, %iota3A, %eq3A_187 : vector<16xi32>
    %eq3A_189 = arith.constant 2 : i32
    %eq3A_190 = vector.broadcast %eq3A_189 : i32 to vector<16xi32>
    %eq3A_191 = arith.cmpi eq, %iota3A, %eq3A_190 : vector<16xi32>
    %jit3A_192 = arith.constant 0 : i32
    %broadcast_in_dim3A_193 = vector.broadcast %reduce_max3A_182 : i32 to vector<16xi32>
    %broadcast_in_dim3A_194 = vector.broadcast %jit3A_192 : i32 to vector<16xi32>
    %select_n3A_195 = arith.select %eq3A_191, %broadcast_in_dim3A_193, %broadcast_in_dim3A_194 : vector<16xi1>, vector<16xi32>
    %broadcast_in_dim3A_196 = vector.broadcast %reduce_min3A_175 : i32 to vector<16xi32>
    %select_n3A_197 = arith.select %eq3A_188, %broadcast_in_dim3A_196, %select_n3A_195 : vector<16xi1>, vector<16xi32>
    %broadcast_in_dim3A_198 = vector.broadcast %reduce_sum3A_168 : i32 to vector<16xi32>
    %select_n3A_199 = arith.select %eq3A_185, %broadcast_in_dim3A_198, %select_n3A_197 : vector<16xi1>, vector<16xi32>
    %swap3A = arith.constant 0 : index
    %swap3A_200 = tpu.vector_load %arg14[%swap3A] {strides = array<i32>} : memref<16xi32, #tpu.memory_space<vmem>>, vector<16xi32>,
    tpu.vector_store %arg14[%swap3A], %select_n3A_199 {strides = array<i32>} : memref<16xi32, #tpu.memory_space<vmem>>, vector<16xi32>,
    "tpu.region"() ({
      %run_scoped3A = tpu.sem_alloc : memref<!tpu.dma_semaphore, #tpu.memory_space<semaphore_mem>>
      %dma_start3A_201 = arith.constant 0 : i32
      %dma_start3A_202 = tpu.memref_slice %arg5[%add3A, %dma_start3A_201] : memref<32x16xi32, #tpu.memory_space<hbm>> -> memref<1x16xi32, #tpu.memory_space<hbm>>
      %dma_start3A_203 = tpu.memref_squeeze %dma_start3A_202 : memref<1x16xi32, #tpu.memory_space<hbm>> -> memref<16xi32, #tpu.memory_space<hbm>>
      %dma_start3A_204 = arith.constant 0 : i32
      %dma_start3A_205 = tpu.memref_slice %arg5[%add3A, %dma_start3A_204] : memref<32x16xi32, #tpu.memory_space<hbm>> -> memref<1x16xi32, #tpu.memory_space<hbm>>
      %dma_start3A_206 = tpu.memref_squeeze %dma_start3A_205 : memref<1x16xi32, #tpu.memory_space<hbm>> -> memref<16xi32, #tpu.memory_space<hbm>>
      tpu.enqueue_dma source(%arg14 : memref<16xi32, #tpu.memory_space<vmem>>) target(%dma_start3A_206 : memref<16xi32, #tpu.memory_space<hbm>>) target_semaphore(%run_scoped3A : memref<!tpu.dma_semaphore, #tpu.memory_space<semaphore_mem>>)
      %dma_wait3A_207 = arith.constant 0 : i32
      %dma_wait3A_208 = tpu.memref_slice %arg5[%add3A, %dma_wait3A_207] : memref<32x16xi32, #tpu.memory_space<hbm>> -> memref<1x16xi32, #tpu.memory_space<hbm>>
      %dma_wait3A_209 = tpu.memref_squeeze %dma_wait3A_208 : memref<1x16xi32, #tpu.memory_space<hbm>> -> memref<16xi32, #tpu.memory_space<hbm>>
      %dma_wait3A_210 = arith.constant 0 : i32
      %dma_wait3A_211 = tpu.memref_slice %arg5[%add3A, %dma_wait3A_210] : memref<32x16xi32, #tpu.memory_space<hbm>> -> memref<1x16xi32, #tpu.memory_space<hbm>>
      %dma_wait3A_212 = tpu.memref_squeeze %dma_wait3A_211 : memref<1x16xi32, #tpu.memory_space<hbm>> -> memref<16xi32, #tpu.memory_space<hbm>>
      tpu.wait_dma2 semaphore(%run_scoped3A : memref<!tpu.dma_semaphore, #tpu.memory_space<semaphore_mem>>) src(%arg14 : memref<16xi32, #tpu.memory_space<vmem>>) dst(%dma_wait3A_212 : memref<16xi32, #tpu.memory_space<hbm>>)
      tpu.yield
    }) : () -> ()
    return
  }
}

module attributes {stable_mosaic.version = 14 : i64} {
  func.func @_combine_body(%arg0: memref<32x16xi32, #tpu.memory_space<smem>>, %arg1: memref<1x1xf32, #tpu.memory_space<smem>>, %arg2: memref<1x1xf32, #tpu.memory_space<smem>>) attributes {dimension_semantics = [], scalar_prefetch = 0 : i64, scratch_operands = 0 : i64, tpu.core_type = #tpu.core_type<tc>} {
    %scan3A = arith.constant 0 : i32
    %scan3A_0 = arith.constant -1 : i32
    %scan3A_1 = arith.constant 0 : i32
    %scan3A_2 = arith.constant 32 : i32
    %scan3A_3 = arith.addi %scan3A_1, %scan3A_2 : i32
    %scan3A_4 = arith.constant 1 : i32
    %scan3A_5:2 = scf.for %scan3A_12 = %scan3A_1 to %scan3A_3 step %scan3A_4 iter_args(%scan3A_13 = %scan3A, %scan3A_14 = %scan3A_0) -> (i32, i32)  : i32 {
      %get3A_15 = arith.index_cast %scan3A_12 : i32 to index
      %get3A_16 = arith.constant 0 : index
      %get3A_17 = memref.load %arg0[%get3A_15, %get3A_16] : memref<32x16xi32, #tpu.memory_space<smem>>
      %get3A_18 = arith.index_cast %scan3A_12 : i32 to index
      %get3A_19 = arith.constant 1 : index
      %get3A_20 = memref.load %arg0[%get3A_18, %get3A_19] : memref<32x16xi32, #tpu.memory_space<smem>>
      %get3A_21 = arith.index_cast %scan3A_12 : i32 to index
      %get3A_22 = arith.constant 2 : index
      %get3A_23 = memref.load %arg0[%get3A_21, %get3A_22] : memref<32x16xi32, #tpu.memory_space<smem>>
      %eq3A = arith.cmpi eq, %get3A_20, %scan3A_14 : i32
      %jit3A = arith.constant 1 : i32
      %jit3A_24 = arith.constant 0 : i32
      %select_n3A = arith.select %eq3A, %jit3A, %jit3A_24 : i32
      %add3A = arith.addi %scan3A_13, %get3A_17 : i32
      %sub3A_25 = arith.subi %add3A, %select_n3A : i32
      %max3A = arith.maxsi %scan3A_14, %get3A_23 : i32
      scf.yield %sub3A_25, %max3A : i32, i32
    }
    %scan3A_6 = arith.constant 32 : i32
    %get3A = arith.constant 0 : index
    %get3A_7 = arith.constant 0 : index
    %get3A_8 = memref.load %arg1[%get3A, %get3A_7] : memref<1x1xf32, #tpu.memory_space<smem>>
    %convert_element_type3A = arith.sitofp %scan3A_5#0 : i32 to f32
    %sub3A = arith.subf %get3A_8, %convert_element_type3A : f32
    %div3A = arith.constant 1.000000e+05 : f32
    %div3A_9 = arith.divf %sub3A, %div3A : f32
    %swap3A = arith.constant 0 : index
    %swap3A_10 = arith.constant 0 : index
    %swap3A_11 = memref.load %arg2[%swap3A, %swap3A_10] : memref<1x1xf32, #tpu.memory_space<smem>>
    memref.store %div3A_9, %arg2[%swap3A, %swap3A_10] : memref<1x1xf32, #tpu.memory_space<smem>>
    return
  }
}

</mosaic_0001>

<sc_bundles>
// kernel: kernel.4.cloned.1.call-start
scs
__scs_entry_jumppad:
0x0: {  	(pc) =	sbr.rel $0x88, $3  }
0x1: {  	(tag) =	ssettag $0x0;
	lr =	simm.s32 $0x1  }
0x2: {  	[smem:$0x3F9D] =	sst lr;
	_ =	strace $0xD0000000  }
0x3: {  	_ = 	snop  }
0x4: {  	_ = 	snop  }
0x5: {  	_ = 	snop  }
0x6: {  	_ = 	snop  }
0x7: {  	_ = 	snop  }
__scs_overlays_trampoline_lowered:
0x8: {  	[smem:$0x3FAC] =	sst s0  }
0x9: {  	[smem:$0x3FAD] =	sst s1  }
0xa: {  	[smem:$0x3FAE] =	sst s2  }
0xb: {  	[smem:$0x3FAF] =	sst s3  }
0xc: {  	[smem:$0x3FB0] =	sst s4  }
0xd: {  	[smem:$0x3FB1] =	sst s5  }
0xe: {  	[smem:$0x3FB2] =	sst s6  }
0xf: {  	[smem:$0x3FB3] =	sst s7  }
0x10: {  	[smem:$0x3FB4] =	sst s8  }
0x11: {  	[smem:$0x3FB5] =	sst s9;
	s0 =	simm.s32 @!p0 $0x0  }
0x12: {  	s1 =	sld [smem:$0x3F9B];
	s0 =	simm.s32 @p0 $0x1  }
0x13: {  	[smem:$0x3FB6] =	sst s0;
	s0 =	simm.s32 @!p1 $0x0  }
0x14: {  	s2 =	sld [smem:$0x3F9A];
	s0 =	simm.s32 @p1 $0x1  }
0x15: {  	[smem:$0x3FB7] =	sst s0;
	s0 =	simm.s32 @!p2 $0x0  }
0x16: {  	s3 =	sld [smem:$0x3FDB];
	s0 =	simm.s32 @p2 $0x1  }
0x17: {  	s4 =	simm.s32 $0x1BF5;
	[smem:$0x3FB9] =	sst s0  }
0x18: {  	s0 =	sld [smem:$0x3F9C];
	_ =	swait.ge [sflag:s4], $0x0  }
0x19: {  	s7 =	sld [smem:$0x3F9D]  }
0x1a: {  	s8 =	sadd.s32 $0xFFFFE003, lr  }
0x1b: {  	s9 =	sadd.s32 $0xFFFFFEF7, lr;
	s5 =	simm.s32 $0xFFFFFFFF;
	p2 =	slt.u32 s8, $0xFFFFF086  }
0x1c: {  	p1 =	slt.u32 s9, $0xF7A;
	s5 =	simm.s32 @!p2 $0x0  }
0x1d: {  	s5 =	simm.s32 @p1 $0x1;
	p0 =	seq.s32 s7, s2  }
0x1e: {  	s7 =	smul.u32 @!p0 $0xF7A, s2;
	p2 =	seq.s32 @!p0 s5, $0x0  }
0x1f: {  	s9 =	smul.u32 $0xF7A, s1;
	s8 =	simm.s32 @!p0 $0x1BF5;
	p2 =	por !p2, p0  }
0x20: {  	[sflag:s8] =	ssyncset.s32 @!p0 $0xFFFFF086;
	s6 =	sadd.s32 @!p0 s3, s7;
	s7 =	simm.s32 @!p0 $0x108  }
0x21: {  	s3 =	sadd.s32 s3, s9;
	s6 =	sadd.s32 @!p0 $0x88, s6;
	s7 =	simm.s32 @p2 $0x1082  }
0x22: {  	[simem:s7], [sflag:s8] =	dma.local @!p0 [hbm:s6], $0xF7A  }
0x23: {  	s9 =	sor.u32 $0xD0000000, s2;
	s6 =	simm.s32 $0x108;
	_ =	swait.ge @!p0 [sflag:s8], $0x0  }
0x24: {  	s3 =	sadd.s32 $0x88, s3;
	s6 =	simm.s32 @!p1 $0x1082;
	[sflag:s4] =	ssyncset.s32 $0xFFFFF086  }
0x25: {  	[simem:s6], [sflag:s4] =	dma.local [hbm:s3], $0xF7A  }
0x26: {  	[smem:$0x3F9D] =	sst s1;
	(tag) =	ssettag s2;
	_ =	strace s9  }
0x27: {  	s1 =	sld [smem:$0x3FAD]  }
0x28: {  	s2 =	sld [smem:$0x3FAE]  }
0x29: {  	s4 =	sld [smem:$0x3FB0]  }
0x2a: {  	p0 =	seq.s32 s5, $0x0;
	s5 =	sld [smem:$0x3FB1]  }
0x2b: {  	s6 =	sld [smem:$0x3FB2]  }
0x2c: {  	s7 =	sld [smem:$0x3FB3]  }
0x2d: {  	s3 =	simm.s32 $0x108;
	s8 =	sld [smem:$0x3FB4]  }
0x2e: {  	s3 =	simm.s32 @!p0 $0x1082;
	s9 =	sld [smem:$0x3FB5]  }
0x2f: {  	lr =	sadd.s32 s0, s3;
	s0 =	sld [smem:$0x3FAC]  }
0x30: {  	s3 =	sld [smem:$0x3FAF]  }
0x31: {  	[smem:$0x3FB8] =	sst s10  }
0x32: {  	s10 =	sld [smem:$0x3FB6];
	_ =	sdelay $0x3  }
0x33: {  	p0 =	seq.s32 s10, $0x1;
	s10 =	sld [smem:$0x3FB8];
	_ =	sdelay $0x3  }
0x34: {  	[smem:$0x3FB8] =	sst s10  }
0x35: {  	s10 =	sld [smem:$0x3FB7];
	_ =	sdelay $0x3  }
0x36: {  	p1 =	seq.s32 s10, $0x1;
	s10 =	sld [smem:$0x3FB8];
	_ =	sdelay $0x3  }
0x37: {  	[smem:$0x3FB8] =	sst s10  }
0x38: {  	s10 =	sld [smem:$0x3FB9]  }
0x39: {  	_ = 	snop;
	(pc) =	sbr.ind lr, $3  }
0x3a: {  	_ = 	snop  }
0x3b: {  	_ = 	snop  }
0x3c: {  	p2 =	seq.s32 s10, $0x1;
	s10 =	sld [smem:$0x3FB8]  }
0x3d: {  	_ =	shalt  }
0x3e: {  	_ =	shalt  }
0x3f: {  	_ =	shalt  }
0x40: {  	_ =	shalt  }
0x41: {  	_ =	shalt  }
0x42: {  	_ =	shalt  }
0x43: {  	_ =	shalt  }
0x44: {  	_ =	shalt  }
0x45: {  	_ =	shalt  }
0x46: {  	_ =	shalt  }
0x47: {  	_ =	shalt  }
0x48: {  	_ =	shalt  }
0x49: {  	_ =	shalt  }
0x4a: {  	_ =	shalt  }
0x4b: {  	_ =	shalt  }
0x4c: {  	_ =	shalt  }
0x4d: {  	_ =	shalt  }
0x4e: {  	_ =	shalt  }
0x4f: {  	_ =	shalt  }
0x50: {  	_ =	shalt  }
0x51: {  	_ =	shalt  }
0x52: {  	_ =	shalt  }
0x53: {  	_ =	shalt  }
0x54: {  	_ =	shalt  }
0x55: {  	_ =	shalt  }
0x56: {  	_ =	shalt  }
0x57: {  	_ =	shalt  }
0x58: {  	_ =	shalt  }
0x59: {  	_ =	shalt  }
0x5a: {  	_ =	shalt  }
0x5b: {  	_ =	shalt  }
0x5c: {  	_ =	shalt  }
0x5d: {  	_ =	shalt  }
0x5e: {  	_ =	shalt  }
0x5f: {  	_ =	shalt  }
0x60: {  	_ =	shalt  }
0x61: {  	_ =	shalt  }
0x62: {  	_ =	shalt  }
0x63: {  	_ =	shalt  }
0x64: {  	_ =	shalt  }
0x65: {  	_ =	shalt  }
0x66: {  	_ =	shalt  }
0x67: {  	_ =	shalt  }
0x68: {  	_ =	shalt  }
0x69: {  	_ =	shalt  }
0x6a: {  	_ =	shalt  }
0x6b: {  	_ =	shalt  }
0x6c: {  	_ =	shalt  }
0x6d: {  	_ =	shalt  }
0x6e: {  	_ =	shalt  }
0x6f: {  	_ =	shalt  }
0x70: {  	_ =	shalt  }
0x71: {  	_ =	shalt  }
0x72: {  	_ =	shalt  }
0x73: {  	_ =	shalt  }
0x74: {  	_ =	shalt  }
0x75: {  	_ =	shalt  }
0x76: {  	_ =	shalt  }
0x77: {  	_ =	shalt  }
0x78: {  	_ =	shalt  }
0x79: {  	_ =	shalt  }
0x7a: {  	_ =	shalt  }
0x7b: {  	_ =	shalt  }
0x7c: {  	_ =	shalt  }
0x7d: {  	_ =	shalt  }
0x7e: {  	_ =	shalt  }
0x7f: {  	_ =	shalt  }
0x80: {  	_ =	shalt  }
0x81: {  	_ =	shalt  }
0x82: {  	_ =	shalt  }
0x83: {  	_ =	shalt  }
0x84: {  	_ =	shalt  }
0x85: {  	_ =	shalt  }
0x86: {  	_ =	shalt  }
0x87: {  	_ =	shalt  }
.Lfunc_end0:
.L_simem_size_0:
called_computation_lowered:
.L_overlay_start_0:
0x88: {  	s2 =	sld [smem:$0x3FD9]  }
0x89: {  	s3 =	sld [smem:$0x3FFE];
	_ =	sdelay $0x1  }
0x8a: {  	s1 =	srdreg.scid  }
0x8b: {  	s0 =	sand.u32 $0x1, s1  }
0x8c: {  	s17 =	sshll.u32 s0, $0xA;
	s2 =	sadd.s32 s3, s2  }
0x8d: {  	s2 =	sadd.s32 s2, s17  }
0x8e: {  	[smem:$0x3FC4] =	sst s2  }
0x8f: {  	_ = 	snop  }
0x90: {  	s2 =	sld [smem:$0x3FC9]  }
0x91: {  	s18 =	sld [smem:$0x3FC8]  }
0x92: {  	s4 =	sld [smem:$0x3FC7];
	(tm) =	ssettm $0x1  }
0x93: {  	s5 =	sld [smem:$0x3FFB];
	_ =	sdelay $0x3  }
0x94: {  	_ =	strace s5  }
0x95: {  	s5 =	sld [smem:$0x3FFC];
	_ =	sdelay $0x3  }
0x96: {  	_ =	strace s5  }
0x97: {  	s5 =	sld [smem:$0x3FFD];
	_ =	sdelay $0x3  }
0x98: {  	_ =	strace s5  }
0x99: {  	_ =	strace $0x8FFFFFFF  }
0x9a: {  	s19 =	sld [smem:$0x3FDB];
	_ =	sdelay $0x1  }
0x9b: {  	s6 =	simm.s32 $_scs_section_size  }
0x9c: {  	s7 =	simm.s32 $_size__tile_overlayer_lowered;
	s8 =	simm.s32 $_tile_overlayer_lowered  }
0x9d: {  	s22 =	simm.s32 $0x1BFF;
	s21 =	sshll.u32 s8, $0x1;
	s5 =	sadd.s32 s6, s19  }
0x9e: {  	s9 =	simm.s32 $0x0;
	s20 =	sshll.u32 s7, $0x1;
	s7 =	sadd.s32 s21, s5  }
0x9f: {  	[timem:s9], [sflag:s22] =	dma.local [hbm:s7], s20  }
0xa0: {  	_ =	swait.ge [sflag:s22], s20  }
0xa1: {  	s6 =	ssub.s32 $0x0, s20;
	[sflag:s22] =	ssyncset.done $0x0  }
0xa2: {  	[sflag:s22] =	ssyncadd.s32 s6;
	_ =	sdelay $0x1  }
0xa3: {  	s23 =	simm.s32 $0x1B8B  }
0xa4: {  	_ =	swait.ge [sflag:s23], $0x1  }
0xa5: {  	[sflag:s23] =	ssyncset.done $0x0  }
0xa6: {  	s25 =	simm.s32 $0x1B8E;
	s24 =	sld [smem:$0x3FFE];
	[sflag:s23] =	ssyncadd.s32 $0xFFFFFFFF  }
0xa7: {  	s26 =	simm.s32 $execute0_lowered;
	[smem:$0x3FD2] =	sst s25  }
0xa8: {  	s7 =	sshll.u32 s26, $0x1;
	_ =	strace $0x80000046;
	[dreg:$0x1] =	wrdreg $0xFFFFFFFF  }
0xa9: {  	s28 =	simm.s32 $_size_execute0_lowered;
	s5 =	sadd.s32 s5, s7;
	[dreg:$0x0] =	wrdreg $0x0  }
0xaa: {  	s7 =	sshll.u32 s28, $0x1;
	[dreg:$0x2] =	wrdreg s5  }
0xab: {  	[dreg:$0x3] =	wrdreg s7  }
0xac: {  	[dreg:$0x4] =	wrdreg $0xC0  }
0xad: {  	_ =	task [dreg:s9], $0x5FFFF  }
0xae: {  	[dreg:$0x1] =	wrdreg $0xFFFFFFFF  }
0xaf: {  	[dreg:$0x0] =	wrdreg $0x60  }
0xb0: {  	[dreg:$0x2] =	wrdreg s2  }
0xb1: {  	[dreg:$0x3] =	wrdreg s18  }
0xb2: {  	[dreg:$0x4] =	wrdreg s4  }
0xb3: {  	[dreg:$0x5] =	wrdreg s24  }
0xb4: {  	[dreg:$0x6] =	wrdreg $0x187000  }
0xb5: {  	[dreg:$0x7] =	wrdreg $0x9  }
0xb6: {  	_ =	task.clear_ibuf [dreg:s9], $0x8FFFF;
	_ =	strace $0x90000046  }
0xb7: {  	s29 =	simm.s32 $0x9;
	_ =	strace $0x80000048  }
0xb8: {  	_ =	swait.ge [sflag:s29], $0x1  }
0xb9: {  	[sflag:s29] =	ssyncadd.s32 $0xFFFFFFFF  }
0xba: {  	_ =	strace $0x90000048  }
0xbb: {  	_ =	sfence  }
0xbc: {  	s30 =	sld [smem:$0x0];
	_ =	sdelay $0x2  }
0xbd: {  	s31 =	sshll.u32 s1, $0xD;
	s1 =	sshrl.u32 s1, $0x2  }
0xbe: {  	s3 =	sand.u32 $0x4000, s31;
	s1 =	sadd.s32 s1, s30  }
0xbf: {  	s0 =	sor.u32 s3, s0;
	s1 =	sshll.u32 s1, $0x11  }
0xc0: {  	s0 =	sor.u32 s1, s0  }
0xc1: {  	s0 =	sadd.s32 $0x8F2B, s0  }
0xc2: {  	[sflag:s0] =	ssyncadd.remote.s32 $0x1  }
0xc3: {  	_ =	sfence.sel $0xFFFF  }
0xc4: {  	[dreg:$0x0] =	wrdreg $0xFFFFFFFF;
	(pc) =	sbr.abs _section_cstart, $3  }
0xc5: {  	[dreg:$0x1] =	wrdreg $0xFFFFFFFF  }
0xc6: {  	_ =	task.clear_ibuf [dreg:s9], $0x2FFFF;
	_ =	strace $0x9FFFFFFF  }
0xc7: {  	(tm) =	ssettm $0x7FFFFFFF  }
tec
execute0_lowered:
.L_overlay_start_1:
0x0: {  	(tag) =	ssettag $0x1  }
0x1: {  	s1 =	rddreg [dreg:$0x1]  }
0x2: {  	s2 =	rddreg [dreg:$0x2]  }
0x3: {  	s0 =	rddreg [dreg:$0x3]  }
0x4: {  	s3 =	srdreg.scid;
	s17 =	stileid.u32  }
0x5: {  	s4 =	rddreg [dreg:$0x4];
	s5 =	simm.s32 $0x0;
	s18 =	simm.s32 $0x1B770  }
0x6: {  	s19 =	simm.s32 $0x1A770;
	s20 =	simm.s32 $0x1BF70;
	s21 =	simm.s32 $0x1AF70  }
0x7: {  	s22 =	simm.s32 $0x1C770;
	s23 =	simm.s32 $0x4;
	s24 =	simm.s32 $0x1  }
0x8: {  	s25 =	simm.s32 $0x2;
	s26 =	simm.s32 $0x3;
	s29 =	simm.s32 $0x0  }
0x9: {  	s3 =	sand.u32 $0x1, s3;
	s6 =	sshll.u32 s17, $0x1;
	[smem:$0x7FF] =	sst s5  }
0xa: {  	p0 =	sne.s32 s17, $0x0;
	s17 =	simm.s32 $0x19F70;
	s6 =	sor.u32 s3, s6  }
0xb: {  	v0 =	vimm.s32 $0xEDCBA987;
	s3 =	ssub.s32 $0x2, s3;
	s14 =	smul.u32 $0x186A0, s6;
	s6 =	sshll.u32 s6, $0x4  }
0xc: {  	v1 =	vimm.s32 $0x65432100;
	v0 =	vunpack.c.l.s4.s8 v0;
	_ =	strace $0x80000047;
	s31 =	sshrl.u32 s3, $0x1;
	s0 =	sadd.s32 s6, s0  }
0xd: {  	v1 =	vunpack.c.l.s4.s8 v1;
	s3 =	ssub.s32 s3, s31;
	s9 =	sshrl.u32 s14, $0x3;
	s12 =	sadd.s32 $0x1770, s14  }
0xe: {  	v0 =	vunpack.c.0.s8.s32 v0;
	s13 =	sadd.s32 $0x1F40, s14;
	s14 =	sadd.s32 $0x2710, s14;
	s15 =	sadd.s32 $0x600, s0  }
0xf: {  	v2 =	vimm.s32 $0x0;
	v1 =	vunpack.c.0.s8.s32 v1;
	s16 =	smax.u32 s3, $0x1;
	s6 =	sadd.s32 s1, s9;
	s10 =	sadd.s32 $0xFA, s9  }
0x10: {  	v3 =	vimm.s32 $0xF;
	vm0 =	vcmask $0x704;
	v0 =	vand.u32 $0xF, v0;
	s7 =	sadd.s32 s2, s9;
	s11 =	sadd.s32 $0x1F4, s9;
	s8 =	sadd.s32 s1, s10  }
0x11: {  	vm1 =	vcmask $0xB08;
	v0 =	vcombine.low v1, v0;
	v1 =	vlaneseq.u32;
	s9 =	sadd.s32 s2, s10;
	s10 =	sadd.s32 s1, s11;
	s11 =	sadd.s32 s2, s11  }
.LBB2_1:
0x12: {  	[tilespmem:s17], [sflag:$0x1] =	stream.linear.gather [hbm4b:s6+s5], $0x7D0, $0x38;
	[tilespmem:$0x1CFF0] =	vst v63  }
0x13: {  	_ = 	snop  }
0x14: {  	[tilespmem:s18], [sflag:$0x1] =	stream.linear.gather [hbm4b:s7+s5], $0x7D0, $0x38;
	[tilespmem:$0x1CFF0] =	vst v63  }
0x15: {  	_ = 	snop  }
0x16: {  	[tilespmem:s19], [sflag:$0x2] =	stream.linear.gather [hbm4b:s8+s5], $0x7D0, $0x38;
	[tilespmem:$0x1CFF0] =	vst v63  }
0x17: {  	_ = 	snop  }
0x18: {  	[tilespmem:s20], [sflag:$0x2] =	stream.linear.gather [hbm4b:s9+s5], $0x7D0, $0x38;
	[tilespmem:$0x1CFF0] =	vst v63  }
0x19: {  	_ = 	snop  }
0x1a: {  	[tilespmem:s21], [sflag:$0x3] =	stream.linear.gather [hbm4b:s10+s5], $0x7D0, $0x38;
	[tilespmem:$0x1CFF0] =	vst v63  }
0x1b: {  	s0 =	sshrl.u32 @!p0 s4, $0x3;
	s3 =	simm.s32 @!p0 $0x1C04;
	s28 =	rddreg [dreg:$0x0]  }
0x1c: {  	[tilespmem:s22], [sflag:$0x3] =	stream.linear.gather [hbm4b:s11+s5], $0x7D0, $0x38;
	[tilespmem:$0x1CFF0] =	vst v63  }
0x1d: {  	[spmem:s0], [sflag:s3] =	dma.local @!p0 [hbm:s28], $0x30E0  }
0x1e: {  	s0 =	simm.s32 @!p0 $0x4  }
0x1f: {  	_ =	swait.ge @!p0 [sflag:s0], $0x30E0  }
0x20: {  	[sflag:s0] =	ssyncset.done @!p0 $0x0  }
0x21: {  	[sflag:s0] =	ssyncadd.s32 @!p0 $0xFFFFCF20  }
0x22: {  	[bflag:$0x0] =	sbarrier.arrive $0xFFFF  }
0x23: {  	[tilespmem:s5], [sflag:$0x4] =	stream.linear.gather [spmem:s4], $0x18700, $0x38;
	[tilespmem:$0x1CFF0] =	vst v63  }
0x24: {  	_ =	swait.ge [sflag:s23], $0x18700  }
0x25: {  	[sflag:s23] =	ssyncset.done $0x0  }
0x26: {  	v7 =	vimm.s32 $0xFFFFFFFF;
	v6 =	vimm.s32 $0x3FFFFFFF;
	v4 =	vimm.s32 $0x0;
	s30 =	simm.s32 $0x0;
	[sflag:s23] =	ssyncadd.s32 $0xFFFE7900  }
.LBB2_2:
0x27: {  	_ =	swait.ge [sflag:s24], $0x7D0  }
0x28: {  	[sflag:s24] =	ssyncset.done $0x0  }
0x29: {  	[sflag:s24] =	ssyncadd.s32 $0xFFFFF830  }
0x2a: {  	_ =	swait.ge [sflag:s24], $0x7D0  }
0x2b: {  	[sflag:s24] =	ssyncset.done $0x0  }
0x2c: {  	s0 =	simm.s32 $0x19F90;
	[sflag:s24] =	ssyncadd.s32 $0xFFFFF830  }
0x2d: {  	v5 =	vld [tilespmem:s0+$0xFFFFFFE0]  }
0x2e: {  	v8 =	vld [tilespmem:s0+$0x0];
	_ =	sdelay $0x3  }
0x2f: {  	vm2 =	vlt.s32 v5, $0x186A0;
	v9 =	vadd.s32 $0xFFFE7960, v5  }
0x30: {  	vm3 =	vlt.s32 v8, $0x186A0;
	v5 =	vsel vm2, v5, v9;
	v9 =	vadd.s32 $0xFFFE7960, v8  }
0x31: {  	v10 =	vld [tilespmem:s0+$0xFFFFFFF0];
	v8 =	vsel vm3, v8, v9  }
0x32: {  	v9 =	vld [tilespmem:s0+$0x10];
	_ =	sdelay $0x2  }
0x33: {  	v5 =	vld.idx.msk [tilespmem:v5+s5+$0x0], $0xffff  }
0x34: {  	s28 =	simm.s32 $0x1B790;
	vm6 =	vlt.s32 v10, $0x186A0;
	v11 =	vadd.s32 $0xFFFE7960, v10;
	v8 =	vld.idx.msk [tilespmem:v8+s5+$0x0], $0xffff  }
0x35: {  	v12 =	vld [tilespmem:s28+$0xFFFFFFE0];
	v10 =	vsel vm6, v10, v11;
	vm8 =	vlt.s32 v9, $0x186A0;
	v11 =	vadd.s32 $0xFFFE7960, v9  }
0x36: {  	s3 =	simm.s32 $0x19FD0;
	v13 =	vld [tilespmem:s28+$0x0];
	v9 =	vsel vm8, v9, v11  }
0x37: {  	v14 =	vld [tilespmem:s3+$0xFFFFFFE0]  }
0x38: {  	v18 =	vld [tilespmem:s3+$0xFFFFFFF0];
	vm4 =	vge.f32 v5, $5.000000000e-01  }
0x39: {  	v19 =	vld [tilespmem:s3+$0x0];
	vm4 =	vmneg vm4;
	vm5 =	vge.f32 v8, $5.000000000e-01  }
0x3a: {  	v10 =	vld.idx.msk [tilespmem:v10+s5+$0x0], $0xffff;
	v5 =	vxor.u32 $0x80000000, v12;
	vm4 =	vmxor vm2, vm4;
	vm2 =	vmneg vm5  }
0x3b: {  	v8 =	vld.idx.msk [tilespmem:v9+s5+$0x0], $0xffff;
	v9 =	vxor.u32 $0x80000000, v13;
	v5 =	vnsel vm4, $0x7FFFFFFF, v5;
	vm5 =	vmxor vm3, vm2  }
0x3c: {  	v11 =	vld [tilespmem:s28+$0xFFFFFFF0];
	(xrf0) =	vmax.scan.msk.u32 $0xffff, v5;
	v5 =	vnsel vm5, $0x7FFFFFFF, v9  }
0x3d: {  	(xrf0) =	vmax.scan.msk.u32 $0xffff, v5  }
0x3e: {  	vm13 =	vlt.s32 v14, $0x186A0  }
0x3f: {  	v24 =	vadd.s32 $0xFFFE7960, v14;
	vm10 =	vlt.s32 v18, $0x186A0;
	vm2 =	vge.f32 v10, $5.000000000e-01  }
0x40: {  	vm11 =	vlt.s32 v19, $0x186A0;
	v9 =	vnsel vm4, $0x3FFFFFFF, v12;
	vm2 =	vmneg vm2  }
0x41: {  	v10 =	vxor.u32 $0x80000000, v11;
	vm7 =	vmxor vm6, vm2;
	vm2 =	vlt.s32 v6, v9  }
0x42: {  	v9 =	vsel vm2, v6, v9;
	vm3 =	vge.f32 v8, $5.000000000e-01;
	v8 =	vnsel vm7, $0x7FFFFFFF, v10;
	v6, _, _ =	vpop (xrf0)  }
0x43: {  	v25 =	vadd.s32 $0xFFFE7960, v19;
	v63 =	vadd.s32 $0xFFFE7960, v18;
	v14 =	vsel vm13, v14, v24;
	(xrf0) =	vmax.scan.msk.u32 $0xffff, v8;
	v15, _, _ =	vpop (xrf0)  }
0x44: {  	v19 =	vsel vm11, v19, v25;
	v18 =	vsel vm10, v18, v63;
	v15 =	vxor.u32 $0x80000000, v15  }
0x45: {  	v5 =	vld [tilespmem:s28+$0x10];
	vm2 =	veq.s32 v1, $0x0;
	v6 =	vxor.u32 $0x80000000, v6;
	v20 =	vperm.xlane v15, v0  }
0x46: {  	vm3 =	vmneg vm3;
	v17 =	vperm.xlane v6, v3;
	v6 =	vperm.xlane v6, v0  }
0x47: {  	v21 =	vnsel vm7, $0x3FFFFFFF, v11;
	vm6 =	vmxor vm8, vm3;
	vm3 =	vmmov vm2  }
0x48: {  	v10 =	vnsel vm5, $0x3FFFFFFF, v13;
	v22 =	vsel vm3, $0xFFFFFFFF, v6;
	v6 =	vld [tilespmem:s3+$0x10];
	vm8 =	vgt.s32 v7, v17  }
0x49: {  	v23 =	vperm.xlane v15, v3;
	v15 =	vsel vm8, v7, v17;
	v17 =	vsel vm3, $0xFFFFFFFF, v20;
	v20, _, _ =	vpop (xrf0)  }
0x4a: {  	v8 =	vxor.u32 $0x80000000, v5;
	v16 =	vnsel vm6, $0x3FFFFFFF, v5;
	v20 =	vxor.u32 $0x80000000, v20  }
0x4b: {  	vm9 =	vgt.s32 v22, v7;
	v62 =	vperm.xlane v20, v0;
	v20 =	vperm.xlane v20, v3  }
0x4c: {  	v8 =	vnsel vm6, $0x7FFFFFFF, v8;
	vm6 =	vmmov vm6;
	v7 =	vsel vm9, v22, v7  }
0x4d: {  	v14 =	vld.idx.msk [tilespmem:v14+s5+$0x0], $0xffff;
	(xrf0) =	vmax.scan.msk.u32 $0xffff, v8;
	vm15 =	vgt.s32 v12, v7;
	vm8 =	vlt.s32 v6, $0x186A0;
	vm12 =	vgt.s32 v15, v20  }
0x4e: {  	v18 =	vld.idx.msk [tilespmem:v18+s5+$0x0], $0xffff;
	s28 =	simm.s32 $0x1B7D0;
	v26 =	vadd.s32 $0xFFFE7960, v6;
	v24 =	vsel vm3, $0xFFFFFFFF, v62;
	v20 =	vsel vm12, v15, v20  }
0x4f: {  	v8 =	vld [tilespmem:s28+$0xFFFFFFE0];
	v26 =	vsel vm8, v6, v26;
	vm9 =	vgt.s32 v24, v15;
	vm12 =	vgt.s32 v17, v20  }
0x50: {  	vm4 =	vmand vm4, vm15;
	v6 =	vld [tilespmem:s28+$0x0];
	v12 =	vsel vm9, v24, v15;
	v15 =	vsel vm12, v17, v20  }
0x51: {  	v7 =	vld [tilespmem:s28+$0xFFFFFFF0];
	vm14 =	vgt.s32 v20, v23;
	vm9 =	vgt.s32 v11, v12;
	vm15 =	vgt.s32 v13, v15  }
0x52: {  	v11 =	vld.idx.msk [tilespmem:v19+s5+$0x0], $0xffff;
	v15 =	vsel vm4, $0x1, v2;
	vm12 =	vmand vm7, vm9;
	vm4 =	vge.f32 v14, $5.000000000e-01  }
0x53: {  	vm9 =	vmand vm5, vm15;
	v12, _, _ =	vpop (xrf0);
	vm4 =	vmneg vm4;
	vm5 =	vlt.s32 v9, v21  }
0x54: {  	v13 =	vld.idx.msk [tilespmem:v26+s5+$0x0], $0xffff;
	v19 =	vxor.u32 $0x80000000, v12;
	vm4 =	vmxor vm13, vm4;
	v12 =	vxor.u32 $0x80000000, v8  }
0x55: {  	v17 =	vxor.u32 $0x80000000, v6;
	v9 =	vsel vm5, v9, v21;
	v12 =	vnsel vm4, $0x7FFFFFFF, v12  }
0x56: {  	v14 =	vsel vm14, v20, v23;
	vm14 =	vge.f32 v18, $5.000000000e-01;
	vm5 =	vlt.s32 v9, v10;
	(xrf0) =	vmax.scan.msk.u32 $0xffff, v12  }
0x57: {  	v21 =	vxor.u32 $0x80000000, v7;
	vm7 =	vge.f32 v11, $5.000000000e-01;
	v9 =	vsel vm5, v9, v10  }
0x58: {  	v20 =	vnsel vm4, $0x3FFFFFFF, v8;
	vm5 =	vmneg vm7;
	vm7 =	vlt.s32 v9, v16  }
0x59: {  	v18 =	vperm.xlane v19, v0;
	v12 =	vld [tilespmem:s28+$0x10];
	vm13 =	vge.f32 v13, $5.000000000e-01;
	v9 =	vsel vm7, v9, v16  }
0x5a: {  	vm5 =	vmxor vm11, vm5;
	vm11 =	vmneg vm14;
	v16 =	vperm.xlane v19, v3  }
0x5b: {  	v13 =	vnsel vm5, $0x7FFFFFFF, v17;
	vm14 =	vlt.s32 v9, v20;
	vm7 =	vmxor vm10, vm11  }
0x5c: {  	v10 =	vnsel vm5, $0x3FFFFFFF, v6;
	vm10 =	vmneg vm13;
	v11 =	vsel vm14, v9, v20;
	v9, _, _ =	vpop (xrf0);
	(xrf0) =	vmax.scan.msk.u32 $0xffff, v13  }
0x5d: {  	v17 =	vnsel vm7, $0x7FFFFFFF, v21;
	vm8 =	vmxor vm8, vm10;
	vm10 =	vgt.s32 v14, v16  }
0x5e: {  	v20 =	vxor.u32 $0x80000000, v12;
	v16 =	vsel vm10, v14, v16;
	v13 =	vxor.u32 $0x80000000, v9  }
0x5f: {  	v9 =	vnsel vm8, $0x3FFFFFFF, v12;
	(xrf0) =	vmax.scan.msk.u32 $0xffff, v17;
	v17 =	vnsel vm8, $0x7FFFFFFF, v20;
	v20 =	vsel vm12, $0x1, v2  }
0x60: {  	s31 =	simm.s32 $0x4;
	s0 =	simm.s32 $0x1A010;
	s3 =	simm.s32 $0x1B810;
	v19 =	vperm.xlane v13, v3;
	v21 =	vperm.xlane v13, v0;
	v13 =	vnsel vm7, $0x3FFFFFFF, v7;
	(xrf0) =	vmax.scan.msk.u32 $0xffff, v17  }
.LBB2_3:
0x61: {  	v4 =	vadd.s32 v15, v4  }
0x62: {  	v17 =	vld [tilespmem:s0+$0xFFFFFFE0];
	s31 =	sadd.s32 $0x4, s31;
	v22, _, _ =	vpop (xrf0);
	v15 =	vsel vm9, $0x1, v2;
	v18 =	vsel vm3, $0xFFFFFFFF, v18;
	vm3 =	vmmov vm2  }
0x63: {  	v23 =	vld [tilespmem:s0+$0x0];
	p1 =	slt.u32 s31, $0x78;
	v21 =	vsel vm3, $0xFFFFFFFF, v21;
	v22 =	vxor.u32 $0x80000000, v22;
	vm9 =	vgt.s32 v18, v14  }
0x64: {  	v24 =	vld [tilespmem:s0+$0xFFFFFFF0];
	v25 =	vperm.xlane v22, v0;
	v22 =	vperm.xlane v22, v3;
	v14 =	vsel vm9, v18, v14  }
0x65: {  	v4 =	vadd.s32 v20, v4;
	vm9 =	vgt.s32 v16, v19;
	v18 =	vld [tilespmem:s0+$0x10];
	v26, _, _ =	vpop (xrf0);
	vm10 =	vgt.s32 v5, v14  }
0x66: {  	v14 =	vsel vm9, v16, v19;
	v5 =	vmovc v12;
	v19 =	vsel vm3, $0xFFFFFFFF, v25;
	vm6 =	vmand vm6, vm10  }
0x67: {  	vm9 =	vgt.s32 v21, v16;
	vm13 =	vlt.s32 v17, $0x186A0;
	v12 =	vadd.s32 $0xFFFE7960, v17;
	v20, _, _ =	vpop (xrf0)  }
0x68: {  	v4 =	vadd.s32 v15, v4;
	v12 =	vsel vm13, v17, v12;
	v17 =	vxor.u32 $0x80000000, v26  }
0x69: {  	vm12 =	vlt.s32 v23, $0x186A0;
	vm11 =	vlt.s32 v24, $0x186A0;
	v15 =	vperm.xlane v17, v0  }
0x6a: {  	v25 =	vadd.s32 $0xFFFE7960, v23;
	v17 =	vperm.xlane v17, v3;
	vm10 =	vlt.s32 v18, $0x186A0  }
0x6b: {  	v26 =	vsel vm6, $0x1, v2;
	v23 =	vsel vm12, v23, v25;
	v25 =	vadd.s32 $0xFFFE7960, v18  }
0x6c: {  	v27 =	vadd.s32 $0xFFFE7960, v24;
	v4 =	vadd.s32 v26, v4;
	v18 =	vsel vm10, v18, v25;
	v28 =	vld [tilespmem:s3+$0x0]  }
0x6d: {  	v24 =	vsel vm11, v24, v27;
	v15 =	vsel vm3, $0xFFFFFFFF, v15;
	vm6 =	vgt.s32 v14, v17;
	v12 =	vld.idx.msk [tilespmem:v12+s5+$0x0], $0xffff  }
0x6e: {  	v16 =	vsel vm9, v21, v16;
	v17 =	vsel vm6, v14, v17;
	vm6 =	vmmov vm8;
	v25 =	vld [tilespmem:s3+$0xFFFFFFF0]  }
0x6f: {  	vm8 =	vgt.s32 v15, v14;
	vm9 =	vgt.s32 v19, v17;
	vm15 =	vgt.s32 v17, v22;
	v21 =	vld [tilespmem:s3+$0xFFFFFFE0]  }
0x70: {  	vm14 =	vgt.s32 v8, v16;
	v8 =	vsel vm8, v15, v14;
	v14 =	vsel vm9, v19, v17;
	v23 =	vld.idx.msk [tilespmem:v23+s5+$0x0], $0xffff  }
0x71: {  	vm4 =	vmand vm4, vm14;
	vm8 =	vgt.s32 v7, v8;
	vm9 =	vgt.s32 v6, v14;
	v16 =	vld.idx.msk [tilespmem:v18+s5+$0x0], $0xffff;
	v6 =	vmovc v28  }
0x72: {  	v15 =	vsel vm4, $0x1, v2;
	vm14 =	vmand vm7, vm8;
	vm9 =	vmand vm5, vm9;
	v18 =	vld.idx.msk [tilespmem:v24+s5+$0x0], $0xffff  }
0x73: {  	v14 =	vsel vm15, v17, v22;
	vm4 =	vge.f32 v12, $5.000000000e-01;
	v19 =	vxor.u32 $0x80000000, v6;
	v7 =	vmovc v25  }
0x74: {  	v17 =	vxor.u32 $0x80000000, v20;
	vm5 =	vlt.s32 v11, v13;
	vm4 =	vmneg vm4;
	v8 =	vmovc v21  }
0x75: {  	v11 =	vsel vm5, v11, v13;
	vm4 =	vmxor vm13, vm4;
	v12 =	vxor.u32 $0x80000000, v8  }
0x76: {  	vm5 =	vlt.s32 v11, v10;
	v13 =	vnsel vm4, $0x3FFFFFFF, v8;
	v12 =	vnsel vm4, $0x7FFFFFFF, v12  }
0x77: {  	v10 =	vsel vm5, v11, v10;
	v20 =	vxor.u32 $0x80000000, v7;
	vm7 =	vge.f32 v23, $5.000000000e-01;
	(xrf0) =	vmax.scan.msk.u32 $0xffff, v12  }
0x78: {  	vm5 =	vmneg vm7;
	vm8 =	vge.f32 v16, $5.000000000e-01;
	vm7 =	vlt.s32 v10, v9;
	v12 =	vld [tilespmem:s3+$0x10]  }
0x79: {  	vm13 =	vge.f32 v18, $5.000000000e-01;
	vm5 =	vmxor vm12, vm5;
	v18 =	vperm.xlane v17, v0  }
0x7a: {  	v9 =	vsel vm7, v10, v9;
	vm12 =	vmneg vm13;
	v11 =	vnsel vm5, $0x7FFFFFFF, v19  }
0x7b: {  	vm13 =	vlt.s32 v9, v13;
	v10 =	vnsel vm5, $0x3FFFFFFF, v6;
	vm7 =	vmxor vm11, vm12;
	(xrf0) =	vmax.scan.msk.u32 $0xffff, v11  }
.Ltmp0:
0x7c: {  	vm8 =	vmneg vm8;
	v11 =	vsel vm13, v9, v13;
	v13 =	vperm.xlane v17, v3;
	(pc) =	sbr.rel @p1 .LBB2_3-.Ltmp0, $4  }
0x7d: {  	vm8 =	vmxor vm10, vm8;
	v16 =	vnsel vm7, $0x7FFFFFFF, v20;
	v17 =	vxor.u32 $0x80000000, v12;
	v9, _, _ =	vpop (xrf0)  }
0x7e: {  	vm10 =	vgt.s32 v14, v13;
	v20 =	vxor.u32 $0x80000000, v9;
	v9 =	vnsel vm8, $0x3FFFFFFF, v12;
	(xrf0) =	vmax.scan.msk.u32 $0xffff, v16  }
0x7f: {  	v17 =	vnsel vm8, $0x7FFFFFFF, v17;
	v16 =	vsel vm10, v14, v13;
	v19 =	vperm.xlane v20, v3  }
0x80: {  	s0 =	sadd.s32 $0x40, s0;
	s3 =	sadd.s32 $0x40, s3;
	v13 =	vnsel vm7, $0x3FFFFFFF, v7;
	v21 =	vperm.xlane v20, v0;
	v20 =	vsel vm14, $0x1, v2;
	(xrf0) =	vmax.scan.msk.u32 $0xffff, v17  }
0x81: {  	v17 =	vld [tilespmem:$0x1A730];
	_ =	sdelay $0x4  }
0x82: {  	vm10 =	vlt.s32 v17, $0x186A0;
	v22 =	vadd.s32 $0xFFFE7960, v17  }
0x83: {  	v17 =	vsel vm10, v17, v22;
	_ =	sdelay $0x4  }
0x84: {  	v22 =	vld.idx.msk [tilespmem:v17+s5+$0x0], $0xffff;
	_ =	sdelay $0x1  }
0x85: {  	v17 =	vld [tilespmem:$0x1BF30];
	_ =	sdelay $0x2  }
0x86: {  	vm11 =	vge.f32 v22, $5.000000000e-01  }
0x87: {  	vm11 =	vmneg vm11  }
0x88: {  	v22 =	vxor.u32 $0x80000000, v17;
	vm10 =	vmxor vm10, vm11  }
0x89: {  	s31 =	smul.u32 $0x1770, s30;
	v4 =	vadd.s32 v15, v4;
	v22 =	vnsel vm10, $0x7FFFFFFF, v22  }
0x8a: {  	v15 =	vsel vm9, $0x1, v2;
	vm9 =	vmmov vm2;
	v18 =	vsel vm3, $0xFFFFFFFF, v18;
	(xrf0) =	vmax.scan.msk.u32 $0xffff, v22  }
0x8b: {  	v21 =	vsel vm9, $0xFFFFFFFF, v21;
	vm3 =	vgt.s32 v18, v14;
	s0 =	sadd.s32 s31, s12  }
0x8c: {  	v4 =	vadd.s32 v20, v4;
	v14 =	vsel vm3, v18, v14;
	vm3 =	vgt.s32 v16, v19;
	s0 =	sshrl.u32 s0, $0x3;
	v22, _, _ =	vpop (xrf0)  }
0x8d: {  	v4 =	vadd.s32 v15, v4;
	s3 =	sadd.s32 s1, s0;
	vm11 =	vgt.s32 v5, v14;
	v22 =	vxor.u32 $0x80000000, v22  }
0x8e: {  	[tilespmem:s17], [sflag:$0x1] =	stream.linear.gather [hbm4b:s3+s5], $0x7D0, $0x38;
	v5 =	vsel vm3, v16, v19;
	vm3 =	vmand vm6, vm11;
	v24, _, _ =	vpop (xrf0);
	v23 =	vperm.xlane v22, v0;
	[tilespmem:$0x1CFF0] =	vst v63  }
0x8f: {  	s0 =	sadd.s32 s2, s0;
	v15 =	vsel vm3, $0x1, v2;
	vm3 =	vgt.s32 v21, v16;
	v18, _, _ =	vpop (xrf0);
	v14 =	vxor.u32 $0x80000000, v24  }
0x90: {  	[tilespmem:s18], [sflag:$0x1] =	stream.linear.gather [hbm4b:s0+s5], $0x7D0, $0x38;
	v4 =	vadd.s32 v15, v4;
	v19, _, _ =	vpop (xrf0);
	v20 =	vsel vm9, $0xFFFFFFFF, v23;
	v23 =	vperm.xlane v14, v3;
	[tilespmem:$0x1CFF0] =	vst v63  }
0x91: {  	v15 =	vsel vm3, v21, v16;
	vm3 =	vmmov vm8;
	v14 =	vperm.xlane v14, v0;
	_ =	swait.ge [sflag:s25], $0x7D0  }
0x92: {  	vm12 =	vgt.s32 v8, v15;
	v22 =	vperm.xlane v22, v3;
	[sflag:s25] =	ssyncset.done $0x0;
	vm6 =	vgt.s32 v5, v23  }
0x93: {  	vm4 =	vmand vm4, vm12;
	v14 =	vsel vm9, $0xFFFFFFFF, v14;
	[sflag:s25] =	ssyncadd.s32 $0xFFFFF830;
	v16 =	vsel vm6, v5, v23  }
0x94: {  	vm6 =	vgt.s32 v14, v5;
	_ =	swait.ge [sflag:s25], $0x7D0;
	vm8 =	vgt.s32 v20, v16;
	vm11 =	vgt.s32 v16, v22  }
0x95: {  	v5 =	vsel vm6, v14, v5;
	vm6 =	vlt.s32 v11, v13;
	[sflag:s25] =	ssyncset.done $0x0;
	v8 =	vsel vm8, v20, v16  }
0x96: {  	s3 =	simm.s32 $0x1A790;
	vm8 =	vgt.s32 v7, v5;
	v5 =	vsel vm6, v11, v13;
	v7 =	vsel vm4, $0x1, v2;
	[sflag:s25] =	ssyncadd.s32 $0xFFFFF830  }
0x97: {  	vm12 =	vgt.s32 v6, v8;
	vm6 =	vmand vm7, vm8;
	vm4 =	vlt.s32 v5, v10;
	v14 =	vld [tilespmem:s3+$0xFFFFFFE0]  }
0x98: {  	v8 =	vxor.u32 $0x80000000, v18;
	v4 =	vadd.s32 v7, v4;
	v7 =	vxor.u32 $0x80000000, v19;
	v6 =	vld [tilespmem:s3+$0x0]  }
0x99: {  	v5 =	vsel vm4, v5, v10;
	v11 =	vperm.xlane v8, v0;
	v8 =	vperm.xlane v8, v3  }
0x9a: {  	vm7 =	vmand vm5, vm12;
	v10 =	vsel vm11, v16, v22;
	vm8 =	vlt.s32 v5, v9  }
0x9b: {  	v15 =	vld [tilespmem:s3+$0xFFFFFFF0];
	v5 =	vsel vm8, v5, v9;
	vm8 =	vgt.s32 v10, v8;
	v11 =	vsel vm9, $0xFFFFFFFF, v11  }
0x9c: {  	v9 =	vsel vm8, v10, v8;
	vm4 =	vlt.s32 v14, $0x186A0;
	v13 =	vadd.s32 $0xFFFE7960, v14  }
0x9d: {  	vm5 =	vlt.s32 v6, $0x186A0;
	v13 =	vsel vm4, v14, v13;
	v14 =	vadd.s32 $0xFFFE7960, v6  }
0x9e: {  	v8 =	vsel vm6, $0x1, v2;
	vm6 =	vgt.s32 v11, v10;
	v6 =	vsel vm5, v6, v14;
	v14 =	vld [tilespmem:s3+$0x10]  }
0x9f: {  	v10 =	vsel vm6, v11, v10;
	v11 =	vperm.xlane v7, v0  }
0xa0: {  	v4 =	vadd.s32 v8, v4;
	vm6 =	vlt.s32 v15, $0x186A0;
	v8 =	vadd.s32 $0xFFFE7960, v15;
	s3 =	simm.s32 $0x1BF90  }
0xa1: {  	v8 =	vsel vm6, v15, v8;
	v15 =	vld [tilespmem:s3+$0x0]  }
0xa2: {  	v16 =	vsel vm7, $0x1, v2;
	vm7 =	vgt.s32 v12, v10;
	v10 =	vsel vm2, $0xFFFFFFFF, v11;
	v13 =	vld.idx.msk [tilespmem:v13+s5+$0x0], $0xffff  }
0xa3: {  	vm8 =	vgt.s32 v10, v9;
	v6 =	vld.idx.msk [tilespmem:v6+s5+$0x0], $0xffff;
	vm2 =	vlt.s32 v14, $0x186A0;
	v11 =	vadd.s32 $0xFFFE7960, v14  }
0xa4: {  	vm3 =	vmand vm3, vm7;
	v12 =	vld [tilespmem:s3+$0xFFFFFFE0];
	v10 =	vsel vm8, v10, v9;
	v11 =	vsel vm2, v14, v11  }
0xa5: {  	v7 =	vperm.xlane v7, v3;
	v14 =	vsel vm3, $0x1, v2;
	vm3 =	vgt.s32 v17, v10  }
0xa6: {  	v4 =	vadd.s32 v16, v4;
	v16 =	vnsel vm10, $0x3FFFFFFF, v17;
	vm3 =	vmand vm10, vm3  }
0xa7: {  	v4 =	vadd.s32 v14, v4;
	v10 =	vsel vm3, $0x1, v2;
	vm7 =	vge.f32 v13, $5.000000000e-01;
	v13 =	vld.idx.msk [tilespmem:v8+s5+$0x0], $0xffff  }
0xa8: {  	v14 =	vld [tilespmem:s3+$0xFFFFFFF0];
	v8 =	vxor.u32 $0x80000000, v15;
	vm3 =	vmneg vm7;
	vm7 =	vge.f32 v6, $5.000000000e-01  }
0xa9: {  	v6 =	vxor.u32 $0x80000000, v12;
	vm4 =	vmxor vm4, vm3;
	vm3 =	vmneg vm7;
	v11 =	vld.idx.msk [tilespmem:v11+s5+$0x0], $0xffff  }
0xaa: {  	v6 =	vnsel vm4, $0x7FFFFFFF, v6;
	vm5 =	vmxor vm5, vm3;
	vm3 =	vlt.s32 v5, v16  }
0xab: {  	(xrf0) =	vmax.scan.msk.u32 $0xffff, v6;
	v6 =	vnsel vm5, $0x7FFFFFFF, v8;
	v8 =	vadd.s32 v10, v4;
	v5 =	vsel vm3, v5, v16  }
0xac: {  	vm3 =	vgt.s32 v9, v7;
	v4 =	vld [tilespmem:s3+$0x10];
	v10 =	vnsel vm5, $0x3FFFFFFF, v15;
	s3 =	simm.s32 $0x1A7D0;
	vm7 =	vge.f32 v13, $5.000000000e-01  }
0xad: {  	(xrf0) =	vmax.scan.msk.u32 $0xffff, v6;
	v6 =	vsel vm3, v9, v7;
	v7 =	vnsel vm4, $0x3FFFFFFF, v12;
	v13 =	vld [tilespmem:s3+$0xFFFFFFE0];
	vm3 =	vmneg vm7  }
0xae: {  	v9 =	vxor.u32 $0x80000000, v14;
	v18 =	vld [tilespmem:s3+$0xFFFFFFF0];
	vm8 =	vge.f32 v11, $5.000000000e-01;
	vm7 =	vmxor vm6, vm3  }
0xaf: {  	v19 =	vld [tilespmem:s3+$0x0];
	vm3 =	vlt.s32 v5, v7;
	vm6 =	vmneg vm8;
	v9 =	vnsel vm7, $0x7FFFFFFF, v9  }
0xb0: {  	v11 =	vsel vm3, v5, v7;
	v21 =	vnsel vm7, $0x3FFFFFFF, v14;
	vm6 =	vmxor vm2, vm6  }
0xb1: {  	v7 =	vxor.u32 $0x80000000, v4;
	vm2 =	veq.s32 v1, $0x0;
	v5, _, _ =	vpop (xrf0);
	(xrf0) =	vmax.scan.msk.u32 $0xffff, v9;
	v9 =	vnsel vm6, $0x3FFFFFFF, v4  }
0xb2: {  	v7 =	vnsel vm6, $0x7FFFFFFF, v7;
	vm3 =	vmmov vm2;
	vm13 =	vlt.s32 v13, $0x186A0  }
0xb3: {  	v61 =	vadd.s32 $0xFFFE7960, v13;
	vm10 =	vlt.s32 v18, $0x186A0;
	v5 =	vxor.u32 $0x80000000, v5  }
0xb4: {  	vm11 =	vlt.s32 v19, $0x186A0;
	v17 =	vperm.xlane v5, v3;
	v5 =	vperm.xlane v5, v0  }
0xb5: {  	v25 =	vadd.s32 $0xFFFE7960, v19;
	v63 =	vadd.s32 $0xFFFE7960, v18;
	vm6 =	vmmov vm6;
	v16, _, _ =	vpop (xrf0)  }
0xb6: {  	v13 =	vsel vm13, v13, v61;
	v16 =	vxor.u32 $0x80000000, v16;
	v22 =	vsel vm3, $0xFFFFFFFF, v5;
	v5 =	vld [tilespmem:s3+$0x10]  }
0xb7: {  	v19 =	vsel vm11, v19, v25;
	v18 =	vsel vm10, v18, v63;
	v20 =	vperm.xlane v16, v0  }
0xb8: {  	v16 =	vperm.xlane v16, v3;
	vm8 =	vgt.s32 v6, v17;
	vm9 =	vgt.s32 v22, v6;
	v23, _, _ =	vpop (xrf0)  }
0xb9: {  	v17 =	vsel vm8, v6, v17;
	v6 =	vsel vm9, v22, v6;
	v23 =	vxor.u32 $0x80000000, v23  }
0xba: {  	vm15 =	vgt.s32 v12, v6;
	v62 =	vperm.xlane v23, v0;
	v23 =	vperm.xlane v23, v3  }
0xbb: {  	s3 =	simm.s32 $0x1BFD0;
	v20 =	vsel vm3, $0xFFFFFFFF, v20;
	v13 =	vld.idx.msk [tilespmem:v13+s5+$0x0], $0xffff;
	vm4 =	vmand vm4, vm15;
	vm8 =	vlt.s32 v5, $0x186A0  }
0xbc: {  	(xrf0) =	vmax.scan.msk.u32 $0xffff, v7;
	v7 =	vld [tilespmem:s3+$0xFFFFFFE0];
	v26 =	vadd.s32 $0xFFFE7960, v5;
	v24 =	vsel vm3, $0xFFFFFFFF, v62;
	vm12 =	vgt.s32 v17, v23  }
0xbd: {  	v26 =	vsel vm8, v5, v26;
	v22 =	vsel vm12, v17, v23;
	vm9 =	vgt.s32 v24, v17  }
0xbe: {  	v5 =	vld [tilespmem:s3+$0x0];
	vm12 =	vgt.s32 v20, v22;
	vm14 =	vgt.s32 v22, v16;
	v12 =	vsel vm9, v24, v17  }
0xbf: {  	v6 =	vld [tilespmem:s3+$0xFFFFFFF0];
	v17 =	vsel vm12, v20, v22;
	vm9 =	vgt.s32 v14, v12;
	v14 =	vsel vm14, v22, v16  }
0xc0: {  	v12 =	vld.idx.msk [tilespmem:v19+s5+$0x0], $0xffff;
	vm15 =	vgt.s32 v15, v17;
	v15 =	vsel vm4, $0x1, v2;
	vm4 =	vge.f32 v13, $5.000000000e-01  }
0xc1: {  	v16 =	vld.idx.msk [tilespmem:v18+s5+$0x0], $0xffff;
	v18 =	vxor.u32 $0x80000000, v7;
	vm12 =	vmand vm7, vm9;
	vm4 =	vmneg vm4  }
0xc2: {  	vm9 =	vmand vm5, vm15;
	vm5 =	vlt.s32 v11, v21;
	vm4 =	vmxor vm13, vm4  }
0xc3: {  	v19 =	vld.idx.msk [tilespmem:v26+s5+$0x0], $0xffff;
	v13 =	vxor.u32 $0x80000000, v5;
	v17, _, _ =	vpop (xrf0);
	v11 =	vsel vm5, v11, v21;
	v18 =	vnsel vm4, $0x7FFFFFFF, v18  }
0xc4: {  	v21 =	vxor.u32 $0x80000000, v6;
	v17 =	vxor.u32 $0x80000000, v17;
	vm5 =	vlt.s32 v11, v10;
	(xrf0) =	vmax.scan.msk.u32 $0xffff, v18  }
0xc5: {  	v20 =	vnsel vm4, $0x3FFFFFFF, v7;
	vm7 =	vge.f32 v12, $5.000000000e-01;
	v10 =	vsel vm5, v11, v10  }
0xc6: {  	vm14 =	vge.f32 v16, $5.000000000e-01;
	vm5 =	vmneg vm7;
	vm7 =	vlt.s32 v10, v9  }
0xc7: {  	v12 =	vld [tilespmem:s3+$0x10];
	v18 =	vperm.xlane v17, v0;
	v16 =	vperm.xlane v17, v3;
	v9 =	vsel vm7, v10, v9  }
0xc8: {  	vm13 =	vge.f32 v19, $5.000000000e-01;
	vm5 =	vmxor vm11, vm5;
	vm11 =	vmneg vm14  }
0xc9: {  	v13 =	vnsel vm5, $0x7FFFFFFF, v13;
	vm14 =	vlt.s32 v9, v20;
	vm7 =	vmxor vm10, vm11  }
0xca: {  	v10 =	vnsel vm5, $0x3FFFFFFF, v5;
	vm10 =	vmneg vm13;
	v11 =	vsel vm14, v9, v20;
	v9, _, _ =	vpop (xrf0);
	(xrf0) =	vmax.scan.msk.u32 $0xffff, v13  }
0xcb: {  	v17 =	vnsel vm7, $0x7FFFFFFF, v21;
	vm8 =	vmxor vm8, vm10;
	vm10 =	vgt.s32 v14, v16  }
0xcc: {  	v20 =	vxor.u32 $0x80000000, v12;
	v16 =	vsel vm10, v14, v16;
	v13 =	vxor.u32 $0x80000000, v9  }
0xcd: {  	v9 =	vnsel vm8, $0x3FFFFFFF, v12;
	(xrf0) =	vmax.scan.msk.u32 $0xffff, v17;
	v17 =	vnsel vm8, $0x7FFFFFFF, v20;
	v20 =	vsel vm12, $0x1, v2  }
0xce: {  	s28 =	simm.s32 $0x1A810;
	s0 =	simm.s32 $0x1C010;
	s3 =	simm.s32 $0x4;
	v19 =	vperm.xlane v13, v3;
	v21 =	vperm.xlane v13, v0;
	v13 =	vnsel vm7, $0x3FFFFFFF, v6;
	(xrf0) =	vmax.scan.msk.u32 $0xffff, v17  }
.LBB2_5:
0xcf: {  	v8 =	vadd.s32 v15, v8  }
0xd0: {  	v17 =	vld [tilespmem:s28+$0xFFFFFFE0];
	s3 =	sadd.s32 $0x4, s3;
	v22, _, _ =	vpop (xrf0);
	v15 =	vsel vm9, $0x1, v2;
	v18 =	vsel vm3, $0xFFFFFFFF, v18;
	vm3 =	vmmov vm2  }
0xd1: {  	v23 =	vld [tilespmem:s28+$0x0];
	p1 =	slt.u32 s3, $0x78;
	v21 =	vsel vm3, $0xFFFFFFFF, v21;
	v22 =	vxor.u32 $0x80000000, v22;
	vm9 =	vgt.s32 v18, v14  }
0xd2: {  	v24 =	vld [tilespmem:s28+$0xFFFFFFF0];
	v25 =	vperm.xlane v22, v0;
	v22 =	vperm.xlane v22, v3;
	v14 =	vsel vm9, v18, v14  }
0xd3: {  	v8 =	vadd.s32 v20, v8;
	vm9 =	vgt.s32 v16, v19;
	v18 =	vld [tilespmem:s28+$0x10];
	v26, _, _ =	vpop (xrf0);
	vm10 =	vgt.s32 v4, v14  }
0xd4: {  	v14 =	vsel vm9, v16, v19;
	v4 =	vmovc v12;
	v19 =	vsel vm3, $0xFFFFFFFF, v25;
	vm6 =	vmand vm6, vm10  }
0xd5: {  	vm9 =	vgt.s32 v21, v16;
	vm13 =	vlt.s32 v17, $0x186A0;
	v12 =	vadd.s32 $0xFFFE7960, v17;
	v20, _, _ =	vpop (xrf0)  }
0xd6: {  	v8 =	vadd.s32 v15, v8;
	v12 =	vsel vm13, v17, v12;
	v17 =	vxor.u32 $0x80000000, v26  }
0xd7: {  	vm12 =	vlt.s32 v23, $0x186A0;
	vm11 =	vlt.s32 v24, $0x186A0;
	v15 =	vperm.xlane v17, v0  }
0xd8: {  	v25 =	vadd.s32 $0xFFFE7960, v23;
	v17 =	vperm.xlane v17, v3;
	vm10 =	vlt.s32 v18, $0x186A0  }
0xd9: {  	v26 =	vsel vm6, $0x1, v2;
	v23 =	vsel vm12, v23, v25;
	v25 =	vadd.s32 $0xFFFE7960, v18  }
0xda: {  	v27 =	vadd.s32 $0xFFFE7960, v24;
	v8 =	vadd.s32 v26, v8;
	v18 =	vsel vm10, v18, v25;
	v28 =	vld [tilespmem:s0+$0x0]  }
0xdb: {  	v24 =	vsel vm11, v24, v27;
	v15 =	vsel vm3, $0xFFFFFFFF, v15;
	vm6 =	vgt.s32 v14, v17;
	v12 =	vld.idx.msk [tilespmem:v12+s5+$0x0], $0xffff  }
0xdc: {  	v16 =	vsel vm9, v21, v16;
	v17 =	vsel vm6, v14, v17;
	vm6 =	vmmov vm8;
	v25 =	vld [tilespmem:s0+$0xFFFFFFF0]  }
0xdd: {  	vm8 =	vgt.s32 v15, v14;
	vm9 =	vgt.s32 v19, v17;
	vm15 =	vgt.s32 v17, v22;
	v21 =	vld [tilespmem:s0+$0xFFFFFFE0]  }
0xde: {  	vm14 =	vgt.s32 v7, v16;
	v7 =	vsel vm8, v15, v14;
	v14 =	vsel vm9, v19, v17;
	v23 =	vld.idx.msk [tilespmem:v23+s5+$0x0], $0xffff  }
0xdf: {  	vm4 =	vmand vm4, vm14;
	vm8 =	vgt.s32 v6, v7;
	vm9 =	vgt.s32 v5, v14;
	v16 =	vld.idx.msk [tilespmem:v18+s5+$0x0], $0xffff;
	v5 =	vmovc v28  }
0xe0: {  	v15 =	vsel vm4, $0x1, v2;
	vm14 =	vmand vm7, vm8;
	vm9 =	vmand vm5, vm9;
	v18 =	vld.idx.msk [tilespmem:v24+s5+$0x0], $0xffff  }
0xe1: {  	v14 =	vsel vm15, v17, v22;
	vm4 =	vge.f32 v12, $5.000000000e-01;
	v19 =	vxor.u32 $0x80000000, v5;
	v6 =	vmovc v25  }
0xe2: {  	v17 =	vxor.u32 $0x80000000, v20;
	vm5 =	vlt.s32 v11, v13;
	vm4 =	vmneg vm4;
	v7 =	vmovc v21  }
0xe3: {  	v11 =	vsel vm5, v11, v13;
	vm4 =	vmxor vm13, vm4;
	v12 =	vxor.u32 $0x80000000, v7  }
0xe4: {  	vm5 =	vlt.s32 v11, v10;
	v13 =	vnsel vm4, $0x3FFFFFFF, v7;
	v12 =	vnsel vm4, $0x7FFFFFFF, v12  }
0xe5: {  	v10 =	vsel vm5, v11, v10;
	v20 =	vxor.u32 $0x80000000, v6;
	vm7 =	vge.f32 v23, $5.000000000e-01;
	(xrf0) =	vmax.scan.msk.u32 $0xffff, v12  }
0xe6: {  	vm5 =	vmneg vm7;
	vm8 =	vge.f32 v16, $5.000000000e-01;
	vm7 =	vlt.s32 v10, v9;
	v12 =	vld [tilespmem:s0+$0x10]  }
0xe7: {  	vm13 =	vge.f32 v18, $5.000000000e-01;
	vm5 =	vmxor vm12, vm5;
	v18 =	vperm.xlane v17, v0  }
0xe8: {  	v9 =	vsel vm7, v10, v9;
	vm12 =	vmneg vm13;
	v11 =	vnsel vm5, $0x7FFFFFFF, v19  }
0xe9: {  	vm13 =	vlt.s32 v9, v13;
	v10 =	vnsel vm5, $0x3FFFFFFF, v5;
	vm7 =	vmxor vm11, vm12;
	(xrf0) =	vmax.scan.msk.u32 $0xffff, v11  }
.Ltmp1:
0xea: {  	vm8 =	vmneg vm8;
	v11 =	vsel vm13, v9, v13;
	v13 =	vperm.xlane v17, v3;
	(pc) =	sbr.rel @p1 .LBB2_5-.Ltmp1, $4  }
0xeb: {  	vm8 =	vmxor vm10, vm8;
	v16 =	vnsel vm7, $0x7FFFFFFF, v20;
	v17 =	vxor.u32 $0x80000000, v12;
	v9, _, _ =	vpop (xrf0)  }
0xec: {  	vm10 =	vgt.s32 v14, v13;
	v20 =	vxor.u32 $0x80000000, v9;
	v9 =	vnsel vm8, $0x3FFFFFFF, v12;
	(xrf0) =	vmax.scan.msk.u32 $0xffff, v16  }
0xed: {  	v17 =	vnsel vm8, $0x7FFFFFFF, v17;
	v16 =	vsel vm10, v14, v13;
	v19 =	vperm.xlane v20, v3  }
0xee: {  	s28 =	sadd.s32 $0x40, s28;
	s0 =	sadd.s32 $0x40, s0;
	v13 =	vnsel vm7, $0x3FFFFFFF, v6;
	v21 =	vperm.xlane v20, v0;
	v20 =	vsel vm14, $0x1, v2;
	(xrf0) =	vmax.scan.msk.u32 $0xffff, v17  }
0xef: {  	v17 =	vld [tilespmem:$0x1AF30];
	_ =	sdelay $0x4  }
0xf0: {  	vm10 =	vlt.s32 v17, $0x186A0;
	v22 =	vadd.s32 $0xFFFE7960, v17  }
0xf1: {  	v17 =	vsel vm10, v17, v22;
	_ =	sdelay $0x4  }
0xf2: {  	v22 =	vld.idx.msk [tilespmem:v17+s5+$0x0], $0xffff;
	_ =	sdelay $0x1  }
0xf3: {  	v17 =	vld [tilespmem:$0x1C730];
	_ =	sdelay $0x2  }
0xf4: {  	vm11 =	vge.f32 v22, $5.000000000e-01  }
0xf5: {  	vm11 =	vmneg vm11  }
0xf6: {  	v22 =	vxor.u32 $0x80000000, v17;
	vm10 =	vmxor vm10, vm11  }
0xf7: {  	v8 =	vadd.s32 v15, v8;
	v22 =	vnsel vm10, $0x7FFFFFFF, v22  }
0xf8: {  	v15 =	vsel vm9, $0x1, v2;
	vm9 =	vmmov vm2;
	v18 =	vsel vm3, $0xFFFFFFFF, v18;
	(xrf0) =	vmax.scan.msk.u32 $0xffff, v22  }
0xf9: {  	s0 =	sadd.s32 s31, s13;
	v21 =	vsel vm9, $0xFFFFFFFF, v21;
	vm3 =	vgt.s32 v18, v14  }
0xfa: {  	s0 =	sshrl.u32 s0, $0x3;
	v8 =	vadd.s32 v20, v8;
	v14 =	vsel vm3, v18, v14;
	vm3 =	vgt.s32 v16, v19;
	v22, _, _ =	vpop (xrf0)  }
0xfb: {  	s3 =	sadd.s32 s1, s0;
	v8 =	vadd.s32 v15, v8;
	vm11 =	vgt.s32 v4, v14;
	v22 =	vxor.u32 $0x80000000, v22  }
0xfc: {  	[tilespmem:s19], [sflag:$0x2] =	stream.linear.gather [hbm4b:s3+s5], $0x7D0, $0x38;
	v4 =	vsel vm3, v16, v19;
	vm3 =	vmand vm6, vm11;
	v24, _, _ =	vpop (xrf0);
	v23 =	vperm.xlane v22, v0;
	[tilespmem:$0x1CFF0] =	vst v63  }
0xfd: {  	s0 =	sadd.s32 s2, s0;
	v15 =	vsel vm3, $0x1, v2;
	vm3 =	vgt.s32 v21, v16;
	v18, _, _ =	vpop (xrf0);
	v14 =	vxor.u32 $0x80000000, v24  }
0xfe: {  	[tilespmem:s20], [sflag:$0x2] =	stream.linear.gather [hbm4b:s0+s5], $0x7D0, $0x38;
	v8 =	vadd.s32 v15, v8;
	v19, _, _ =	vpop (xrf0);
	v20 =	vsel vm9, $0xFFFFFFFF, v23;
	v23 =	vperm.xlane v14, v3;
	[tilespmem:$0x1CFF0] =	vst v63  }
0xff: {  	v15 =	vsel vm3, v21, v16;
	vm3 =	vmmov vm8;
	v14 =	vperm.xlane v14, v0;
	_ =	swait.ge [sflag:s26], $0x7D0  }
0x100: {  	vm12 =	vgt.s32 v7, v15;
	v22 =	vperm.xlane v22, v3;
	[sflag:s26] =	ssyncset.done $0x0;
	vm6 =	vgt.s32 v4, v23  }
0x101: {  	vm4 =	vmand vm4, vm12;
	v14 =	vsel vm9, $0xFFFFFFFF, v14;
	[sflag:s26] =	ssyncadd.s32 $0xFFFFF830;
	v16 =	vsel vm6, v4, v23  }
0x102: {  	vm6 =	vgt.s32 v14, v4;
	_ =	swait.ge [sflag:s26], $0x7D0;
	vm8 =	vgt.s32 v20, v16;
	vm11 =	vgt.s32 v16, v22  }
0x103: {  	v4 =	vsel vm6, v14, v4;
	vm6 =	vlt.s32 v11, v13;
	[sflag:s26] =	ssyncset.done $0x0;
	v7 =	vsel vm8, v20, v16  }
0x104: {  	s3 =	simm.s32 $0x1AF90;
	vm8 =	vgt.s32 v6, v4;
	v4 =	vsel vm6, v11, v13;
	v6 =	vsel vm4, $0x1, v2;
	[sflag:s26] =	ssyncadd.s32 $0xFFFFF830  }
0x105: {  	vm12 =	vgt.s32 v5, v7;
	vm6 =	vmand vm7, vm8;
	vm4 =	vlt.s32 v4, v10;
	v14 =	vld [tilespmem:s3+$0xFFFFFFE0]  }
0x106: {  	v7 =	vxor.u32 $0x80000000, v18;
	v6 =	vadd.s32 v6, v8;
	v8 =	vxor.u32 $0x80000000, v19;
	v5 =	vld [tilespmem:s3+$0x0]  }
0x107: {  	v4 =	vsel vm4, v4, v10;
	v11 =	vperm.xlane v7, v0;
	v7 =	vperm.xlane v7, v3  }
0x108: {  	vm7 =	vmand vm5, vm12;
	v10 =	vsel vm11, v16, v22;
	vm8 =	vlt.s32 v4, v9  }
0x109: {  	v15 =	vld [tilespmem:s3+$0xFFFFFFF0];
	v4 =	vsel vm8, v4, v9;
	vm8 =	vgt.s32 v10, v7;
	v11 =	vsel vm9, $0xFFFFFFFF, v11  }
0x10a: {  	v9 =	vsel vm8, v10, v7;
	vm4 =	vlt.s32 v14, $0x186A0;
	v13 =	vadd.s32 $0xFFFE7960, v14  }
0x10b: {  	vm5 =	vlt.s32 v5, $0x186A0;
	v13 =	vsel vm4, v14, v13;
	v14 =	vadd.s32 $0xFFFE7960, v5  }
0x10c: {  	v7 =	vsel vm6, $0x1, v2;
	vm6 =	vgt.s32 v11, v10;
	v5 =	vsel vm5, v5, v14;
	v14 =	vld [tilespmem:s3+$0x10]  }
0x10d: {  	v10 =	vsel vm6, v11, v10;
	v11 =	vperm.xlane v8, v0  }
0x10e: {  	v6 =	vadd.s32 v7, v6;
	vm6 =	vlt.s32 v15, $0x186A0;
	v7 =	vadd.s32 $0xFFFE7960, v15;
	s3 =	simm.s32 $0x1C790  }
0x10f: {  	v7 =	vsel vm6, v15, v7;
	v15 =	vld [tilespmem:s3+$0x0]  }
0x110: {  	v16 =	vsel vm7, $0x1, v2;
	vm7 =	vgt.s32 v12, v10;
	v10 =	vsel vm2, $0xFFFFFFFF, v11;
	v13 =	vld.idx.msk [tilespmem:v13+s5+$0x0], $0xffff  }
0x111: {  	vm8 =	vgt.s32 v10, v9;
	v5 =	vld.idx.msk [tilespmem:v5+s5+$0x0], $0xffff;
	vm2 =	vlt.s32 v14, $0x186A0;
	v11 =	vadd.s32 $0xFFFE7960, v14  }
0x112: {  	vm3 =	vmand vm3, vm7;
	v12 =	vld [tilespmem:s3+$0xFFFFFFE0];
	v10 =	vsel vm8, v10, v9;
	v11 =	vsel vm2, v14, v11  }
0x113: {  	v8 =	vperm.xlane v8, v3;
	v14 =	vsel vm3, $0x1, v2;
	vm3 =	vgt.s32 v17, v10  }
0x114: {  	v6 =	vadd.s32 v16, v6;
	v16 =	vnsel vm10, $0x3FFFFFFF, v17;
	vm3 =	vmand vm10, vm3  }
0x115: {  	v6 =	vadd.s32 v14, v6;
	v10 =	vsel vm3, $0x1, v2;
	vm7 =	vge.f32 v13, $5.000000000e-01;
	v13 =	vld.idx.msk [tilespmem:v7+s5+$0x0], $0xffff  }
0x116: {  	v14 =	vld [tilespmem:s3+$0xFFFFFFF0];
	v7 =	vxor.u32 $0x80000000, v15;
	vm3 =	vmneg vm7;
	vm7 =	vge.f32 v5, $5.000000000e-01  }
0x117: {  	v5 =	vxor.u32 $0x80000000, v12;
	vm4 =	vmxor vm4, vm3;
	vm3 =	vmneg vm7;
	v11 =	vld.idx.msk [tilespmem:v11+s5+$0x0], $0xffff  }
0x118: {  	v5 =	vnsel vm4, $0x7FFFFFFF, v5;
	vm5 =	vmxor vm5, vm3;
	vm3 =	vlt.s32 v4, v16  }
0x119: {  	(xrf0) =	vmax.scan.msk.u32 $0xffff, v5;
	v5 =	vnsel vm5, $0x7FFFFFFF, v7;
	v7 =	vadd.s32 v10, v6;
	v10 =	vnsel vm5, $0x3FFFFFFF, v15  }
0x11a: {  	(xrf0) =	vmax.scan.msk.u32 $0xffff, v5;
	v5 =	vsel vm3, v4, v16;
	vm3 =	vgt.s32 v9, v8;
	v4 =	vld [tilespmem:s3+$0x10];
	vm7 =	vge.f32 v13, $5.000000000e-01;
	s3 =	simm.s32 $0x1AFD0  }
0x11b: {  	v6 =	vsel vm3, v9, v8;
	v8 =	vnsel vm4, $0x3FFFFFFF, v12;
	vm3 =	vmneg vm7;
	v13 =	vld [tilespmem:s3+$0xFFFFFFE0]  }
0x11c: {  	v9 =	vxor.u32 $0x80000000, v14;
	v18 =	vld [tilespmem:s3+$0xFFFFFFF0];
	vm8 =	vge.f32 v11, $5.000000000e-01;
	vm7 =	vmxor vm6, vm3  }
0x11d: {  	v19 =	vld [tilespmem:s3+$0x0];
	vm3 =	vlt.s32 v5, v8;
	vm6 =	vmneg vm8;
	v9 =	vnsel vm7, $0x7FFFFFFF, v9  }
0x11e: {  	v11 =	vsel vm3, v5, v8;
	v21 =	vnsel vm7, $0x3FFFFFFF, v14;
	vm6 =	vmxor vm2, vm6  }
0x11f: {  	vm2 =	veq.s32 v1, $0x0;
	v5, _, _ =	vpop (xrf0);
	(xrf0) =	vmax.scan.msk.u32 $0xffff, v9;
	v8 =	vxor.u32 $0x80000000, v4;
	v9 =	vnsel vm6, $0x3FFFFFFF, v4  }
0x120: {  	vm3 =	vmmov vm2;
	v5 =	vxor.u32 $0x80000000, v5;
	v8 =	vnsel vm6, $0x7FFFFFFF, v8  }
0x121: {  	vm13 =	vlt.s32 v13, $0x186A0;
	v61 =	vadd.s32 $0xFFFE7960, v13;
	vm10 =	vlt.s32 v18, $0x186A0  }
0x122: {  	v16, _, _ =	vpop (xrf0);
	vm11 =	vlt.s32 v19, $0x186A0;
	v17 =	vperm.xlane v5, v3;
	v5 =	vperm.xlane v5, v0  }
0x123: {  	v25 =	vadd.s32 $0xFFFE7960, v19;
	v63 =	vadd.s32 $0xFFFE7960, v18;
	v16 =	vxor.u32 $0x80000000, v16  }
0x124: {  	v13 =	vsel vm13, v13, v61;
	v19 =	vsel vm11, v19, v25;
	v22 =	vsel vm3, $0xFFFFFFFF, v5;
	v5 =	vld [tilespmem:s3+$0x10]  }
0x125: {  	v18 =	vsel vm10, v18, v63;
	v20 =	vperm.xlane v16, v0;
	vm8 =	vgt.s32 v6, v17;
	v23, _, _ =	vpop (xrf0)  }
0x126: {  	v17 =	vsel vm8, v6, v17;
	vm9 =	vgt.s32 v22, v6;
	v23 =	vxor.u32 $0x80000000, v23  }
0x127: {  	v6 =	vsel vm9, v22, v6;
	v62 =	vperm.xlane v23, v0;
	v23 =	vperm.xlane v23, v3  }
0x128: {  	v16 =	vperm.xlane v16, v3;
	v20 =	vsel vm3, $0xFFFFFFFF, v20;
	vm15 =	vgt.s32 v12, v6  }
0x129: {  	(xrf0) =	vmax.scan.msk.u32 $0xffff, v8;
	v13 =	vld.idx.msk [tilespmem:v13+s5+$0x0], $0xffff;
	vm4 =	vmand vm4, vm15;
	vm8 =	vlt.s32 v5, $0x186A0;
	vm12 =	vgt.s32 v17, v23  }
0x12a: {  	s3 =	simm.s32 $0x1C7D0;
	v26 =	vadd.s32 $0xFFFE7960, v5;
	v24 =	vsel vm3, $0xFFFFFFFF, v62;
	v22 =	vsel vm12, v17, v23  }
0x12b: {  	v8 =	vld [tilespmem:s3+$0xFFFFFFE0];
	v26 =	vsel vm8, v5, v26;
	vm9 =	vgt.s32 v24, v17;
	vm12 =	vgt.s32 v20, v22  }
0x12c: {  	v6 =	vld [tilespmem:s3+$0xFFFFFFF0];
	vm14 =	vgt.s32 v22, v16;
	v12 =	vsel vm9, v24, v17;
	v17 =	vsel vm12, v20, v22  }
0x12d: {  	v5 =	vld [tilespmem:s3+$0x0];
	vm9 =	vgt.s32 v14, v12;
	v14 =	vsel vm14, v22, v16;
	vm15 =	vgt.s32 v15, v17  }
0x12e: {  	v12 =	vld.idx.msk [tilespmem:v19+s5+$0x0], $0xffff;
	v15 =	vsel vm4, $0x1, v2;
	vm12 =	vmand vm7, vm9;
	vm4 =	vge.f32 v13, $5.000000000e-01  }
0x12f: {  	v16 =	vld.idx.msk [tilespmem:v18+s5+$0x0], $0xffff;
	vm9 =	vmand vm5, vm15;
	vm4 =	vmneg vm4;
	vm5 =	vlt.s32 v11, v21;
	v17, _, _ =	vpop (xrf0)  }
0x130: {  	vm4 =	vmxor vm13, vm4;
	v18 =	vxor.u32 $0x80000000, v17;
	v17 =	vxor.u32 $0x80000000, v8  }
0x131: {  	vm6 =	vmmov vm6;
	v19 =	vld.idx.msk [tilespmem:v26+s5+$0x0], $0xffff;
	v11 =	vsel vm5, v11, v21;
	v17 =	vnsel vm4, $0x7FFFFFFF, v17  }
0x132: {  	v13 =	vxor.u32 $0x80000000, v5;
	v21 =	vxor.u32 $0x80000000, v6;
	vm5 =	vlt.s32 v11, v10;
	(xrf0) =	vmax.scan.msk.u32 $0xffff, v17  }
0x133: {  	v20 =	vnsel vm4, $0x3FFFFFFF, v8;
	vm7 =	vge.f32 v12, $5.000000000e-01;
	v10 =	vsel vm5, v11, v10  }
0x134: {  	vm14 =	vge.f32 v16, $5.000000000e-01;
	vm5 =	vmneg vm7;
	vm7 =	vlt.s32 v10, v9  }
0x135: {  	v12 =	vld [tilespmem:s3+$0x10];
	v16 =	vperm.xlane v18, v3;
	v17 =	vperm.xlane v18, v0;
	v10 =	vsel vm7, v10, v9  }
0x136: {  	vm13 =	vge.f32 v19, $5.000000000e-01;
	vm5 =	vmxor vm11, vm5;
	vm11 =	vmneg vm14  }
0x137: {  	v13 =	vnsel vm5, $0x7FFFFFFF, v13;
	vm14 =	vlt.s32 v10, v20;
	vm7 =	vmxor vm10, vm11  }
0x138: {  	v9 =	vnsel vm5, $0x3FFFFFFF, v5;
	vm10 =	vmneg vm13;
	v11 =	vsel vm14, v10, v20;
	v10, _, _ =	vpop (xrf0);
	(xrf0) =	vmax.scan.msk.u32 $0xffff, v13  }
0x139: {  	v18 =	vnsel vm7, $0x7FFFFFFF, v21;
	vm8 =	vmxor vm8, vm10;
	vm10 =	vgt.s32 v14, v16  }
0x13a: {  	v19 =	vxor.u32 $0x80000000, v12;
	v16 =	vsel vm10, v14, v16;
	v13 =	vxor.u32 $0x80000000, v10  }
0x13b: {  	v19 =	vnsel vm8, $0x7FFFFFFF, v19;
	v10 =	vnsel vm8, $0x3FFFFFFF, v12;
	(xrf0) =	vmax.scan.msk.u32 $0xffff, v18;
	v18 =	vperm.xlane v13, v3  }
0x13c: {  	s28 =	simm.s32 $0x1B010;
	s0 =	simm.s32 $0x1C810;
	s3 =	simm.s32 $0x4;
	v20 =	vperm.xlane v13, v0;
	v13 =	vnsel vm7, $0x3FFFFFFF, v6;
	(xrf0) =	vmax.scan.msk.u32 $0xffff, v19;
	v19 =	vsel vm12, $0x1, v2  }
.LBB2_7:
0x13d: {  	v7 =	vadd.s32 v15, v7  }
0x13e: {  	v21 =	vld [tilespmem:s28+$0xFFFFFFE0];
	s3 =	sadd.s32 $0x4, s3;
	v22, _, _ =	vpop (xrf0);
	v15 =	vsel vm9, $0x1, v2;
	v17 =	vsel vm3, $0xFFFFFFFF, v17;
	vm3 =	vmmov vm2  }
0x13f: {  	v23 =	vld [tilespmem:s28+$0x0];
	p1 =	slt.u32 s3, $0x78;
	v20 =	vsel vm3, $0xFFFFFFFF, v20;
	v22 =	vxor.u32 $0x80000000, v22;
	vm9 =	vgt.s32 v17, v14  }
0x140: {  	v24 =	vld [tilespmem:s28+$0xFFFFFFF0];
	v25 =	vperm.xlane v22, v0;
	v22 =	vperm.xlane v22, v3;
	v14 =	vsel vm9, v17, v14  }
0x141: {  	v7 =	vadd.s32 v19, v7;
	vm9 =	vgt.s32 v16, v18;
	v17 =	vld [tilespmem:s28+$0x10];
	v26, _, _ =	vpop (xrf0);
	vm10 =	vgt.s32 v4, v14  }
0x142: {  	v14 =	vsel vm9, v16, v18;
	v4 =	vmovc v12;
	v18 =	vsel vm3, $0xFFFFFFFF, v25;
	vm6 =	vmand vm6, vm10  }
0x143: {  	vm9 =	vgt.s32 v20, v16;
	vm13 =	vlt.s32 v21, $0x186A0;
	v12 =	vadd.s32 $0xFFFE7960, v21;
	v19, _, _ =	vpop (xrf0)  }
0x144: {  	v7 =	vadd.s32 v15, v7;
	v12 =	vsel vm13, v21, v12;
	v21 =	vxor.u32 $0x80000000, v26  }
0x145: {  	vm12 =	vlt.s32 v23, $0x186A0;
	vm11 =	vlt.s32 v24, $0x186A0;
	v15 =	vperm.xlane v21, v0  }
0x146: {  	v25 =	vadd.s32 $0xFFFE7960, v23;
	v21 =	vperm.xlane v21, v3;
	vm10 =	vlt.s32 v17, $0x186A0  }
0x147: {  	v26 =	vsel vm6, $0x1, v2;
	v23 =	vsel vm12, v23, v25;
	v25 =	vadd.s32 $0xFFFE7960, v17  }
0x148: {  	v27 =	vadd.s32 $0xFFFE7960, v24;
	v7 =	vadd.s32 v26, v7;
	v17 =	vsel vm10, v17, v25;
	v28 =	vld [tilespmem:s0+$0x0]  }
0x149: {  	v24 =	vsel vm11, v24, v27;
	v15 =	vsel vm3, $0xFFFFFFFF, v15;
	vm6 =	vgt.s32 v14, v21;
	v12 =	vld.idx.msk [tilespmem:v12+s5+$0x0], $0xffff  }
0x14a: {  	v16 =	vsel vm9, v20, v16;
	v20 =	vsel vm6, v14, v21;
	vm6 =	vmmov vm8;
	v25 =	vld [tilespmem:s0+$0xFFFFFFF0]  }
0x14b: {  	vm8 =	vgt.s32 v15, v14;
	vm9 =	vgt.s32 v18, v20;
	vm15 =	vgt.s32 v20, v22;
	v21 =	vld [tilespmem:s0+$0xFFFFFFE0]  }
0x14c: {  	vm14 =	vgt.s32 v8, v16;
	v8 =	vsel vm8, v15, v14;
	v14 =	vsel vm9, v18, v20;
	v23 =	vld.idx.msk [tilespmem:v23+s5+$0x0], $0xffff  }
0x14d: {  	vm4 =	vmand vm4, vm14;
	vm8 =	vgt.s32 v6, v8;
	vm9 =	vgt.s32 v5, v14;
	v16 =	vld.idx.msk [tilespmem:v17+s5+$0x0], $0xffff;
	v5 =	vmovc v28  }
0x14e: {  	v15 =	vsel vm4, $0x1, v2;
	vm14 =	vmand vm7, vm8;
	vm9 =	vmand vm5, vm9;
	v17 =	vld.idx.msk [tilespmem:v24+s5+$0x0], $0xffff  }
0x14f: {  	v14 =	vsel vm15, v20, v22;
	vm4 =	vge.f32 v12, $5.000000000e-01;
	v18 =	vxor.u32 $0x80000000, v5;
	v6 =	vmovc v25  }
0x150: {  	v19 =	vxor.u32 $0x80000000, v19;
	vm5 =	vlt.s32 v11, v13;
	vm4 =	vmneg vm4;
	v8 =	vmovc v21  }
0x151: {  	v11 =	vsel vm5, v11, v13;
	vm4 =	vmxor vm13, vm4;
	v12 =	vxor.u32 $0x80000000, v8  }
0x152: {  	vm5 =	vlt.s32 v11, v9;
	v13 =	vnsel vm4, $0x3FFFFFFF, v8;
	v12 =	vnsel vm4, $0x7FFFFFFF, v12  }
0x153: {  	v9 =	vsel vm5, v11, v9;
	v20 =	vxor.u32 $0x80000000, v6;
	vm7 =	vge.f32 v23, $5.000000000e-01;
	(xrf0) =	vmax.scan.msk.u32 $0xffff, v12  }
0x154: {  	vm5 =	vmneg vm7;
	vm8 =	vge.f32 v16, $5.000000000e-01;
	vm7 =	vlt.s32 v9, v10;
	v12 =	vld [tilespmem:s0+$0x10]  }
0x155: {  	vm13 =	vge.f32 v17, $5.000000000e-01;
	vm5 =	vmxor vm12, vm5;
	v17 =	vperm.xlane v19, v0  }
0x156: {  	v10 =	vsel vm7, v9, v10;
	vm12 =	vmneg vm13;
	v11 =	vnsel vm5, $0x7FFFFFFF, v18  }
0x157: {  	vm13 =	vlt.s32 v10, v13;
	v9 =	vnsel vm5, $0x3FFFFFFF, v5;
	vm7 =	vmxor vm11, vm12;
	(xrf0) =	vmax.scan.msk.u32 $0xffff, v11  }
.Ltmp2:
0x158: {  	vm8 =	vmneg vm8;
	v11 =	vsel vm13, v10, v13;
	v13 =	vperm.xlane v19, v3;
	(pc) =	sbr.rel @p1 .LBB2_7-.Ltmp2, $4  }
0x159: {  	vm8 =	vmxor vm10, vm8;
	v16 =	vnsel vm7, $0x7FFFFFFF, v20;
	v19 =	vxor.u32 $0x80000000, v12;
	v10, _, _ =	vpop (xrf0)  }
0x15a: {  	vm10 =	vgt.s32 v14, v13;
	v20 =	vxor.u32 $0x80000000, v10;
	v10 =	vnsel vm8, $0x3FFFFFFF, v12;
	(xrf0) =	vmax.scan.msk.u32 $0xffff, v16  }
0x15b: {  	v19 =	vnsel vm8, $0x7FFFFFFF, v19;
	v16 =	vsel vm10, v14, v13;
	v18 =	vperm.xlane v20, v3  }
0x15c: {  	s28 =	sadd.s32 $0x40, s28;
	s0 =	sadd.s32 $0x40, s0;
	v13 =	vnsel vm7, $0x3FFFFFFF, v6;
	v20 =	vperm.xlane v20, v0;
	(xrf0) =	vmax.scan.msk.u32 $0xffff, v19;
	v19 =	vsel vm14, $0x1, v2  }
0x15d: {  	v21 =	vld [tilespmem:$0x1B730];
	_ =	sdelay $0x4  }
0x15e: {  	vm10 =	vlt.s32 v21, $0x186A0;
	v22 =	vadd.s32 $0xFFFE7960, v21  }
0x15f: {  	v21 =	vsel vm10, v21, v22;
	_ =	sdelay $0x2  }
0x160: {  	v17 =	vsel vm3, $0xFFFFFFFF, v17;
	v7 =	vadd.s32 v15, v7;
	v52 =	vsel vm9, $0x1, v2  }
0x161: {  	v50, _, _ =	vpop (xrf0);
	vm15 =	vgt.s32 v16, v18;
	v55 =	vld [tilespmem:$0x1CF30];
	vm8 =	vmmov vm8;
	vm3 =	vgt.s32 v17, v14  }
0x162: {  	v51 =	vxor.u32 $0x80000000, v50;
	v7 =	vadd.s32 v19, v7;
	v53 =	vsel vm15, v16, v18;
	v21 =	vld.idx.msk [tilespmem:v21+s5+$0x0], $0xffff  }
0x163: {  	v14 =	vsel vm3, v17, v14;
	vm3 =	vmmov vm2;
	v15 =	vperm.xlane v51, v3  }
0x164: {  	v7 =	vadd.s32 v52, v7;
	v20 =	vsel vm3, $0xFFFFFFFF, v20;
	vm11 =	vgt.s32 v4, v14;
	v4, _, _ =	vpop (xrf0)  }
0x165: {  	vm6 =	vmand vm6, vm11;
	v4 =	vxor.u32 $0x80000000, v4;
	vm12 =	vgt.s32 v20, v16  }
0x166: {  	v56 =	vperm.xlane v4, v0;
	v4 =	vperm.xlane v4, v3;
	v57 =	vsel vm6, $0x1, v2  }
0x167: {  	v16 =	vsel vm12, v20, v16;
	v58 =	vxor.u32 $0x80000000, v55;
	vm13 =	vge.f32 v21, $5.000000000e-01  }
0x168: {  	v22 =	vperm.xlane v51, v0;
	v17 =	vsel vm3, $0xFFFFFFFF, v56;
	vm9 =	vmneg vm13  }
0x169: {  	v7 =	vadd.s32 v57, v7;
	vm15 =	vgt.s32 v17, v53;
	vm6 =	vmxor vm10, vm9  }
0x16a: {  	vm14 =	vgt.s32 v53, v4;
	v14 =	vsel vm15, v17, v53;
	v20 =	vnsel vm6, $0x7FFFFFFF, v58  }
0x16b: {  	v54 =	vsel vm3, $0xFFFFFFFF, v22;
	v4 =	vsel vm14, v53, v4;
	vm14 =	vgt.s32 v6, v14;
	(xrf0) =	vmax.scan.msk.u32 $0xffff, v20  }
0x16c: {  	vm12 =	vgt.s32 v54, v4;
	vm11 =	vgt.s32 v4, v15;
	v6, _, _ =	vpop (xrf0);
	vm7 =	vmand vm7, vm14  }
0x16d: {  	vm15 =	vlt.s32 v11, v13;
	v6 =	vxor.u32 $0x80000000, v6;
	v62 =	vsel vm7, $0x1, v2  }
0x16e: {  	vm13 =	vgt.s32 v8, v16;
	v8 =	vsel vm12, v54, v4;
	v4 =	vsel vm11, v4, v15  }
0x16f: {  	vm4 =	vmand vm4, vm13;
	vm12 =	vgt.s32 v5, v8;
	v5 =	vsel vm15, v11, v13  }
0x170: {  	v8 =	vperm.xlane v6, v3;
	v6 =	vperm.xlane v6, v0;
	vm13 =	vlt.s32 v5, v9  }
0x171: {  	v59 =	vsel vm4, $0x1, v2;
	vm4 =	vmand vm5, vm12;
	v5 =	vsel vm13, v5, v9;
	v60, _, _ =	vpop (xrf0)  }
0x172: {  	vm15 =	vgt.s32 v4, v8;
	v6 =	vsel vm3, $0xFFFFFFFF, v6;
	v9 =	vxor.u32 $0x80000000, v60  }
0x173: {  	v7 =	vadd.s32 v59, v7;
	v63 =	vsel vm4, $0x1, v2;
	v61 =	vperm.xlane v9, v0  }
0x174: {  	vm14 =	vlt.s32 v5, v10;
	v8 =	vsel vm15, v4, v8;
	vm3 =	vgt.s32 v6, v4  }
0x175: {  	v7 =	vadd.s32 v62, v7;
	v4 =	vsel vm3, v6, v4;
	v6 =	vsel vm2, $0xFFFFFFFF, v61  }
0x176: {  	p1 =	seq.s32 s30, $0xF;
	v5 =	vsel vm14, v5, v10;
	vm2 =	vgt.s32 v12, v4;
	vm3 =	vgt.s32 v6, v8  }
.Ltmp3:
0x177: {  	v9 =	vperm.xlane v9, v3;
	vm2 =	vmand vm8, vm2;
	v6 =	vsel vm3, v6, v8;
	(pc) =	sbr.rel @p1 .LBB2_10-.Ltmp3, $4  }
0x178: {  	v4 =	vadd.s32 v63, v7;
	v7 =	vsel vm2, $0x1, v2;
	vm2 =	vgt.s32 v55, v6  }
0x179: {  	vm3 =	vgt.s32 v8, v9;
	v6 =	vnsel vm6, $0x3FFFFFFF, v55;
	vm2 =	vmand vm6, vm2  }
0x17a: {  	v4 =	vadd.s32 v7, v4;
	v7 =	vsel vm2, $0x1, v2;
	vm2 =	vlt.s32 v5, v6  }
0x17b: {  	v4 =	vadd.s32 v7, v4;
	v6 =	vsel vm2, v5, v6;
	v7 =	vsel vm3, v8, v9  }
0x17c: {  	s0 =	sadd.s32 s31, s14  }
.Ltmp4:
0x17d: {  	s0 =	sshrl.u32 s0, $0x3;
	(pc) =	sbr.rel .LBB2_2-.Ltmp4, $4  }
0x17e: {  	s3 =	sadd.s32 s1, s0  }
0x17f: {  	[tilespmem:s21], [sflag:$0x3] =	stream.linear.gather [hbm4b:s3+s5], $0x7D0, $0x38;
	[tilespmem:$0x1CFF0] =	vst v63  }
0x180: {  	s30 =	sadd.s32 $0x1, s30;
	s0 =	sadd.s32 s2, s0  }
0x181: {  	[tilespmem:s22], [sflag:$0x3] =	stream.linear.gather [hbm4b:s0+s5], $0x7D0, $0x38;
	[tilespmem:$0x1CFF0] =	vst v63  }
.LBB2_10:
0x182: {  	_ =	swait.ge [sflag:s24], $0x7D0  }
0x183: {  	[sflag:s24] =	ssyncset.done $0x0  }
0x184: {  	[sflag:s24] =	ssyncadd.s32 $0xFFFFF830  }
0x185: {  	_ =	swait.ge [sflag:s24], $0x7D0  }
0x186: {  	[sflag:s24] =	ssyncset.done $0x0  }
0x187: {  	s0 =	simm.s32 $0x19F90;
	[sflag:s24] =	ssyncadd.s32 $0xFFFFF830  }
0x188: {  	v5 =	vld [tilespmem:s0+$0xFFFFFFE0]  }
0x189: {  	v8 =	vld [tilespmem:s0+$0x0];
	_ =	sdelay $0x3  }
0x18a: {  	vm2 =	vlt.s32 v5, $0x186A0;
	v9 =	vadd.s32 $0xFFFE7960, v5  }
0x18b: {  	vm3 =	vlt.s32 v8, $0x186A0;
	v5 =	vsel vm2, v5, v9;
	v9 =	vadd.s32 $0xFFFE7960, v8  }
0x18c: {  	v10 =	vld [tilespmem:s0+$0xFFFFFFF0];
	v8 =	vsel vm3, v8, v9  }
0x18d: {  	v9 =	vld [tilespmem:s0+$0x10];
	_ =	sdelay $0x2  }
0x18e: {  	v5 =	vld.idx.msk [tilespmem:v5+s5+$0x0], $0xffff  }
0x18f: {  	s3 =	simm.s32 $0x1B790;
	vm6 =	vlt.s32 v10, $0x186A0;
	v11 =	vadd.s32 $0xFFFE7960, v10;
	v8 =	vld.idx.msk [tilespmem:v8+s5+$0x0], $0xffff  }
0x190: {  	v12 =	vld [tilespmem:s3+$0xFFFFFFE0];
	v10 =	vsel vm6, v10, v11;
	vm8 =	vlt.s32 v9, $0x186A0;
	v11 =	vadd.s32 $0xFFFE7960, v9  }
0x191: {  	s30 =	simm.s32 $0x19FD0;
	v13 =	vld [tilespmem:s3+$0x0];
	v9 =	vsel vm8, v9, v11  }
0x192: {  	v14 =	vld [tilespmem:s30+$0xFFFFFFE0]  }
0x193: {  	v18 =	vld [tilespmem:s30+$0xFFFFFFF0];
	vm4 =	vge.f32 v5, $5.000000000e-01  }
0x194: {  	v19 =	vld [tilespmem:s30+$0x0];
	vm4 =	vmneg vm4;
	vm5 =	vge.f32 v8, $5.000000000e-01  }
0x195: {  	v10 =	vld.idx.msk [tilespmem:v10+s5+$0x0], $0xffff;
	v5 =	vxor.u32 $0x80000000, v12;
	vm4 =	vmxor vm2, vm4;
	vm2 =	vmneg vm5  }
0x196: {  	v8 =	vld.idx.msk [tilespmem:v9+s5+$0x0], $0xffff;
	v9 =	vxor.u32 $0x80000000, v13;
	v5 =	vnsel vm4, $0x7FFFFFFF, v5;
	vm5 =	vmxor vm3, vm2  }
0x197: {  	v11 =	vld [tilespmem:s3+$0xFFFFFFF0];
	(xrf0) =	vmax.scan.msk.u32 $0xffff, v5;
	v5 =	vnsel vm5, $0x7FFFFFFF, v9  }
0x198: {  	(xrf0) =	vmax.scan.msk.u32 $0xffff, v5  }
0x199: {  	vm13 =	vlt.s32 v14, $0x186A0  }
0x19a: {  	v24 =	vadd.s32 $0xFFFE7960, v14;
	vm10 =	vlt.s32 v18, $0x186A0;
	vm2 =	vge.f32 v10, $5.000000000e-01  }
0x19b: {  	vm11 =	vlt.s32 v19, $0x186A0;
	v9 =	vnsel vm4, $0x3FFFFFFF, v12;
	vm2 =	vmneg vm2  }
0x19c: {  	v10 =	vxor.u32 $0x80000000, v11;
	vm7 =	vmxor vm6, vm2;
	vm2 =	vlt.s32 v6, v9  }
0x19d: {  	v9 =	vsel vm2, v6, v9;
	vm3 =	vge.f32 v8, $5.000000000e-01;
	v8 =	vnsel vm7, $0x7FFFFFFF, v10;
	v6, _, _ =	vpop (xrf0)  }
0x19e: {  	v25 =	vadd.s32 $0xFFFE7960, v19;
	v63 =	vadd.s32 $0xFFFE7960, v18;
	v14 =	vsel vm13, v14, v24;
	(xrf0) =	vmax.scan.msk.u32 $0xffff, v8;
	v15, _, _ =	vpop (xrf0)  }
0x19f: {  	v19 =	vsel vm11, v19, v25;
	v18 =	vsel vm10, v18, v63;
	v15 =	vxor.u32 $0x80000000, v15  }
0x1a0: {  	v5 =	vld [tilespmem:s3+$0x10];
	vm2 =	veq.s32 v1, $0x0;
	v6 =	vxor.u32 $0x80000000, v6;
	v20 =	vperm.xlane v15, v0  }
0x1a1: {  	vm3 =	vmneg vm3;
	v17 =	vperm.xlane v6, v3;
	v6 =	vperm.xlane v6, v0  }
0x1a2: {  	v21 =	vnsel vm7, $0x3FFFFFFF, v11;
	vm6 =	vmxor vm8, vm3;
	vm3 =	vmmov vm2  }
0x1a3: {  	v10 =	vnsel vm5, $0x3FFFFFFF, v13;
	v22 =	vsel vm3, $0xFFFFFFFF, v6;
	v6 =	vld [tilespmem:s30+$0x10];
	vm8 =	vgt.s32 v7, v17  }
0x1a4: {  	v23 =	vperm.xlane v15, v3;
	v15 =	vsel vm8, v7, v17;
	v17 =	vsel vm3, $0xFFFFFFFF, v20;
	v20, _, _ =	vpop (xrf0)  }
0x1a5: {  	v8 =	vxor.u32 $0x80000000, v5;
	v16 =	vnsel vm6, $0x3FFFFFFF, v5;
	v20 =	vxor.u32 $0x80000000, v20  }
0x1a6: {  	vm9 =	vgt.s32 v22, v7;
	v62 =	vperm.xlane v20, v0;
	v20 =	vperm.xlane v20, v3  }
0x1a7: {  	v8 =	vnsel vm6, $0x7FFFFFFF, v8;
	vm6 =	vmmov vm6;
	v7 =	vsel vm9, v22, v7  }
0x1a8: {  	v14 =	vld.idx.msk [tilespmem:v14+s5+$0x0], $0xffff;
	(xrf0) =	vmax.scan.msk.u32 $0xffff, v8;
	vm15 =	vgt.s32 v12, v7;
	vm8 =	vlt.s32 v6, $0x186A0;
	vm12 =	vgt.s32 v15, v20  }
0x1a9: {  	s31 =	simm.s32 $0x1B7D0;
	v26 =	vadd.s32 $0xFFFE7960, v6;
	v24 =	vsel vm3, $0xFFFFFFFF, v62;
	v20 =	vsel vm12, v15, v20  }
0x1aa: {  	v8 =	vld [tilespmem:s31+$0xFFFFFFE0];
	v26 =	vsel vm8, v6, v26;
	vm9 =	vgt.s32 v24, v15;
	vm12 =	vgt.s32 v17, v20  }
0x1ab: {  	vm4 =	vmand vm4, vm15;
	v6 =	vld [tilespmem:s31+$0x0];
	v12 =	vsel vm9, v24, v15;
	v15 =	vsel vm12, v17, v20  }
0x1ac: {  	v7 =	vld [tilespmem:s31+$0xFFFFFFF0];
	vm14 =	vgt.s32 v20, v23;
	vm9 =	vgt.s32 v11, v12;
	vm15 =	vgt.s32 v13, v15  }
0x1ad: {  	v11 =	vld.idx.msk [tilespmem:v19+s5+$0x0], $0xffff;
	v15 =	vsel vm4, $0x1, v2;
	vm12 =	vmand vm7, vm9;
	vm4 =	vge.f32 v14, $5.000000000e-01  }
0x1ae: {  	v17 =	vld.idx.msk [tilespmem:v18+s5+$0x0], $0xffff;
	vm9 =	vmand vm5, vm15;
	v12, _, _ =	vpop (xrf0);
	vm4 =	vmneg vm4;
	vm5 =	vlt.s32 v9, v21  }
0x1af: {  	v13 =	vld.idx.msk [tilespmem:v26+s5+$0x0], $0xffff;
	v18 =	vxor.u32 $0x80000000, v12;
	vm4 =	vmxor vm13, vm4;
	v12 =	vxor.u32 $0x80000000, v8  }
0x1b0: {  	v19 =	vxor.u32 $0x80000000, v6;
	v9 =	vsel vm5, v9, v21;
	v12 =	vnsel vm4, $0x7FFFFFFF, v12  }
0x1b1: {  	v14 =	vsel vm14, v20, v23;
	v21 =	vxor.u32 $0x80000000, v7;
	vm5 =	vlt.s32 v9, v10;
	(xrf0) =	vmax.scan.msk.u32 $0xffff, v12  }
0x1b2: {  	v20 =	vnsel vm4, $0x3FFFFFFF, v8;
	vm7 =	vge.f32 v11, $5.000000000e-01;
	v9 =	vsel vm5, v9, v10  }
0x1b3: {  	vm14 =	vge.f32 v17, $5.000000000e-01;
	vm5 =	vmneg vm7;
	vm7 =	vlt.s32 v9, v16  }
0x1b4: {  	v12 =	vld [tilespmem:s31+$0x10];
	v17 =	vperm.xlane v18, v0;
	vm13 =	vge.f32 v13, $5.000000000e-01;
	v9 =	vsel vm7, v9, v16  }
0x1b5: {  	vm5 =	vmxor vm11, vm5;
	vm11 =	vmneg vm14;
	v16 =	vperm.xlane v18, v3  }
0x1b6: {  	v13 =	vnsel vm5, $0x7FFFFFFF, v19;
	vm14 =	vlt.s32 v9, v20;
	vm7 =	vmxor vm10, vm11  }
0x1b7: {  	v10 =	vnsel vm5, $0x3FFFFFFF, v6;
	vm10 =	vmneg vm13;
	v11 =	vsel vm14, v9, v20;
	v9, _, _ =	vpop (xrf0);
	(xrf0) =	vmax.scan.msk.u32 $0xffff, v13  }
0x1b8: {  	v18 =	vnsel vm7, $0x7FFFFFFF, v21;
	vm8 =	vmxor vm8, vm10;
	vm10 =	vgt.s32 v14, v16  }
0x1b9: {  	v19 =	vxor.u32 $0x80000000, v12;
	v16 =	vsel vm10, v14, v16;
	v13 =	vxor.u32 $0x80000000, v9  }
0x1ba: {  	v19 =	vnsel vm8, $0x7FFFFFFF, v19;
	v9 =	vnsel vm8, $0x3FFFFFFF, v12;
	(xrf0) =	vmax.scan.msk.u32 $0xffff, v18;
	v18 =	vperm.xlane v13, v3  }
0x1bb: {  	s28 =	simm.s32 $0x1A010;
	s0 =	simm.s32 $0x1B810;
	s3 =	simm.s32 $0x4;
	v20 =	vperm.xlane v13, v0;
	v13 =	vnsel vm7, $0x3FFFFFFF, v7;
	(xrf0) =	vmax.scan.msk.u32 $0xffff, v19;
	v19 =	vsel vm12, $0x1, v2  }
.LBB2_11:
0x1bc: {  	v4 =	vadd.s32 v15, v4  }
0x1bd: {  	v21 =	vld [tilespmem:s28+$0xFFFFFFE0];
	s3 =	sadd.s32 $0x4, s3;
	v22, _, _ =	vpop (xrf0);
	v15 =	vsel vm9, $0x1, v2;
	v17 =	vsel vm3, $0xFFFFFFFF, v17;
	vm3 =	vmmov vm2  }
0x1be: {  	v23 =	vld [tilespmem:s28+$0x0];
	p1 =	slt.u32 s3, $0x78;
	v20 =	vsel vm3, $0xFFFFFFFF, v20;
	v22 =	vxor.u32 $0x80000000, v22;
	vm9 =	vgt.s32 v17, v14  }
0x1bf: {  	v24 =	vld [tilespmem:s28+$0xFFFFFFF0];
	v25 =	vperm.xlane v22, v0;
	v22 =	vperm.xlane v22, v3;
	v14 =	vsel vm9, v17, v14  }
0x1c0: {  	v4 =	vadd.s32 v19, v4;
	vm9 =	vgt.s32 v16, v18;
	v17 =	vld [tilespmem:s28+$0x10];
	v26, _, _ =	vpop (xrf0);
	vm10 =	vgt.s32 v5, v14  }
0x1c1: {  	v14 =	vsel vm9, v16, v18;
	v5 =	vmovc v12;
	v18 =	vsel vm3, $0xFFFFFFFF, v25;
	vm6 =	vmand vm6, vm10  }
0x1c2: {  	vm9 =	vgt.s32 v20, v16;
	vm13 =	vlt.s32 v21, $0x186A0;
	v12 =	vadd.s32 $0xFFFE7960, v21;
	v19, _, _ =	vpop (xrf0)  }
0x1c3: {  	v4 =	vadd.s32 v15, v4;
	v12 =	vsel vm13, v21, v12;
	v21 =	vxor.u32 $0x80000000, v26  }
0x1c4: {  	vm12 =	vlt.s32 v23, $0x186A0;
	vm11 =	vlt.s32 v24, $0x186A0;
	v15 =	vperm.xlane v21, v0  }
0x1c5: {  	v25 =	vadd.s32 $0xFFFE7960, v23;
	v21 =	vperm.xlane v21, v3;
	vm10 =	vlt.s32 v17, $0x186A0  }
0x1c6: {  	v26 =	vsel vm6, $0x1, v2;
	v23 =	vsel vm12, v23, v25;
	v25 =	vadd.s32 $0xFFFE7960, v17  }
0x1c7: {  	v27 =	vadd.s32 $0xFFFE7960, v24;
	v4 =	vadd.s32 v26, v4;
	v17 =	vsel vm10, v17, v25;
	v28 =	vld [tilespmem:s0+$0x0]  }
0x1c8: {  	v24 =	vsel vm11, v24, v27;
	v15 =	vsel vm3, $0xFFFFFFFF, v15;
	vm6 =	vgt.s32 v14, v21;
	v12 =	vld.idx.msk [tilespmem:v12+s5+$0x0], $0xffff  }
0x1c9: {  	v16 =	vsel vm9, v20, v16;
	v20 =	vsel vm6, v14, v21;
	vm6 =	vmmov vm8;
	v25 =	vld [tilespmem:s0+$0xFFFFFFF0]  }
0x1ca: {  	vm8 =	vgt.s32 v15, v14;
	vm9 =	vgt.s32 v18, v20;
	vm15 =	vgt.s32 v20, v22;
	v21 =	vld [tilespmem:s0+$0xFFFFFFE0]  }
0x1cb: {  	vm14 =	vgt.s32 v8, v16;
	v8 =	vsel vm8, v15, v14;
	v14 =	vsel vm9, v18, v20;
	v23 =	vld.idx.msk [tilespmem:v23+s5+$0x0], $0xffff  }
0x1cc: {  	vm4 =	vmand vm4, vm14;
	vm8 =	vgt.s32 v7, v8;
	vm9 =	vgt.s32 v6, v14;
	v16 =	vld.idx.msk [tilespmem:v17+s5+$0x0], $0xffff;
	v6 =	vmovc v28  }
0x1cd: {  	v15 =	vsel vm4, $0x1, v2;
	vm14 =	vmand vm7, vm8;
	vm9 =	vmand vm5, vm9;
	v17 =	vld.idx.msk [tilespmem:v24+s5+$0x0], $0xffff  }
0x1ce: {  	v14 =	vsel vm15, v20, v22;
	vm4 =	vge.f32 v12, $5.000000000e-01;
	v18 =	vxor.u32 $0x80000000, v6;
	v7 =	vmovc v25  }
0x1cf: {  	v19 =	vxor.u32 $0x80000000, v19;
	vm5 =	vlt.s32 v11, v13;
	vm4 =	vmneg vm4;
	v8 =	vmovc v21  }
0x1d0: {  	v11 =	vsel vm5, v11, v13;
	vm4 =	vmxor vm13, vm4;
	v12 =	vxor.u32 $0x80000000, v8  }
0x1d1: {  	vm5 =	vlt.s32 v11, v10;
	v13 =	vnsel vm4, $0x3FFFFFFF, v8;
	v12 =	vnsel vm4, $0x7FFFFFFF, v12  }
0x1d2: {  	v10 =	vsel vm5, v11, v10;
	v20 =	vxor.u32 $0x80000000, v7;
	vm7 =	vge.f32 v23, $5.000000000e-01;
	(xrf0) =	vmax.scan.msk.u32 $0xffff, v12  }
0x1d3: {  	vm5 =	vmneg vm7;
	vm8 =	vge.f32 v16, $5.000000000e-01;
	vm7 =	vlt.s32 v10, v9;
	v12 =	vld [tilespmem:s0+$0x10]  }
0x1d4: {  	vm13 =	vge.f32 v17, $5.000000000e-01;
	vm5 =	vmxor vm12, vm5;
	v17 =	vperm.xlane v19, v0  }
0x1d5: {  	v9 =	vsel vm7, v10, v9;
	vm12 =	vmneg vm13;
	v11 =	vnsel vm5, $0x7FFFFFFF, v18  }
0x1d6: {  	vm13 =	vlt.s32 v9, v13;
	v10 =	vnsel vm5, $0x3FFFFFFF, v6;
	vm7 =	vmxor vm11, vm12;
	(xrf0) =	vmax.scan.msk.u32 $0xffff, v11  }
.Ltmp5:
0x1d7: {  	vm8 =	vmneg vm8;
	v11 =	vsel vm13, v9, v13;
	v13 =	vperm.xlane v19, v3;
	(pc) =	sbr.rel @p1 .LBB2_11-.Ltmp5, $4  }
0x1d8: {  	vm8 =	vmxor vm10, vm8;
	v16 =	vnsel vm7, $0x7FFFFFFF, v20;
	v19 =	vxor.u32 $0x80000000, v12;
	v9, _, _ =	vpop (xrf0)  }
0x1d9: {  	vm10 =	vgt.s32 v14, v13;
	v20 =	vxor.u32 $0x80000000, v9;
	v9 =	vnsel vm8, $0x3FFFFFFF, v12;
	(xrf0) =	vmax.scan.msk.u32 $0xffff, v16  }
0x1da: {  	v19 =	vnsel vm8, $0x7FFFFFFF, v19;
	v16 =	vsel vm10, v14, v13;
	v18 =	vperm.xlane v20, v3  }
0x1db: {  	s28 =	sadd.s32 $0x40, s28;
	s0 =	sadd.s32 $0x40, s0;
	v13 =	vnsel vm7, $0x3FFFFFFF, v7;
	v20 =	vperm.xlane v20, v0;
	(xrf0) =	vmax.scan.msk.u32 $0xffff, v19;
	v19 =	vsel vm14, $0x1, v2  }
0x1dc: {  	v21 =	vld [tilespmem:$0x1A730];
	_ =	sdelay $0x4  }
0x1dd: {  	vm10 =	vlt.s32 v21, $0x186A0;
	v22 =	vadd.s32 $0xFFFE7960, v21  }
0x1de: {  	v21 =	vsel vm10, v21, v22;
	_ =	sdelay $0x4  }
0x1df: {  	v21 =	vld.idx.msk [tilespmem:v21+s5+$0x0], $0xffff;
	_ =	sdelay $0x1  }
0x1e0: {  	v22 =	vld [tilespmem:$0x1BF30];
	_ =	sdelay $0x2  }
0x1e1: {  	vm11 =	vge.f32 v21, $5.000000000e-01  }
0x1e2: {  	vm11 =	vmneg vm11  }
0x1e3: {  	v21 =	vxor.u32 $0x80000000, v22;
	vm10 =	vmxor vm10, vm11  }
0x1e4: {  	v21 =	vnsel vm10, $0x7FFFFFFF, v21  }
0x1e5: {  	v4 =	vadd.s32 v15, v4;
	(xrf0) =	vmax.scan.msk.u32 $0xffff, v21  }
0x1e6: {  	v15 =	vsel vm9, $0x1, v2;
	vm9 =	vmmov vm2;
	v17 =	vsel vm3, $0xFFFFFFFF, v17  }
0x1e7: {  	v20 =	vsel vm9, $0xFFFFFFFF, v20;
	vm3 =	vgt.s32 v17, v14  }
0x1e8: {  	v4 =	vadd.s32 v19, v4;
	v14 =	vsel vm3, v17, v14;
	vm3 =	vgt.s32 v16, v18;
	v21, _, _ =	vpop (xrf0)  }
0x1e9: {  	v4 =	vadd.s32 v15, v4;
	vm11 =	vgt.s32 v5, v14;
	v21 =	vxor.u32 $0x80000000, v21;
	v24, _, _ =	vpop (xrf0)  }
0x1ea: {  	v5 =	vsel vm3, v16, v18;
	vm3 =	vmand vm6, vm11;
	v23 =	vperm.xlane v21, v0;
	v17, _, _ =	vpop (xrf0)  }
0x1eb: {  	v15 =	vsel vm3, $0x1, v2;
	vm3 =	vgt.s32 v20, v16;
	v14 =	vxor.u32 $0x80000000, v24;
	v18, _, _ =	vpop (xrf0)  }
0x1ec: {  	v4 =	vadd.s32 v15, v4;
	v19 =	vsel vm9, $0xFFFFFFFF, v23;
	v23 =	vperm.xlane v14, v3;
	_ =	swait.ge [sflag:s25], $0x7D0  }
0x1ed: {  	v15 =	vsel vm3, v20, v16;
	vm3 =	vmmov vm8;
	v14 =	vperm.xlane v14, v0;
	[sflag:s25] =	ssyncset.done $0x0  }
0x1ee: {  	vm12 =	vgt.s32 v8, v15;
	v21 =	vperm.xlane v21, v3;
	vm6 =	vgt.s32 v5, v23;
	[sflag:s25] =	ssyncadd.s32 $0xFFFFF830  }
0x1ef: {  	vm4 =	vmand vm4, vm12;
	v14 =	vsel vm9, $0xFFFFFFFF, v14;
	v16 =	vsel vm6, v5, v23;
	_ =	swait.ge [sflag:s25], $0x7D0  }
0x1f0: {  	vm6 =	vgt.s32 v14, v5;
	vm8 =	vgt.s32 v19, v16;
	vm11 =	vgt.s32 v16, v21;
	[sflag:s25] =	ssyncset.done $0x0  }
0x1f1: {  	s0 =	simm.s32 $0x1A790;
	v5 =	vsel vm6, v14, v5;
	vm6 =	vlt.s32 v11, v13;
	v8 =	vsel vm8, v19, v16;
	[sflag:s25] =	ssyncadd.s32 $0xFFFFF830  }
0x1f2: {  	vm8 =	vgt.s32 v7, v5;
	v5 =	vsel vm6, v11, v13;
	v7 =	vsel vm4, $0x1, v2;
	v14 =	vld [tilespmem:s0+$0xFFFFFFE0]  }
0x1f3: {  	vm12 =	vgt.s32 v6, v8;
	vm7 =	vmand vm7, vm8;
	vm4 =	vlt.s32 v5, v10  }
0x1f4: {  	v8 =	vxor.u32 $0x80000000, v17;
	v4 =	vadd.s32 v7, v4;
	v7 =	vxor.u32 $0x80000000, v18;
	v6 =	vld [tilespmem:s0+$0x0]  }
0x1f5: {  	vm5 =	vmand vm5, vm12;
	v5 =	vsel vm4, v5, v10;
	v10 =	vsel vm11, v16, v21  }
0x1f6: {  	v11 =	vperm.xlane v8, v0;
	v8 =	vperm.xlane v8, v3;
	vm8 =	vlt.s32 v5, v9  }
0x1f7: {  	v15 =	vld [tilespmem:s0+$0xFFFFFFF0];
	v16 =	vsel vm5, $0x1, v2;
	vm4 =	vlt.s32 v14, $0x186A0;
	v13 =	vadd.s32 $0xFFFE7960, v14  }
0x1f8: {  	v5 =	vsel vm8, v5, v9;
	vm8 =	vgt.s32 v10, v8;
	v13 =	vsel vm4, v14, v13  }
0x1f9: {  	s30 =	simm.s32 $0x1A7D0;
	v11 =	vsel vm9, $0xFFFFFFFF, v11;
	vm6 =	vlt.s32 v6, $0x186A0;
	v14 =	vadd.s32 $0xFFFE7960, v6  }
0x1fa: {  	v19 =	vld [tilespmem:s30+$0x0];
	v9 =	vsel vm7, $0x1, v2;
	vm7 =	vgt.s32 v11, v10;
	v6 =	vsel vm6, v6, v14  }
0x1fb: {  	v8 =	vsel vm8, v10, v8;
	v4 =	vadd.s32 v9, v4;
	v10 =	vsel vm7, v11, v10;
	v14 =	vld [tilespmem:s0+$0x10]  }
0x1fc: {  	v18 =	vld [tilespmem:s30+$0xFFFFFFF0];
	v11 =	vperm.xlane v7, v0;
	vm5 =	vlt.s32 v15, $0x186A0;
	v9 =	vadd.s32 $0xFFFE7960, v15  }
0x1fd: {  	s3 =	simm.s32 $0x1BF90;
	v17 =	vperm.xlane v7, v3;
	v4 =	vadd.s32 v16, v4;
	v9 =	vsel vm5, v15, v9;
	v13 =	vld.idx.msk [tilespmem:v13+s5+$0x0], $0xffff  }
0x1fe: {  	v16 =	vnsel vm10, $0x3FFFFFFF, v22;
	vm7 =	vgt.s32 v12, v10;
	v12 =	vld [tilespmem:s3+$0xFFFFFFE0];
	v10 =	vsel vm2, $0xFFFFFFFF, v11  }
0x1ff: {  	vm11 =	vlt.s32 v19, $0x186A0;
	vm3 =	vmand vm3, vm7;
	vm8 =	vgt.s32 v10, v8;
	v6 =	vld.idx.msk [tilespmem:v6+s5+$0x0], $0xffff  }
0x200: {  	v10 =	vsel vm8, v10, v8;
	vm2 =	vlt.s32 v14, $0x186A0;
	v11 =	vadd.s32 $0xFFFE7960, v14  }
0x201: {  	v15 =	vld [tilespmem:s3+$0x0];
	v11 =	vsel vm2, v14, v11;
	v14 =	vsel vm3, $0x1, v2;
	vm3 =	vgt.s32 v22, v10  }
0x202: {  	v25 =	vadd.s32 $0xFFFE7960, v19;
	v9 =	vld.idx.msk [tilespmem:v9+s5+$0x0], $0xffff;
	vm3 =	vmand vm10, vm3;
	vm7 =	vge.f32 v13, $5.000000000e-01  }
0x203: {  	v63 =	vadd.s32 $0xFFFE7960, v18;
	v10 =	vsel vm3, $0x1, v2;
	vm3 =	vmneg vm7  }
0x204: {  	vm7 =	vge.f32 v6, $5.000000000e-01;
	v6 =	vxor.u32 $0x80000000, v12;
	vm4 =	vmxor vm4, vm3  }
0x205: {  	v19 =	vsel vm11, v19, v25;
	v4 =	vadd.s32 v14, v4;
	v13 =	vld [tilespmem:s3+$0xFFFFFFF0];
	v6 =	vnsel vm4, $0x7FFFFFFF, v6  }
0x206: {  	v14 =	vxor.u32 $0x80000000, v15;
	v7 =	vadd.s32 v10, v4;
	vm3 =	vmneg vm7;
	(xrf0) =	vmax.scan.msk.u32 $0xffff, v6  }
0x207: {  	v11 =	vld.idx.msk [tilespmem:v11+s5+$0x0], $0xffff;
	vm7 =	vge.f32 v9, $5.000000000e-01;
	vm6 =	vmxor vm6, vm3;
	vm3 =	vlt.s32 v5, v16  }
0x208: {  	v4 =	vld [tilespmem:s3+$0x10];
	v6 =	vnsel vm6, $0x7FFFFFFF, v14;
	v5 =	vsel vm3, v5, v16;
	vm3 =	vgt.s32 v8, v17  }
0x209: {  	vm10 =	vlt.s32 v18, $0x186A0;
	(xrf0) =	vmax.scan.msk.u32 $0xffff, v6;
	v6 =	vsel vm3, v8, v17;
	vm3 =	vmneg vm7  }
0x20a: {  	v14 =	vld [tilespmem:s30+$0xFFFFFFE0];
	v8 =	vnsel vm4, $0x3FFFFFFF, v12;
	v9 =	vxor.u32 $0x80000000, v13;
	vm7 =	vmxor vm5, vm3  }
0x20b: {  	v18 =	vsel vm10, v18, v63;
	vm3 =	vlt.s32 v5, v8;
	v9 =	vnsel vm7, $0x7FFFFFFF, v9  }
0x20c: {  	v10 =	vnsel vm6, $0x3FFFFFFF, v15;
	vm8 =	vge.f32 v11, $5.000000000e-01;
	v11 =	vsel vm3, v5, v8;
	v5, _, _ =	vpop (xrf0);
	(xrf0) =	vmax.scan.msk.u32 $0xffff, v9  }
0x20d: {  	v8 =	vxor.u32 $0x80000000, v4;
	v21 =	vnsel vm7, $0x3FFFFFFF, v13;
	vm5 =	vmneg vm8  }
0x20e: {  	vm5 =	vmxor vm2, vm5;
	vm2 =	veq.s32 v1, $0x0;
	v5 =	vxor.u32 $0x80000000, v5  }
0x20f: {  	vm13 =	vlt.s32 v14, $0x186A0;
	v17 =	vperm.xlane v5, v3;
	v5 =	vperm.xlane v5, v0  }
0x210: {  	v61 =	vadd.s32 $0xFFFE7960, v14;
	v9 =	vnsel vm5, $0x3FFFFFFF, v4;
	vm3 =	vmmov vm2;
	v16, _, _ =	vpop (xrf0)  }
0x211: {  	v14 =	vsel vm13, v14, v61;
	v16 =	vxor.u32 $0x80000000, v16;
	v22 =	vsel vm3, $0xFFFFFFFF, v5;
	v5 =	vld [tilespmem:s30+$0x10]  }
0x212: {  	v8 =	vnsel vm5, $0x7FFFFFFF, v8;
	vm5 =	vmmov vm5;
	v20 =	vperm.xlane v16, v0;
	v23, _, _ =	vpop (xrf0)  }
0x213: {  	v16 =	vperm.xlane v16, v3;
	vm8 =	vgt.s32 v6, v17;
	v23 =	vxor.u32 $0x80000000, v23  }
0x214: {  	vm9 =	vgt.s32 v22, v6;
	v62 =	vperm.xlane v23, v0;
	v23 =	vperm.xlane v23, v3  }
0x215: {  	v17 =	vsel vm8, v6, v17;
	v20 =	vsel vm3, $0xFFFFFFFF, v20;
	v6 =	vsel vm9, v22, v6  }
0x216: {  	s31 =	simm.s32 $0x1BFD0;
	v14 =	vld.idx.msk [tilespmem:v14+s5+$0x0], $0xffff;
	vm15 =	vgt.s32 v12, v6;
	vm8 =	vlt.s32 v5, $0x186A0;
	vm12 =	vgt.s32 v17, v23  }
0x217: {  	(xrf0) =	vmax.scan.msk.u32 $0xffff, v8;
	v8 =	vld [tilespmem:s31+$0xFFFFFFE0];
	v26 =	vadd.s32 $0xFFFE7960, v5;
	v24 =	vsel vm3, $0xFFFFFFFF, v62;
	v22 =	vsel vm12, v17, v23  }
0x218: {  	v26 =	vsel vm8, v5, v26;
	vm9 =	vgt.s32 v24, v17;
	vm12 =	vgt.s32 v20, v22  }
0x219: {  	v6 =	vld [tilespmem:s31+$0xFFFFFFF0];
	vm4 =	vmand vm4, vm15;
	v12 =	vsel vm9, v24, v17;
	v17 =	vsel vm12, v20, v22  }
0x21a: {  	v5 =	vld [tilespmem:s31+$0x0];
	vm14 =	vgt.s32 v22, v16;
	vm9 =	vgt.s32 v13, v12;
	vm15 =	vgt.s32 v15, v17  }
0x21b: {  	v12 =	vld.idx.msk [tilespmem:v19+s5+$0x0], $0xffff;
	v15 =	vsel vm4, $0x1, v2;
	vm12 =	vmand vm7, vm9;
	vm4 =	vge.f32 v14, $5.000000000e-01  }
0x21c: {  	v14 =	vsel vm14, v22, v16;
	v16 =	vld.idx.msk [tilespmem:v18+s5+$0x0], $0xffff;
	v18 =	vxor.u32 $0x80000000, v8;
	vm4 =	vmneg vm4  }
0x21d: {  	v13, _, _ =	vpop (xrf0);
	vm9 =	vmand vm6, vm15;
	v17 =	vld.idx.msk [tilespmem:v26+s5+$0x0], $0xffff;
	vm6 =	vlt.s32 v11, v21;
	vm4 =	vmxor vm13, vm4  }
0x21e: {  	v13 =	vxor.u32 $0x80000000, v13;
	v11 =	vsel vm6, v11, v21;
	v18 =	vnsel vm4, $0x7FFFFFFF, v18  }
0x21f: {  	v19 =	vxor.u32 $0x80000000, v5;
	v21 =	vxor.u32 $0x80000000, v6;
	vm6 =	vlt.s32 v11, v10;
	(xrf0) =	vmax.scan.msk.u32 $0xffff, v18  }
0x220: {  	v20 =	vnsel vm4, $0x3FFFFFFF, v8;
	vm7 =	vge.f32 v12, $5.000000000e-01;
	v10 =	vsel vm6, v11, v10  }
0x221: {  	v12 =	vld [tilespmem:s31+$0x10];
	vm6 =	vmneg vm7;
	vm7 =	vlt.s32 v10, v9;
	vm14 =	vge.f32 v16, $5.000000000e-01  }
0x222: {  	vm13 =	vge.f32 v17, $5.000000000e-01;
	vm6 =	vmxor vm11, vm6;
	v10 =	vsel vm7, v10, v9  }
0x223: {  	v17 =	vperm.xlane v13, v0;
	vm11 =	vmneg vm14;
	v13 =	vperm.xlane v13, v3  }
0x224: {  	v16 =	vnsel vm6, $0x7FFFFFFF, v19;
	vm14 =	vlt.s32 v10, v20;
	vm7 =	vmxor vm10, vm11  }
0x225: {  	v9 =	vnsel vm6, $0x3FFFFFFF, v5;
	vm10 =	vmneg vm13;
	v11 =	vsel vm14, v10, v20;
	v10, _, _ =	vpop (xrf0);
	(xrf0) =	vmax.scan.msk.u32 $0xffff, v16  }
0x226: {  	vm8 =	vmxor vm8, vm10;
	vm10 =	vgt.s32 v14, v13;
	v19 =	vxor.u32 $0x80000000, v12  }
0x227: {  	v18 =	vnsel vm7, $0x7FFFFFFF, v21;
	v19 =	vnsel vm8, $0x7FFFFFFF, v19;
	v16 =	vsel vm10, v14, v13  }
0x228: {  	v13 =	vnsel vm7, $0x3FFFFFFF, v6;
	v20 =	vxor.u32 $0x80000000, v10;
	v10 =	vnsel vm8, $0x3FFFFFFF, v12;
	(xrf0) =	vmax.scan.msk.u32 $0xffff, v18  }
0x229: {  	s28 =	simm.s32 $0x1A810;
	s0 =	simm.s32 $0x1C010;
	s3 =	simm.s32 $0x4;
	v18 =	vperm.xlane v20, v3;
	v20 =	vperm.xlane v20, v0;
	(xrf0) =	vmax.scan.msk.u32 $0xffff, v19;
	v19 =	vsel vm12, $0x1, v2  }
.LBB2_13:
0x22a: {  	v7 =	vadd.s32 v15, v7  }
0x22b: {  	v21 =	vld [tilespmem:s28+$0xFFFFFFE0];
	s3 =	sadd.s32 $0x4, s3;
	v22, _, _ =	vpop (xrf0);
	v15 =	vsel vm9, $0x1, v2;
	v17 =	vsel vm3, $0xFFFFFFFF, v17;
	vm3 =	vmmov vm2  }
0x22c: {  	v23 =	vld [tilespmem:s28+$0x0];
	p1 =	slt.u32 s3, $0x78;
	v20 =	vsel vm3, $0xFFFFFFFF, v20;
	v22 =	vxor.u32 $0x80000000, v22;
	vm9 =	vgt.s32 v17, v14  }
0x22d: {  	v24 =	vld [tilespmem:s28+$0xFFFFFFF0];
	v25 =	vperm.xlane v22, v0;
	v22 =	vperm.xlane v22, v3;
	v14 =	vsel vm9, v17, v14  }
0x22e: {  	v7 =	vadd.s32 v19, v7;
	vm9 =	vgt.s32 v16, v18;
	v17 =	vld [tilespmem:s28+$0x10];
	v26, _, _ =	vpop (xrf0);
	vm10 =	vgt.s32 v4, v14  }
0x22f: {  	v14 =	vsel vm9, v16, v18;
	v4 =	vmovc v12;
	v18 =	vsel vm3, $0xFFFFFFFF, v25;
	vm5 =	vmand vm5, vm10  }
0x230: {  	vm9 =	vgt.s32 v20, v16;
	vm13 =	vlt.s32 v21, $0x186A0;
	v12 =	vadd.s32 $0xFFFE7960, v21;
	v19, _, _ =	vpop (xrf0)  }
0x231: {  	v7 =	vadd.s32 v15, v7;
	v12 =	vsel vm13, v21, v12;
	v21 =	vxor.u32 $0x80000000, v26  }
0x232: {  	vm12 =	vlt.s32 v23, $0x186A0;
	vm11 =	vlt.s32 v24, $0x186A0;
	v15 =	vperm.xlane v21, v0  }
0x233: {  	v25 =	vadd.s32 $0xFFFE7960, v23;
	v21 =	vperm.xlane v21, v3;
	vm10 =	vlt.s32 v17, $0x186A0  }
0x234: {  	v26 =	vsel vm5, $0x1, v2;
	v23 =	vsel vm12, v23, v25;
	v25 =	vadd.s32 $0xFFFE7960, v17  }
0x235: {  	v27 =	vadd.s32 $0xFFFE7960, v24;
	v7 =	vadd.s32 v26, v7;
	v17 =	vsel vm10, v17, v25;
	v28 =	vld [tilespmem:s0+$0x0]  }
0x236: {  	v24 =	vsel vm11, v24, v27;
	v15 =	vsel vm3, $0xFFFFFFFF, v15;
	vm5 =	vgt.s32 v14, v21;
	v12 =	vld.idx.msk [tilespmem:v12+s5+$0x0], $0xffff  }
0x237: {  	v16 =	vsel vm9, v20, v16;
	v20 =	vsel vm5, v14, v21;
	vm5 =	vmmov vm8;
	v25 =	vld [tilespmem:s0+$0xFFFFFFF0]  }
0x238: {  	vm8 =	vgt.s32 v15, v14;
	vm9 =	vgt.s32 v18, v20;
	vm15 =	vgt.s32 v20, v22;
	v21 =	vld [tilespmem:s0+$0xFFFFFFE0]  }
0x239: {  	vm14 =	vgt.s32 v8, v16;
	v8 =	vsel vm8, v15, v14;
	v14 =	vsel vm9, v18, v20;
	v23 =	vld.idx.msk [tilespmem:v23+s5+$0x0], $0xffff  }
0x23a: {  	vm4 =	vmand vm4, vm14;
	vm8 =	vgt.s32 v6, v8;
	vm9 =	vgt.s32 v5, v14;
	v16 =	vld.idx.msk [tilespmem:v17+s5+$0x0], $0xffff;
	v5 =	vmovc v28  }
0x23b: {  	v15 =	vsel vm4, $0x1, v2;
	vm14 =	vmand vm7, vm8;
	vm9 =	vmand vm6, vm9;
	v17 =	vld.idx.msk [tilespmem:v24+s5+$0x0], $0xffff  }
0x23c: {  	v14 =	vsel vm15, v20, v22;
	vm4 =	vge.f32 v12, $5.000000000e-01;
	v18 =	vxor.u32 $0x80000000, v5;
	v6 =	vmovc v25  }
0x23d: {  	v19 =	vxor.u32 $0x80000000, v19;
	vm6 =	vlt.s32 v11, v13;
	vm4 =	vmneg vm4;
	v8 =	vmovc v21  }
0x23e: {  	v11 =	vsel vm6, v11, v13;
	vm4 =	vmxor vm13, vm4;
	v12 =	vxor.u32 $0x80000000, v8  }
0x23f: {  	vm6 =	vlt.s32 v11, v9;
	v13 =	vnsel vm4, $0x3FFFFFFF, v8;
	v12 =	vnsel vm4, $0x7FFFFFFF, v12  }
0x240: {  	v9 =	vsel vm6, v11, v9;
	v20 =	vxor.u32 $0x80000000, v6;
	vm7 =	vge.f32 v23, $5.000000000e-01;
	(xrf0) =	vmax.scan.msk.u32 $0xffff, v12  }
0x241: {  	vm6 =	vmneg vm7;
	vm8 =	vge.f32 v16, $5.000000000e-01;
	vm7 =	vlt.s32 v9, v10;
	v12 =	vld [tilespmem:s0+$0x10]  }
0x242: {  	vm13 =	vge.f32 v17, $5.000000000e-01;
	vm6 =	vmxor vm12, vm6;
	v17 =	vperm.xlane v19, v0  }
0x243: {  	v10 =	vsel vm7, v9, v10;
	vm12 =	vmneg vm13;
	v11 =	vnsel vm6, $0x7FFFFFFF, v18  }
0x244: {  	vm13 =	vlt.s32 v10, v13;
	v9 =	vnsel vm6, $0x3FFFFFFF, v5;
	vm7 =	vmxor vm11, vm12;
	(xrf0) =	vmax.scan.msk.u32 $0xffff, v11  }
.Ltmp6:
0x245: {  	vm8 =	vmneg vm8;
	v11 =	vsel vm13, v10, v13;
	v13 =	vperm.xlane v19, v3;
	(pc) =	sbr.rel @p1 .LBB2_13-.Ltmp6, $4  }
0x246: {  	vm8 =	vmxor vm10, vm8;
	v16 =	vnsel vm7, $0x7FFFFFFF, v20;
	v19 =	vxor.u32 $0x80000000, v12;
	v10, _, _ =	vpop (xrf0)  }
0x247: {  	vm10 =	vgt.s32 v14, v13;
	v20 =	vxor.u32 $0x80000000, v10;
	v10 =	vnsel vm8, $0x3FFFFFFF, v12;
	(xrf0) =	vmax.scan.msk.u32 $0xffff, v16  }
0x248: {  	v19 =	vnsel vm8, $0x7FFFFFFF, v19;
	v16 =	vsel vm10, v14, v13;
	v18 =	vperm.xlane v20, v3  }
0x249: {  	s28 =	sadd.s32 $0x40, s28;
	s0 =	sadd.s32 $0x40, s0;
	v13 =	vnsel vm7, $0x3FFFFFFF, v6;
	v20 =	vperm.xlane v20, v0;
	(xrf0) =	vmax.scan.msk.u32 $0xffff, v19;
	v19 =	vsel vm14, $0x1, v2  }
0x24a: {  	v21 =	vld [tilespmem:$0x1AF30];
	_ =	sdelay $0x4  }
0x24b: {  	vm10 =	vlt.s32 v21, $0x186A0;
	v22 =	vadd.s32 $0xFFFE7960, v21  }
0x24c: {  	v21 =	vsel vm10, v21, v22;
	_ =	sdelay $0x2  }
0x24d: {  	v17 =	vsel vm3, $0xFFFFFFFF, v17;
	v7 =	vadd.s32 v15, v7  }
0x24e: {  	v40, _, _ =	vpop (xrf0);
	v41 =	vsel vm9, $0x1, v2;
	vm15 =	vgt.s32 v16, v18;
	vm8 =	vmmov vm8  }
0x24f: {  	vm3 =	vgt.s32 v17, v14;
	v15 =	vxor.u32 $0x80000000, v40;
	v7 =	vadd.s32 v19, v7;
	v21 =	vld.idx.msk [tilespmem:v21+s5+$0x0], $0xffff  }
0x250: {  	v43 =	vsel vm15, v16, v18;
	v14 =	vsel vm3, v17, v14;
	vm3 =	vmmov vm2  }
0x251: {  	v44 =	vld [tilespmem:$0x1C730];
	v42 =	vperm.xlane v15, v0;
	v15 =	vperm.xlane v15, v3;
	vm11 =	vgt.s32 v4, v14;
	v4, _, _ =	vpop (xrf0)  }
0x252: {  	v7 =	vadd.s32 v41, v7;
	v20 =	vsel vm3, $0xFFFFFFFF, v20;
	v4 =	vxor.u32 $0x80000000, v4  }
0x253: {  	v45 =	vsel vm3, $0xFFFFFFFF, v42;
	v46 =	vperm.xlane v4, v0;
	v4 =	vperm.xlane v4, v3  }
0x254: {  	vm5 =	vmand vm5, vm11;
	vm12 =	vgt.s32 v20, v16;
	vm13 =	vge.f32 v21, $5.000000000e-01  }
0x255: {  	v47 =	vsel vm5, $0x1, v2;
	vm14 =	vgt.s32 v43, v4;
	vm5 =	vmneg vm13  }
0x256: {  	v48 =	vxor.u32 $0x80000000, v44;
	v4 =	vsel vm14, v43, v4;
	vm5 =	vmxor vm10, vm5  }
0x257: {  	v16 =	vsel vm12, v20, v16;
	vm12 =	vgt.s32 v45, v4;
	v49 =	vnsel vm5, $0x7FFFFFFF, v48  }
0x258: {  	v7 =	vadd.s32 v47, v7;
	v17 =	vsel vm3, $0xFFFFFFFF, v46;
	v50 =	vsel vm12, v45, v4;
	(xrf0) =	vmax.scan.msk.u32 $0xffff, v49  }
0x259: {  	vm15 =	vgt.s32 v17, v43;
	vm14 =	vlt.s32 v11, v13;
	vm12 =	vgt.s32 v5, v50;
	v5, _, _ =	vpop (xrf0)  }
0x25a: {  	vm11 =	vgt.s32 v4, v15;
	v51 =	vsel vm14, v11, v13;
	v5 =	vxor.u32 $0x80000000, v5  }
0x25b: {  	v14 =	vsel vm15, v17, v43;
	vm14 =	vlt.s32 v51, v9;
	v53 =	vperm.xlane v5, v0  }
0x25c: {  	vm15 =	vgt.s32 v6, v14;
	v4 =	vsel vm11, v4, v15;
	v6 =	vsel vm14, v51, v9  }
0x25d: {  	vm6 =	vmand vm6, vm12;
	v5 =	vperm.xlane v5, v3;
	v9 =	vsel vm3, $0xFFFFFFFF, v53  }
0x25e: {  	v58 =	vsel vm6, $0x1, v2;
	vm3 =	vgt.s32 v9, v4;
	vm13 =	vgt.s32 v8, v16;
	v54, _, _ =	vpop (xrf0)  }
0x25f: {  	vm4 =	vmand vm4, vm13;
	vm13 =	vmand vm7, vm15;
	v55 =	vxor.u32 $0x80000000, v54  }
0x260: {  	vm7 =	vlt.s32 v6, v10;
	vm15 =	vgt.s32 v4, v5;
	v11 =	vperm.xlane v55, v0  }
0x261: {  	v52 =	vsel vm4, $0x1, v2;
	v6 =	vsel vm7, v6, v10;
	v5 =	vsel vm15, v4, v5  }
0x262: {  	v56 =	vsel vm13, $0x1, v2;
	v4 =	vsel vm3, v9, v4;
	v57 =	vsel vm2, $0xFFFFFFFF, v11  }
0x263: {  	v61 =	vnsel vm5, $0x3FFFFFFF, v44;
	vm2 =	vgt.s32 v12, v4;
	vm3 =	vgt.s32 v57, v5  }
0x264: {  	v7 =	vadd.s32 v52, v7;
	vm2 =	vmand vm8, vm2;
	v59 =	vsel vm3, v57, v5  }
0x265: {  	v4 =	vadd.s32 v56, v7;
	v60 =	vsel vm2, $0x1, v2;
	vm2 =	vgt.s32 v44, v59  }
0x266: {  	v63 =	vperm.xlane v55, v3;
	v4 =	vadd.s32 v58, v4;
	vm2 =	vmand vm5, vm2  }
0x267: {  	v4 =	vadd.s32 v60, v4;
	v62 =	vsel vm2, $0x1, v2;
	vm2 =	vlt.s32 v6, v61  }
0x268: {  	v4 =	vadd.s32 v62, v4;
	v6 =	vsel vm2, v6, v61  }
0x269: {  	vm2 =	vgt.s32 v5, v63;
	(xrf0) =	vadd.scan.msk.s32 $0xffff, v4;
	v4 =	vxor.u32 $0x80000000, v6  }
0x26a: {  	v5 =	vsel vm2, v5, v63;
	(xrf0) =	vmin.scan.msk.u32 $0xffff, v4  }
0x26b: {  	v4 =	vxor.u32 $0x80000000, v5  }
0x26c: {  	(xrf0) =	vmax.scan.msk.u32 $0xffff, v4;
	_ =	sdelay $0x2  }
0x26d: {  	v4, _, _ =	vpop (xrf0)  }
0x26e: {  	v5, _, _ =	vpop (xrf0)  }
0x26f: {  	(v2sf) =	vpush v5, $0xF  }
0x270: {  	v5, _, _ =	vpop (xrf0)  }
0x271: {  	(v2sf) =	vpush v5, $0xF;
	_ =	sdelay $0xc  }
0x272: {  	s0 =	spop (v2sf)  }
0x273: {  	s0 =	sxor.u32 $0x80000000, s0  }
0x274: {  	s3 =	spop (v2sf);
	v5 =	vmov s0  }
0x275: {  	v4 =	vbroadcast v4, $0xF;
	s30 =	sxor.u32 $0x80000000, s3;
	v5 =	vnsel vm0, $0x0, v5  }
0x276: {  	s29 =	sadd.s32 $0x1, s29;
	vm2 =	vmmov $0x1;
	v5 =	vsel vm1, s30, v5  }
0x277: {  	p1 =	sne.s32 s29, s16;
	v4 =	vsel vm2, v4, v5  }
.Ltmp7:
0x278: {  	s31 =	simm.s32 $0x1CF70;
	[tilespmem:$0x1CF70] =	vst v4;
	(pc) =	sbr.rel @p1 .LBB2_1-.Ltmp7, $4  }
0x279: {  	[hbm4b:s15+s5] =	stream.linear.scatter [tilespmem:s31], [sflag:$0x4], $0x80, $0x38;
	[tilespmem:$0x1CFF0] =	vst v63  }
0x27a: {  	_ =	swait.ge [sflag:s23], $0x80  }
0x27b: {  	[sflag:s23] =	ssyncset.done $0x0  }
0x27c: {  	[sflag:s23] =	ssyncadd.s32 $0xFFFFFF80  }
0x27d: {  	_ =	sfence.sel $0x180000  }
0x27e: {  	[bflag:$0x0] =	sbarrier.arrive $0xFFFF  }
0x27f: {  	_ =	strace $0x90000047  }
0x280: {  	[bflag:$0x2] =	sbarrier.arrive $0xFFFF  }
0x281: {  	s0 =	rddreg [dreg:$0x5]  }
0x282: {  	s0 =	sadd.s32 @!p0 $0x100000, s0  }
0x283: {  	[sflag:s0] =	ssyncadd.tile.s32 @!p0 $0x1;
	_ =	shalt  }
.Lfunc_end2:
_tile_overlayer_lowered:
.L_overlay_start_2:
0x284: {  	(tag) =	ssettag $0x2  }
0x285: {  	s0 =	rddreg [dreg:$0x0];
	s2 =	stileid.u32  }
0x286: {  	s1 =	rddreg [dreg:$0x1];
	p0 =	sne.s32 s2, $0x0  }
0x287: {  	s3 =	rddreg [dreg:$0x2];
	[bflag:$0x3] =	sbarrier.arrive $0xFFFF;
	s2 =	simm.s32 @!p0 $0x1C04  }
0x288: {  	[timem:s3], [sflag:s2] =	dma.local @!p0 [hbm:s0], s1  }
0x289: {  	s0 =	simm.s32 @!p0 $0x4  }
0x28a: {  	_ =	swait.ge @!p0 [sflag:s0], s1  }
0x28b: {  	s1 =	ssub.s32 @!p0 $0x0, s1;
	[sflag:s0] =	ssyncset.done @!p0 $0x0  }
0x28c: {  	[sflag:s0] =	ssyncadd.s32 @!p0 s1  }
0x28d: {  	[bflag:$0x3] =	sbarrier.arrive $0xFFFF  }
0x28e: {  	_ =	shalt  }

</sc_bundles>
